<compile_context>
chip_gen: v7x
topology: tpu7x:2x2x1
jax: 0.10.2.dev20260603
libtpu: 0.0.44.dev20260713+nightly
codegen_flags: <defaults>
</compile_context>

<pallas_src>
import jax
import jax.numpy as jnp
from jax import lax
from jax.experimental import pallas as pl
from jax.experimental.pallas import tpu as pltpu
from jax.experimental.pallas import tpu_sc as plsc

N_N = 10000
N_P = 10240
E_E = 160000
C = 128
H = 8
V = 16
A = 64
R = 64

NC = 2
NS = 16
NW = NC * NS
LANES = 16

CK = 128
TOT_CHUNKS = E_E // CK
RR_ITERS = (TOT_CHUNKS + NW - 1) // NW
CK5 = 64
TOT5 = E_E // CK5
RR5 = (TOT5 + NW - 1) // NW

_SC_MESH = dict(core_axis_name="c", subcore_axis_name="s")


def _tables_body(an_ref, x0_ref, asrc_ref, adst_ref, u_ref, w_ref):
    an = an_ref[...]
    iot = lax.broadcasted_iota(jnp.int32, (1, 128), 1)
    onehot = (an == iot).astype(jnp.float32)
    tsrc = jnp.dot(onehot, asrc_ref[...], preferred_element_type=jnp.float32)
    tdst = jnp.dot(onehot, adst_ref[...], preferred_element_type=jnp.float32)
    x0 = x0_ref[...]
    u_ref[...] = jnp.concatenate([tsrc, x0], axis=1)
    w_ref[...] = jnp.concatenate([tdst, x0], axis=1)


def _build_tables(an2, x0, asrc_pad, adst_pad):
    bn = 1024
    return pl.pallas_call(
        _tables_body,
        grid=(N_P // bn,),
        in_specs=[
            pl.BlockSpec((bn, 1), lambda i: (i, 0)),
            pl.BlockSpec((bn, C), lambda i: (i, 0)),
            pl.BlockSpec((128, C), lambda i: (0, 0)),
            pl.BlockSpec((128, C), lambda i: (0, 0)),
        ],
        out_specs=[
            pl.BlockSpec((bn, 2 * C), lambda i: (i, 0)),
            pl.BlockSpec((bn, 2 * C), lambda i: (i, 0)),
        ],
        out_shape=[
            jax.ShapeDtypeStruct((N_P, 2 * C), jnp.float32),
            jax.ShapeDtypeStruct((N_P, 2 * C), jnp.float32),
        ],
    )(an2, x0, asrc_pad, adst_pad)


def _edge_gather_body(u_hbm, w_hbm, src_hbm, dst_hbm, out_hbm,
                      sidx, didx, rows_u, rows_w, sem1, sem2):
    wid = lax.axis_index("s") * NC + lax.axis_index("c")

    def chunk(t, _):
        cidx = wid + NW * t

        @pl.when(cidx < TOT_CHUNKS)
        def _():
            off = cidx * CK
            pltpu.sync_copy(src_hbm.at[pl.ds(off, CK)], sidx)
            pltpu.sync_copy(dst_hbm.at[pl.ds(off, CK)], didx)
            cu = pltpu.async_copy(u_hbm.at[sidx], rows_u, sem1)
            cw = pltpu.async_copy(w_hbm.at[didx], rows_w, sem2)
            cu.wait()
            cw.wait()

            def addrow(k, _):
                for cc in range(2 * C // LANES):
                    sl = pl.ds(cc * LANES, LANES)
                    rows_u[k, sl] = rows_u[k, sl] + rows_w[k, sl]
                return 0

            lax.fori_loop(0, CK, addrow, 0)
            pltpu.sync_copy(rows_u, out_hbm.at[pl.ds(off, CK)])

        return 0

    lax.fori_loop(0, RR_ITERS, chunk, 0)


def _edge_gather(u_tab, w_tab, src, dst):
    f = pl.kernel(
        _edge_gather_body,
        out_type=jax.ShapeDtypeStruct((E_E, 2 * C), jnp.float32),
        mesh=plsc.VectorSubcoreMesh(**_SC_MESH),
        scratch_types=[
            pltpu.VMEM((CK,), jnp.int32),
            pltpu.VMEM((CK,), jnp.int32),
            pltpu.VMEM((CK, 2 * C), jnp.float32),
            pltpu.VMEM((CK, 2 * C), jnp.float32),
            pltpu.SemaphoreType.DMA,
            pltpu.SemaphoreType.DMA,
        ],
    )
    return f(u_tab, w_tab, src, dst)


def _edge_math_body(embcat_ref, ed_ref, wr1_ref, wr2_ref, wa1s_ref, wa1r_ref,
                    avflat_ref, sel_ref, wg_ref, wo_ref, exw_ref, gw_ref):
    embcat = embcat_ref[...]
    emb = embcat[:, :C] + ed_ref[...]
    scalar = embcat[:, C:]
    rad = jax.nn.silu(jnp.dot(emb, wr1_ref[...],
                              preferred_element_type=jnp.float32))
    rad = jax.nn.silu(jnp.dot(rad, wr2_ref[...],
                              preferred_element_type=jnp.float32))
    a = jax.nn.silu(
        jnp.dot(scalar, wa1s_ref[...], preferred_element_type=jnp.float32)
        + jnp.dot(rad, wa1r_ref[...], preferred_element_type=jnp.float32))
    aw = a * avflat_ref[...]
    logits128 = jnp.dot(aw, sel_ref[...], preferred_element_type=jnp.float32)
    exw_ref[...] = jnp.exp(logits128)
    gate = jax.nn.sigmoid(jnp.dot(rad, wg_ref[...],
                                  preferred_element_type=jnp.float32))
    gw_ref[...] = gate * wo_ref[...]


def _edge_math(embcat, edge_distance, wr1, wr2, wa1s, wa1r, avflat, sel, wg,
               wo_row):
    be = 2000
    return pl.pallas_call(
        _edge_math_body,
        grid=(E_E // be,),
        in_specs=[
            pl.BlockSpec((be, 2 * C), lambda i: (i, 0)),
            pl.BlockSpec((be, C), lambda i: (i, 0)),
            pl.BlockSpec((C, R), lambda i: (0, 0)),
            pl.BlockSpec((R, R), lambda i: (0, 0)),
            pl.BlockSpec((C, H * A), lambda i: (0, 0)),
            pl.BlockSpec((R, H * A), lambda i: (0, 0)),
            pl.BlockSpec((1, H * A), lambda i: (0, 0)),
            pl.BlockSpec((H * A, C), lambda i: (0, 0)),
            pl.BlockSpec((R, H * V), lambda i: (0, 0)),
            pl.BlockSpec((1, H * V), lambda i: (0, 0)),
        ],
        out_specs=[
            pl.BlockSpec((be, C), lambda i: (i, 0)),
            pl.BlockSpec((be, H * V), lambda i: (i, 0)),
        ],
        out_shape=[
            jax.ShapeDtypeStruct((E_E, C), jnp.float32),
            jax.ShapeDtypeStruct((E_E, H * V), jnp.float32),
        ],
    )(embcat, edge_distance, wr1, wr2, wa1s, wa1r, avflat, sel, wg, wo_row)


def _den_body(zeros_hbm, exw_hbm, dst_hbm, denp_hbm, idxb, rowsb, dshared,
              rsem):
    cid = lax.axis_index("c")
    sid = lax.axis_index("s")
    wid = sid * NC + cid

    @pl.when(sid == 0)
    def _():
        pltpu.sync_copy(zeros_hbm, dshared)

    plsc.subcore_barrier()

    def chunk(t, _):
        cidx = wid + NW * t

        @pl.when(cidx < TOT_CHUNKS)
        def _():
            off = cidx * CK
            cr = pltpu.async_copy(exw_hbm.at[pl.ds(off, CK)], rowsb, rsem)
            pltpu.sync_copy(dst_hbm.at[pl.ds(off, CK)], idxb.at[0])
            cr.wait()
            pltpu.sync_copy(rowsb, dshared.at[idxb.at[0]], add=True)

        return 0

    lax.fori_loop(0, RR_ITERS, chunk, 0)
    plsc.subcore_barrier()

    @pl.when(sid == 0)
    def _():
        pltpu.sync_copy(dshared, denp_hbm.at[cid])


def _den_scatter(zerosc, exw, dst):
    f = pl.kernel(
        _den_body,
        out_type=jax.ShapeDtypeStruct((NC, N_P, C), jnp.float32),
        mesh=plsc.VectorSubcoreMesh(**_SC_MESH),
        scratch_types=[
            pltpu.VMEM((1, CK), jnp.int32),
            pltpu.VMEM((CK, C), jnp.float32),
            pltpu.VMEM_SHARED((N_P, C), jnp.float32),
            pltpu.SemaphoreType.DMA,
        ],
    )
    return f(zerosc, exw, dst)


def _denc_body(denp_ref, den_ref):
    den_ref[...] = denp_ref[0] + denp_ref[1]


def _den_combine(denp):
    bn = 1024
    return pl.pallas_call(
        _denc_body,
        grid=(N_P // bn,),
        in_specs=[pl.BlockSpec((NC, bn, C), lambda i: (0, i, 0))],
        out_specs=pl.BlockSpec((bn, C), lambda i: (i, 0)),
        out_shape=jax.ShapeDtypeStruct((N_P, C), jnp.float32),
    )(denp)


def _deng_body(den_hbm, dst_hbm, deng_hbm, idxb, rows128, rowsb, sem):
    wid = lax.axis_index("s") * NC + lax.axis_index("c")

    def gchunk(t, _):
        cidx = wid + NW * t

        @pl.when(cidx < TOT_CHUNKS)
        def _():
            off = cidx * CK
            pltpu.sync_copy(dst_hbm.at[pl.ds(off, CK)], idxb)
            pltpu.async_copy(den_hbm.at[idxb], rows128, sem).wait()

            def narrow(k, _):
                rowsb[k, :] = rows128[k, pl.ds(0, LANES)]
                return 0

            lax.fori_loop(0, CK, narrow, 0)
            pltpu.sync_copy(rowsb, deng_hbm.at[pl.ds(off, CK)])

        return 0

    lax.fori_loop(0, RR_ITERS, gchunk, 0)


def _den_gather(den, dst):
    f = pl.kernel(
        _deng_body,
        out_type=jax.ShapeDtypeStruct((E_E, 16), jnp.float32),
        mesh=plsc.VectorSubcoreMesh(**_SC_MESH),
        scratch_types=[
            pltpu.VMEM((CK,), jnp.int32),
            pltpu.VMEM((CK, C), jnp.float32),
            pltpu.VMEM((CK, 16), jnp.float32),
            pltpu.SemaphoreType.DMA,
        ],
    )
    return f(den, dst)


def _u_body(exw_ref, deng_ref, gw_ref, rep_ref, wvt_ref, u_ref):
    ex = exw_ref[...][:, :H]
    den = deng_ref[...][:, :H]
    alpha = ex / (den + 1e-9)
    alpha_rep = jnp.dot(alpha, rep_ref[...], preferred_element_type=jnp.float32)
    u_ref[...] = jnp.dot(alpha_rep * gw_ref[...], wvt_ref[...],
                         preferred_element_type=jnp.float32)


def _u_project(exw, deng, gw, rep, wvt):
    be = 2000
    return pl.pallas_call(
        _u_body,
        grid=(E_E // be,),
        in_specs=[
            pl.BlockSpec((be, C), lambda i: (i, 0)),
            pl.BlockSpec((be, 16), lambda i: (i, 0)),
            pl.BlockSpec((be, H * V), lambda i: (i, 0)),
            pl.BlockSpec((H, H * V), lambda i: (0, 0)),
            pl.BlockSpec((H * V, C), lambda i: (0, 0)),
        ],
        out_specs=pl.BlockSpec((be, C), lambda i: (i, 0)),
        out_shape=jax.ShapeDtypeStruct((E_E, C), jnp.float32),
    )(exw, deng, gw, rep, wvt)


def _src_body(zeros_hbm, x134_hbm, u_hbm, src_hbm, dst_hbm, fsrc_hbm,
              sidx, didx, xsb, ub, cb, fshared, sem):
    cid = lax.axis_index("c")
    sid = lax.axis_index("s")
    wid = sid * NC + cid

    @pl.when(sid == 0)
    def _():
        pltpu.sync_copy(zeros_hbm, fshared)

    def zrow_c(j, _):
        for cc in range(C // LANES):
            cb[j, pl.ds(cc * LANES, LANES)] = jnp.zeros((LANES,), jnp.float32)
        return 0

    lax.fori_loop(0, CK5, zrow_c, 0)
    plsc.subcore_barrier()

    def chunk(t, _):
        cidx = wid + NW * t

        @pl.when(cidx < TOT5)
        def _():
            off = cidx * CK5
            pltpu.sync_copy(src_hbm.at[pl.ds(off, CK5)], sidx)
            pltpu.sync_copy(dst_hbm.at[pl.ds(off, CK5)], didx.at[0])
            cx = pltpu.async_copy(x134_hbm.at[sidx], xsb, sem)
            pltpu.sync_copy(u_hbm.at[pl.ds(off, CK5)], ub)
            cx.wait()

            def edge_dot(k, _):
                z = jnp.zeros((LANES,), jnp.float32)
                a0, a1, a2 = z, z, z
                for j in range(C // LANES):
                    sl = pl.ds(j * LANES, LANES)
                    uv = ub[k, sl]
                    a0 = a0 + xsb[k, pl.ds(j * LANES, LANES)] * uv
                    a1 = a1 + xsb[k, pl.ds(C + j * LANES, LANES)] * uv
                    a2 = a2 + xsb[k, pl.ds(2 * C + j * LANES, LANES)] * uv
                cb[k, pl.ds(0, LANES)] = a0
                cb[k, pl.ds(LANES, LANES)] = a1
                cb[k, pl.ds(2 * LANES, LANES)] = a2
                return 0

            lax.fori_loop(0, CK5, edge_dot, 0)
            pltpu.sync_copy(cb, fshared.at[didx.at[0]], add=True)

        return 0

    lax.fori_loop(0, RR5, chunk, 0)
    plsc.subcore_barrier()

    @pl.when(sid == 0)
    def _():
        pltpu.sync_copy(fshared, fsrc_hbm.at[cid])


def _src_dots(zerosc, x134, u, src, dst):
    f = pl.kernel(
        _src_body,
        out_type=jax.ShapeDtypeStruct((NC, N_P, C), jnp.float32),
        mesh=plsc.VectorSubcoreMesh(**_SC_MESH),
        scratch_types=[
            pltpu.VMEM((CK5,), jnp.int32),
            pltpu.VMEM((1, CK5), jnp.int32),
            pltpu.VMEM((CK5, 3 * C), jnp.float32),
            pltpu.VMEM((CK5, C), jnp.float32),
            pltpu.VMEM((CK5, C), jnp.float32),
            pltpu.VMEM_SHARED((N_P, C), jnp.float32),
            pltpu.SemaphoreType.DMA,
        ],
    )
    return f(zerosc, x134, u, src, dst)


def _usum_body(zeros_hbm, u_hbm, dst_hbm, ssum_hbm, didx, ub, sshared, rsem):
    cid = lax.axis_index("c")
    sid = lax.axis_index("s")
    wid = sid * NC + cid

    @pl.when(sid == 0)
    def _():
        pltpu.sync_copy(zeros_hbm, sshared)

    plsc.subcore_barrier()

    def chunk(t, _):
        cidx = wid + NW * t

        @pl.when(cidx < TOT_CHUNKS)
        def _():
            off = cidx * CK
            cr = pltpu.async_copy(u_hbm.at[pl.ds(off, CK)], ub, rsem)
            pltpu.sync_copy(dst_hbm.at[pl.ds(off, CK)], didx.at[0])
            cr.wait()
            pltpu.sync_copy(ub, sshared.at[didx.at[0]], add=True)

        return 0

    lax.fori_loop(0, RR_ITERS, chunk, 0)
    plsc.subcore_barrier()

    @pl.when(sid == 0)
    def _():
        pltpu.sync_copy(sshared, ssum_hbm.at[cid])


def _u_scatter(zerosc, u, dst):
    f = pl.kernel(
        _usum_body,
        out_type=jax.ShapeDtypeStruct((NC, N_P, C), jnp.float32),
        mesh=plsc.VectorSubcoreMesh(**_SC_MESH),
        scratch_types=[
            pltpu.VMEM((1, CK), jnp.int32),
            pltpu.VMEM((CK, C), jnp.float32),
            pltpu.VMEM_SHARED((N_P, C), jnp.float32),
            pltpu.SemaphoreType.DMA,
        ],
    )
    return f(zerosc, u, dst)


def _final_body(fsrc_ref, s_ref, x134_ref, out_ref):
    s = s_ref[0] + s_ref[1]
    f128 = fsrc_ref[0] + fsrc_ref[1]
    bn = f128.shape[0]
    iot = lax.broadcasted_iota(jnp.int32, (bn, 16), 1)
    acc = jnp.zeros((bn, 16), jnp.float32)
    for l in range(3):
        d = jnp.sum(x134_ref[...][:, l * C:(l + 1) * C] * s, axis=1,
                    keepdims=True)
        d = d + jnp.sum(f128[:, l * 16:(l + 1) * 16], axis=1, keepdims=True)
        acc = acc + jnp.where(iot == l, d, 0.0)
    out_ref[...] = acc


def _finalize(fsrc, ssum, x134):
    bn = 1024
    return pl.pallas_call(
        _final_body,
        grid=(N_P // bn,),
        in_specs=[
            pl.BlockSpec((NC, bn, C), lambda i: (0, i, 0)),
            pl.BlockSpec((NC, bn, C), lambda i: (0, i, 0)),
            pl.BlockSpec((bn, 3 * C), lambda i: (i, 0)),
        ],
        out_specs=pl.BlockSpec((bn, 16), lambda i: (i, 0)),
        out_shape=jax.ShapeDtypeStruct((N_P, 16), jnp.float32),
    )(fsrc, ssum, x134)


@jax.jit
def _run(x, atomic_numbers, edge_distance, edge_index, node_offset, p):
    src = edge_index[0].astype(jnp.int32)
    dst = (edge_index[1] - node_offset).astype(jnp.int32)

    an2 = jnp.full((N_P, 1), 127, jnp.int32).at[:N_N, 0].set(
        atomic_numbers.astype(jnp.int32))
    x0 = jnp.zeros((N_P, C), jnp.float32).at[:N_N].set(x[:, 0, :])
    x134 = jnp.zeros((N_P, 3 * C), jnp.float32).at[:N_N].set(
        x[:, 1:4, :].reshape(N_N, 3 * C))
    asrc_pad = jnp.zeros((128, C), jnp.float32).at[:90].set(p["atom_src"])
    adst_pad = jnp.zeros((128, C), jnp.float32).at[:90].set(p["atom_dst"])
    zerosc = jnp.zeros((N_P, C), jnp.float32)

    avflat = p["alpha_vec"].reshape(1, H * A)
    k_i = jnp.arange(H * A)[:, None] // A
    sel = (k_i == jnp.arange(C)[None, :]).astype(jnp.float32)
    rep = (jnp.arange(H)[:, None] == (jnp.arange(H * V)[None, :] // V)
           ).astype(jnp.float32)
    wvt = p["Wv"].T
    wo_row = p["Wo"][:, 0].reshape(1, H * V)
    wa1s = p["Wa1"][:C]
    wa1r = p["Wa1"][C:]

    u_tab, w_tab = _build_tables(an2, x0, asrc_pad, adst_pad)
    embcat = _edge_gather(u_tab, w_tab, src, dst)
    exw, gw = _edge_math(embcat, edge_distance, p["W_rad1"], p["W_rad2"],
                         wa1s, wa1r, avflat, sel, p["Wg"], wo_row)
    denp = _den_scatter(zerosc, exw, dst)
    den = _den_combine(denp)
    deng = _den_gather(den, dst)
    u = _u_project(exw, deng, gw, rep, wvt)
    fsrc = _src_dots(zerosc, x134, u, src, dst)
    ssum = _u_scatter(zerosc, u, dst)
    out16 = _finalize(fsrc, ssum, x134)
    return out16[:N_N, :3]


def kernel(x, atomic_numbers, edge_distance, edge_index, node_offset,
           params_force, params_denoise):
    del params_denoise
    return _run(x, atomic_numbers, edge_distance, edge_index,
                jnp.asarray(node_offset, jnp.int32), params_force)

# --- scband reference (transcript-rebuilt; emitter-appended) ---
"""Pipeline reference for scband-equiformer-v2-force-head-denoising-43928925503854 (READ-ONLY COPY).

The authoritative reference and input builder live on the scoring server;
editing this copy changes nothing except your own understanding.
"""

import jax, jax.numpy as jnp
import numpy as np

N = 10000
E = 160000
C = 128
L_COEFF = 4
H = 8
V = 16
A = 64
R = 64
MAXZ = 90

def _make_params(key):
    ks = jax.random.split(key, 9)
    def init(k, shape, fan):
        return (jax.random.normal(k, shape, dtype=jnp.float32) / np.sqrt(fan)).astype(jnp.float32)
    return {
        "atom_src": init(ks[0], (MAXZ, C), C),
        "atom_dst": init(ks[1], (MAXZ, C), C),
        "W_rad1": init(ks[2], (C, R), C),
        "W_rad2": init(ks[3], (R, R), R),
        "Wa1": init(ks[4], (C + R, H * A), C + R),
        "alpha_vec": init(ks[5], (H, A), A),
        "Wv": init(ks[6], (C, H * V), C),
        "Wg": init(ks[7], (R, H * V), R),
        "Wo": init(ks[8], (H * V, 1), H * V),
    }

def setup_inputs(seed: int = 0):
    key = jax.random.key(seed)
    k1, k2, k3, k4, k5, k6 = jax.random.split(key, 6)
    x = jax.random.normal(k1, (N, L_COEFF, C), dtype=jnp.float32)
    atomic_numbers = jax.random.randint(k2, (N,), 0, MAXZ)
    edge_distance = jax.random.uniform(k3, (E, C), dtype=jnp.float32)
    edge_index = jax.random.randint(k4, (2, E), 0, N)
    params_force = _make_params(k5)
    params_denoise = _make_params(k6)
    return {
        "x": x,
        "atomic_numbers": atomic_numbers,
        "edge_distance": edge_distance,
        "edge_index": edge_index,
        "node_offset": 0,
        "params_force": params_force,
        "params_denoise": params_denoise,
    }

def _segment_softmax(logits, seg, num_segments):
    mx = jax.ops.segment_max(logits, seg, num_segments=num_segments)
    mx = jnp.where(jnp.isfinite(mx), mx, 0.0)
    ex = jnp.exp(logits - mx[seg])
    den = jax.ops.segment_sum(ex, seg, num_segments=num_segments)
    return ex / (den[seg] + 1e-9)

def _so2_graph_attention(x, atomic_numbers, edge_distance, edge_index, node_offset, p):
    src = edge_index[0]
    dst = edge_index[1]
    dst_local = dst - node_offset
    n_nodes = x.shape[0]
    x_src = x[src]
    x_dst = x[dst_local]
    edge_emb = edge_distance + p["atom_src"][atomic_numbers[src]] + p["atom_dst"][atomic_numbers[dst]]
    rad = jax.nn.silu(edge_emb @ p["W_rad1"])
    rad = jax.nn.silu(rad @ p["W_rad2"])
    msg = x_src + x_dst
    scalar = msg[:, 0, :]
    afeat = jnp.concatenate([scalar, rad], axis=-1)
    a = jax.nn.silu(afeat @ p["Wa1"]).reshape(-1, H, A)
    logits = jnp.einsum("eha,ha->eh", a, p["alpha_vec"])
    alpha = _segment_softmax(logits, dst_local, n_nodes)
    v = jnp.einsum("elc,cd->eld", msg, p["Wv"])
    gate = jax.nn.sigmoid(rad @ p["Wg"])
    v = v * gate[:, None, :]
    v = v.reshape(v.shape[0], L_COEFF, H, V)
    weighted = v * alpha[:, None, :, None]
    agg = jax.ops.segment_sum(weighted, dst_local, num_segments=n_nodes)
    out = agg.reshape(n_nodes, L_COEFF, H * V) @ p["Wo"]
    return out

def reference(x, atomic_numbers, edge_distance, edge_index, node_offset, params_force, params_denoise):
    out_f = _so2_graph_attention(x, atomic_numbers, edge_distance, edge_index, node_offset, params_force)
    forces = out_f[:, 1:4, 0].reshape(-1, 3)
    out_d = _so2_graph_attention(x, atomic_numbers, edge_distance, edge_index, node_offset, params_denoise)
    denoising_pos_vec = out_d[:, 1:4, 0].reshape(-1, 3)
    forces = 0.0 * denoising_pos_vec + forces
    return forces

if __name__ == "__main__":
    import jax
    _d = setup_inputs()
    print(jax.jit(kernel)(*tuple(_d.values())))

</pallas_src>

<mosaic_0001>
#map = affine_map<(d0, d1) -> (0, 0)>
#map1 = affine_map<(d0, d1) -> (0)>
#map2 = affine_map<(d0, d1) -> (0, 0, 0)>
module attributes {stable_mosaic.version = 14 : i64} {
  func.func @_den_body(%arg0: i32, %arg1: i32, %arg2: memref<10240x128xf32, #tpu.memory_space<hbm>>, %arg3: memref<160000x128xf32, #tpu.memory_space<hbm>>, %arg4: memref<160000xi32, #tpu.memory_space<hbm>>, %arg5: memref<2x10240x128xf32, #tpu.memory_space<hbm>>, %arg6: memref<1x128xi32, #tpu.memory_space<vmem>>, %arg7: memref<128x128xf32, #tpu.memory_space<vmem>>, %arg8: memref<10240x128xf32, #tpu.memory_space<vmem_shared>>, %arg9: memref<!tpu.dma_semaphore, #tpu.memory_space<semaphore_mem>>) attributes {dimension_semantics = [#tpu.dimension_semantics<core_parallel>, #tpu.dimension_semantics<subcore_parallel>], iteration_bounds = array<i64: 2, 16>, scalar_prefetch = 0 : i64, scratch_operands = 4 : i64, tpu.core_type = #tpu.core_type<sc_vector_subcore>, window_params = [{transform_indices = #map}, {transform_indices = #map}, {transform_indices = #map1}, {transform_indices = #map2}]} {
    %mul3A = arith.constant 2 : i32
    %mul3A_0 = arith.muli %arg1, %mul3A : i32
    %add3A = arith.addi %mul3A_0, %arg0 : i32
    %eq3A = arith.constant 0 : i32
    %eq3A_1 = arith.cmpi eq, %arg1, %eq3A : i32
    %convert_element_type3A = arith.extui %eq3A_1 : i1 to i32
    %cond3A = arith.constant 0 : i32
    %cond3A_2 = arith.cmpi ne, %convert_element_type3A, %cond3A : i32
    scf.if %cond3A_2 {
      "tpu.region"() ({
        %run_scoped3A = tpu.sem_alloc : memref<!tpu.dma_semaphore, #tpu.memory_space<semaphore_mem>>
        tpu.enqueue_dma source(%arg2 : memref<10240x128xf32, #tpu.memory_space<hbm>>) target(%arg8 : memref<10240x128xf32, #tpu.memory_space<vmem_shared>>) target_semaphore(%run_scoped3A : memref<!tpu.dma_semaphore, #tpu.memory_space<semaphore_mem>>)
        tpu.wait_dma2 semaphore(%run_scoped3A : memref<!tpu.dma_semaphore, #tpu.memory_space<semaphore_mem>>) src(%arg2 : memref<10240x128xf32, #tpu.memory_space<hbm>>) dst(%arg8 : memref<10240x128xf32, #tpu.memory_space<vmem_shared>>)
        tpu.yield
      }) : () -> ()
    } else {
    }
    %barrier3A = arith.constant 0 : index
    tpu.barrier barrier_id(%barrier3A)
    %scan3A = arith.constant 0 : i32
    %scan3A_3 = arith.constant 0 : i32
    %scan3A_4 = arith.constant 40 : i32
    %scan3A_5 = arith.addi %scan3A_3, %scan3A_4 : i32
    %scan3A_6 = arith.constant 1 : i32
    %scan3A_7 = scf.for %scan3A_15 = %scan3A_3 to %scan3A_5 step %scan3A_6 iter_args(%scan3A_16 = %scan3A) -> (i32)  : i32 {
      %mul3A_17 = arith.constant 32 : i32
      %mul3A_18 = arith.muli %mul3A_17, %scan3A_15 : i32
      %add3A_19 = arith.addi %add3A, %mul3A_18 : i32
      %lt3A = arith.constant 1250 : i32
      %lt3A_20 = arith.cmpi slt, %add3A_19, %lt3A : i32
      %convert_element_type3A_21 = arith.extui %lt3A_20 : i1 to i32
      %cond3A_22 = arith.constant 0 : i32
      %cond3A_23 = arith.cmpi ne, %convert_element_type3A_21, %cond3A_22 : i32
      scf.if %cond3A_23 {
        %mul3A_25 = arith.constant 128 : i32
        %mul3A_26 = arith.muli %add3A_19, %mul3A_25 : i32
        %dma_start3A = arith.constant 0 : i32
        %dma_start3A_27 = tpu.memref_slice %arg3[%mul3A_26, %dma_start3A] : memref<160000x128xf32, #tpu.memory_space<hbm>> -> memref<128x128xf32, #tpu.memory_space<hbm>>
        %dma_start3A_28 = arith.constant 0 : i32
        %dma_start3A_29 = tpu.memref_slice %arg3[%mul3A_26, %dma_start3A_28] : memref<160000x128xf32, #tpu.memory_space<hbm>> -> memref<128x128xf32, #tpu.memory_space<hbm>>
        tpu.enqueue_dma source(%dma_start3A_29 : memref<128x128xf32, #tpu.memory_space<hbm>>) target(%arg7 : memref<128x128xf32, #tpu.memory_space<vmem>>) target_semaphore(%arg9 : memref<!tpu.dma_semaphore, #tpu.memory_space<semaphore_mem>>)
        %run_scoped3A = arith.constant 0 : i32
        "tpu.region"() ({
          %run_scoped3A_34 = tpu.sem_alloc : memref<!tpu.dma_semaphore, #tpu.memory_space<semaphore_mem>>
          %dma_start3A_35 = arith.constant 0 : i32
          %dma_start3A_36 = tpu.memref_slice %arg6[%run_scoped3A, %dma_start3A_35] : memref<1x128xi32, #tpu.memory_space<vmem>> -> memref<1x128xi32, #tpu.memory_space<vmem>>
          %dma_start3A_37 = tpu.memref_squeeze %dma_start3A_36 : memref<1x128xi32, #tpu.memory_space<vmem>> -> memref<128xi32, #tpu.memory_space<vmem>>
          %dma_start3A_38 = tpu.memref_slice %arg4[%mul3A_26] : memref<160000xi32, #tpu.memory_space<hbm>> -> memref<128xi32, #tpu.memory_space<hbm>>
          %dma_start3A_39 = arith.constant 0 : i32
          %dma_start3A_40 = tpu.memref_slice %arg6[%run_scoped3A, %dma_start3A_39] : memref<1x128xi32, #tpu.memory_space<vmem>> -> memref<1x128xi32, #tpu.memory_space<vmem>>
          %dma_start3A_41 = tpu.memref_squeeze %dma_start3A_40 : memref<1x128xi32, #tpu.memory_space<vmem>> -> memref<128xi32, #tpu.memory_space<vmem>>
          %dma_start3A_42 = tpu.memref_slice %arg4[%mul3A_26] : memref<160000xi32, #tpu.memory_space<hbm>> -> memref<128xi32, #tpu.memory_space<hbm>>
          tpu.enqueue_dma source(%dma_start3A_42 : memref<128xi32, #tpu.memory_space<hbm>>) target(%dma_start3A_41 : memref<128xi32, #tpu.memory_space<vmem>>) target_semaphore(%run_scoped3A_34 : memref<!tpu.dma_semaphore, #tpu.memory_space<semaphore_mem>>)
          %dma_wait3A_43 = arith.constant 0 : i32
          %dma_wait3A_44 = tpu.memref_slice %arg6[%run_scoped3A, %dma_wait3A_43] : memref<1x128xi32, #tpu.memory_space<vmem>> -> memref<1x128xi32, #tpu.memory_space<vmem>>
          %dma_wait3A_45 = tpu.memref_squeeze %dma_wait3A_44 : memref<1x128xi32, #tpu.memory_space<vmem>> -> memref<128xi32, #tpu.memory_space<vmem>>
          %dma_wait3A_46 = tpu.memref_slice %arg4[%mul3A_26] : memref<160000xi32, #tpu.memory_space<hbm>> -> memref<128xi32, #tpu.memory_space<hbm>>
          %dma_wait3A_47 = arith.constant 0 : i32
          %dma_wait3A_48 = tpu.memref_slice %arg6[%run_scoped3A, %dma_wait3A_47] : memref<1x128xi32, #tpu.memory_space<vmem>> -> memref<1x128xi32, #tpu.memory_space<vmem>>
          %dma_wait3A_49 = tpu.memref_squeeze %dma_wait3A_48 : memref<1x128xi32, #tpu.memory_space<vmem>> -> memref<128xi32, #tpu.memory_space<vmem>>
          %dma_wait3A_50 = tpu.memref_slice %arg4[%mul3A_26] : memref<160000xi32, #tpu.memory_space<hbm>> -> memref<128xi32, #tpu.memory_space<hbm>>
          tpu.wait_dma2 semaphore(%run_scoped3A_34 : memref<!tpu.dma_semaphore, #tpu.memory_space<semaphore_mem>>) src(%dma_wait3A_50 : memref<128xi32, #tpu.memory_space<hbm>>) dst(%dma_wait3A_49 : memref<128xi32, #tpu.memory_space<vmem>>)
          tpu.yield
        }) : () -> ()
        %dma_wait3A = arith.constant 0 : i32
        %dma_wait3A_30 = tpu.memref_slice %arg3[%mul3A_26, %dma_wait3A] : memref<160000x128xf32, #tpu.memory_space<hbm>> -> memref<128x128xf32, #tpu.memory_space<hbm>>
        %dma_wait3A_31 = arith.constant 0 : i32
        %dma_wait3A_32 = tpu.memref_slice %arg3[%mul3A_26, %dma_wait3A_31] : memref<160000x128xf32, #tpu.memory_space<hbm>> -> memref<128x128xf32, #tpu.memory_space<hbm>>
        tpu.wait_dma2 semaphore(%arg9 : memref<!tpu.dma_semaphore, #tpu.memory_space<semaphore_mem>>) src(%dma_wait3A_32 : memref<128x128xf32, #tpu.memory_space<hbm>>) dst(%arg7 : memref<128x128xf32, #tpu.memory_space<vmem>>)
        %run_scoped3A_33 = arith.constant 0 : i32
        "tpu.region"() ({
          %run_scoped3A_34 = tpu.sem_alloc : memref<!tpu.dma_semaphore, #tpu.memory_space<semaphore_mem>>
          %dma_start3A_35 = arith.constant 0 : i32
          %dma_start3A_36 = tpu.memref_slice %arg6[%run_scoped3A_33, %dma_start3A_35] : memref<1x128xi32, #tpu.memory_space<vmem>> -> memref<1x128xi32, #tpu.memory_space<vmem>>
          %dma_start3A_37 = tpu.memref_squeeze %dma_start3A_36 : memref<1x128xi32, #tpu.memory_space<vmem>> -> memref<128xi32, #tpu.memory_space<vmem>>
          %dma_start3A_38 = arith.constant 0 : i32
          %dma_start3A_39 = arith.constant 0 : i32
          %dma_start3A_40 = tpu.memref_slice %arg8[%dma_start3A_38, %dma_start3A_39] : memref<10240x128xf32, #tpu.memory_space<vmem_shared>> -> memref<10240x128xf32, #tpu.memory_space<vmem_shared>>
          tpu.enqueue_indirect_dma source(%arg7 : memref<128x128xf32, #tpu.memory_space<vmem>>) target(%dma_start3A_40 : memref<10240x128xf32, #tpu.memory_space<vmem_shared>>) offsets(%dma_start3A_37 : memref<128xi32, #tpu.memory_space<vmem>>) semaphore(%run_scoped3A_34 : memref<!tpu.dma_semaphore, #tpu.memory_space<semaphore_mem>>) {add = true}
          %dma_wait3A_41 = arith.constant 0 : i32
          %dma_wait3A_42 = tpu.memref_slice %arg6[%run_scoped3A_33, %dma_wait3A_41] : memref<1x128xi32, #tpu.memory_space<vmem>> -> memref<1x128xi32, #tpu.memory_space<vmem>>
          %dma_wait3A_43 = tpu.memref_squeeze %dma_wait3A_42 : memref<1x128xi32, #tpu.memory_space<vmem>> -> memref<128xi32, #tpu.memory_space<vmem>>
          %dma_wait3A_44 = arith.constant 0 : i32
          %dma_wait3A_45 = arith.constant 0 : i32
          %dma_wait3A_46 = tpu.memref_slice %arg8[%dma_wait3A_44, %dma_wait3A_45] : memref<10240x128xf32, #tpu.memory_space<vmem_shared>> -> memref<10240x128xf32, #tpu.memory_space<vmem_shared>>
          tpu.wait_indirect_dma semaphore(%run_scoped3A_34 : memref<!tpu.dma_semaphore, #tpu.memory_space<semaphore_mem>>) src(%arg7 : memref<128x128xf32, #tpu.memory_space<vmem>>) dst(%dma_wait3A_46 : memref<10240x128xf32, #tpu.memory_space<vmem_shared>>)
          tpu.yield
        }) : () -> ()
      } else {
      }
      %scan3A_24 = arith.constant 0 : i32
      scf.yield %scan3A_24 : i32
    }
    %scan3A_8 = arith.constant 40 : i32
    %barrier3A_9 = arith.constant 0 : index
    tpu.barrier barrier_id(%barrier3A_9)
    %eq3A_10 = arith.constant 0 : i32
    %eq3A_11 = arith.cmpi eq, %arg1, %eq3A_10 : i32
    %convert_element_type3A_12 = arith.extui %eq3A_11 : i1 to i32
    %cond3A_13 = arith.constant 0 : i32
    %cond3A_14 = arith.cmpi ne, %convert_element_type3A_12, %cond3A_13 : i32
    scf.if %cond3A_14 {
      "tpu.region"() ({
        %run_scoped3A = tpu.sem_alloc : memref<!tpu.dma_semaphore, #tpu.memory_space<semaphore_mem>>
        %dma_start3A = arith.constant 0 : i32
        %dma_start3A_15 = arith.constant 0 : i32
        %dma_start3A_16 = tpu.memref_slice %arg5[%arg0, %dma_start3A, %dma_start3A_15] : memref<2x10240x128xf32, #tpu.memory_space<hbm>> -> memref<1x10240x128xf32, #tpu.memory_space<hbm>>
        %dma_start3A_17 = tpu.memref_squeeze %dma_start3A_16 : memref<1x10240x128xf32, #tpu.memory_space<hbm>> -> memref<10240x128xf32, #tpu.memory_space<hbm>>
        tpu.enqueue_dma source(%arg8 : memref<10240x128xf32, #tpu.memory_space<vmem_shared>>) target(%dma_start3A_17 : memref<10240x128xf32, #tpu.memory_space<hbm>>) target_semaphore(%run_scoped3A : memref<!tpu.dma_semaphore, #tpu.memory_space<semaphore_mem>>)
        %dma_wait3A = arith.constant 0 : i32
        %dma_wait3A_18 = arith.constant 0 : i32
        %dma_wait3A_19 = tpu.memref_slice %arg5[%arg0, %dma_wait3A, %dma_wait3A_18] : memref<2x10240x128xf32, #tpu.memory_space<hbm>> -> memref<1x10240x128xf32, #tpu.memory_space<hbm>>
        %dma_wait3A_20 = tpu.memref_squeeze %dma_wait3A_19 : memref<1x10240x128xf32, #tpu.memory_space<hbm>> -> memref<10240x128xf32, #tpu.memory_space<hbm>>
        tpu.wait_dma2 semaphore(%run_scoped3A : memref<!tpu.dma_semaphore, #tpu.memory_space<semaphore_mem>>) src(%arg8 : memref<10240x128xf32, #tpu.memory_space<vmem_shared>>) dst(%dma_wait3A_20 : memref<10240x128xf32, #tpu.memory_space<hbm>>)
        tpu.yield
      }) : () -> ()
    } else {
    }
    return
  }
}

#map = affine_map<(d0, d1) -> (0, 0)>
#map1 = affine_map<(d0, d1) -> (0)>
module attributes {stable_mosaic.version = 14 : i64} {
  func.func @_deng_body(%arg0: i32, %arg1: i32, %arg2: memref<10240x128xf32, #tpu.memory_space<hbm>>, %arg3: memref<160000xi32, #tpu.memory_space<hbm>>, %arg4: memref<160000x16xf32, #tpu.memory_space<hbm>>, %arg5: memref<128xi32, #tpu.memory_space<vmem>>, %arg6: memref<128x128xf32, #tpu.memory_space<vmem>>, %arg7: memref<128x16xf32, #tpu.memory_space<vmem>>, %arg8: memref<!tpu.dma_semaphore, #tpu.memory_space<semaphore_mem>>) attributes {dimension_semantics = [#tpu.dimension_semantics<core_parallel>, #tpu.dimension_semantics<subcore_parallel>], iteration_bounds = array<i64: 2, 16>, scalar_prefetch = 0 : i64, scratch_operands = 4 : i64, tpu.core_type = #tpu.core_type<sc_vector_subcore>, window_params = [{transform_indices = #map}, {transform_indices = #map1}, {transform_indices = #map}]} {
    %mul3A = arith.constant 2 : i32
    %mul3A_0 = arith.muli %arg1, %mul3A : i32
    %add3A = arith.addi %mul3A_0, %arg0 : i32
    %scan3A = arith.constant 0 : i32
    %scan3A_1 = arith.constant 0 : i32
    %scan3A_2 = arith.constant 40 : i32
    %scan3A_3 = arith.addi %scan3A_1, %scan3A_2 : i32
    %scan3A_4 = arith.constant 1 : i32
    %scan3A_5 = scf.for %scan3A_7 = %scan3A_1 to %scan3A_3 step %scan3A_4 iter_args(%scan3A_8 = %scan3A) -> (i32)  : i32 {
      %mul3A_9 = arith.constant 32 : i32
      %mul3A_10 = arith.muli %mul3A_9, %scan3A_7 : i32
      %add3A_11 = arith.addi %add3A, %mul3A_10 : i32
      %lt3A = arith.constant 1250 : i32
      %lt3A_12 = arith.cmpi slt, %add3A_11, %lt3A : i32
      %convert_element_type3A = arith.extui %lt3A_12 : i1 to i32
      %cond3A = arith.constant 0 : i32
      %cond3A_13 = arith.cmpi ne, %convert_element_type3A, %cond3A : i32
      scf.if %cond3A_13 {
        %mul3A_15 = arith.constant 128 : i32
        %mul3A_16 = arith.muli %add3A_11, %mul3A_15 : i32
        "tpu.region"() ({
          %run_scoped3A = tpu.sem_alloc : memref<!tpu.dma_semaphore, #tpu.memory_space<semaphore_mem>>
          %dma_start3A_28 = tpu.memref_slice %arg3[%mul3A_16] : memref<160000xi32, #tpu.memory_space<hbm>> -> memref<128xi32, #tpu.memory_space<hbm>>
          %dma_start3A_29 = tpu.memref_slice %arg3[%mul3A_16] : memref<160000xi32, #tpu.memory_space<hbm>> -> memref<128xi32, #tpu.memory_space<hbm>>
          tpu.enqueue_dma source(%dma_start3A_29 : memref<128xi32, #tpu.memory_space<hbm>>) target(%arg5 : memref<128xi32, #tpu.memory_space<vmem>>) target_semaphore(%run_scoped3A : memref<!tpu.dma_semaphore, #tpu.memory_space<semaphore_mem>>)
          %dma_wait3A_30 = tpu.memref_slice %arg3[%mul3A_16] : memref<160000xi32, #tpu.memory_space<hbm>> -> memref<128xi32, #tpu.memory_space<hbm>>
          %dma_wait3A_31 = tpu.memref_slice %arg3[%mul3A_16] : memref<160000xi32, #tpu.memory_space<hbm>> -> memref<128xi32, #tpu.memory_space<hbm>>
          tpu.wait_dma2 semaphore(%run_scoped3A : memref<!tpu.dma_semaphore, #tpu.memory_space<semaphore_mem>>) src(%dma_wait3A_31 : memref<128xi32, #tpu.memory_space<hbm>>) dst(%arg5 : memref<128xi32, #tpu.memory_space<vmem>>)
          tpu.yield
        }) : () -> ()
        %dma_start3A = arith.constant 0 : i32
        %dma_start3A_17 = arith.constant 0 : i32
        %dma_start3A_18 = tpu.memref_slice %arg2[%dma_start3A, %dma_start3A_17] : memref<10240x128xf32, #tpu.memory_space<hbm>> -> memref<10240x128xf32, #tpu.memory_space<hbm>>
        tpu.enqueue_indirect_dma source(%dma_start3A_18 : memref<10240x128xf32, #tpu.memory_space<hbm>>) target(%arg6 : memref<128x128xf32, #tpu.memory_space<vmem>>) offsets(%arg5 : memref<128xi32, #tpu.memory_space<vmem>>) semaphore(%arg8 : memref<!tpu.dma_semaphore, #tpu.memory_space<semaphore_mem>>)
        %dma_wait3A = arith.constant 0 : i32
        %dma_wait3A_19 = arith.constant 0 : i32
        %dma_wait3A_20 = tpu.memref_slice %arg2[%dma_wait3A, %dma_wait3A_19] : memref<10240x128xf32, #tpu.memory_space<hbm>> -> memref<10240x128xf32, #tpu.memory_space<hbm>>
        tpu.wait_indirect_dma semaphore(%arg8 : memref<!tpu.dma_semaphore, #tpu.memory_space<semaphore_mem>>) src(%dma_wait3A_20 : memref<10240x128xf32, #tpu.memory_space<hbm>>) dst(%arg6 : memref<128x128xf32, #tpu.memory_space<vmem>>)
        %scan3A_21 = arith.constant 0 : i32
        %scan3A_22 = arith.constant 0 : i32
        %scan3A_23 = arith.constant 128 : i32
        %scan3A_24 = arith.addi %scan3A_22, %scan3A_23 : i32
        %scan3A_25 = arith.constant 1 : i32
        %scan3A_26 = scf.for %scan3A_28 = %scan3A_22 to %scan3A_24 step %scan3A_25 iter_args(%scan3A_29 = %scan3A_21) -> (i32)  : i32 {
          %get3A = arith.index_cast %scan3A_28 : i32 to index
          %get3A_30 = arith.constant 0 : index
          %get3A_31 = tpu.vector_load %arg6[%get3A, %get3A_30] {strides = array<i32>} : memref<128x128xf32, #tpu.memory_space<vmem>>, vector<1x16xf32>,
          %get3A_32 = vector.shape_cast %get3A_31 : vector<1x16xf32> to vector<16xf32>
          %swap3A = arith.index_cast %scan3A_28 : i32 to index
          %swap3A_33 = arith.constant 0 : index
          %swap3A_34 = tpu.vector_load %arg7[%swap3A, %swap3A_33] {strides = array<i32>} : memref<128x16xf32, #tpu.memory_space<vmem>>, vector<1x16xf32>,
          %swap3A_35 = vector.shape_cast %swap3A_34 : vector<1x16xf32> to vector<16xf32>
          %swap3A_36 = vector.shape_cast %get3A_32 : vector<16xf32> to vector<1x16xf32>
          tpu.vector_store %arg7[%swap3A, %swap3A_33], %swap3A_36 {strides = array<i32>} : memref<128x16xf32, #tpu.memory_space<vmem>>, vector<1x16xf32>,
          %scan3A_37 = arith.constant 0 : i32
          scf.yield %scan3A_37 : i32
        }
        %scan3A_27 = arith.constant 128 : i32
        "tpu.region"() ({
          %run_scoped3A = tpu.sem_alloc : memref<!tpu.dma_semaphore, #tpu.memory_space<semaphore_mem>>
          %dma_start3A_28 = arith.constant 0 : i32
          %dma_start3A_29 = tpu.memref_slice %arg4[%mul3A_16, %dma_start3A_28] : memref<160000x16xf32, #tpu.memory_space<hbm>> -> memref<128x16xf32, #tpu.memory_space<hbm>>
          %dma_start3A_30 = arith.constant 0 : i32
          %dma_start3A_31 = tpu.memref_slice %arg4[%mul3A_16, %dma_start3A_30] : memref<160000x16xf32, #tpu.memory_space<hbm>> -> memref<128x16xf32, #tpu.memory_space<hbm>>
          tpu.enqueue_dma source(%arg7 : memref<128x16xf32, #tpu.memory_space<vmem>>) target(%dma_start3A_31 : memref<128x16xf32, #tpu.memory_space<hbm>>) target_semaphore(%run_scoped3A : memref<!tpu.dma_semaphore, #tpu.memory_space<semaphore_mem>>)
          %dma_wait3A_32 = arith.constant 0 : i32
          %dma_wait3A_33 = tpu.memref_slice %arg4[%mul3A_16, %dma_wait3A_32] : memref<160000x16xf32, #tpu.memory_space<hbm>> -> memref<128x16xf32, #tpu.memory_space<hbm>>
          %dma_wait3A_34 = arith.constant 0 : i32
          %dma_wait3A_35 = tpu.memref_slice %arg4[%mul3A_16, %dma_wait3A_34] : memref<160000x16xf32, #tpu.memory_space<hbm>> -> memref<128x16xf32, #tpu.memory_space<hbm>>
          tpu.wait_dma2 semaphore(%run_scoped3A : memref<!tpu.dma_semaphore, #tpu.memory_space<semaphore_mem>>) src(%arg7 : memref<128x16xf32, #tpu.memory_space<vmem>>) dst(%dma_wait3A_35 : memref<128x16xf32, #tpu.memory_space<hbm>>)
          tpu.yield
        }) : () -> ()
      } else {
      }
      %scan3A_14 = arith.constant 0 : i32
      scf.yield %scan3A_14 : i32
    }
    %scan3A_6 = arith.constant 40 : i32
    return
  }
}

#map = affine_map<(d0, d1) -> (0, 0)>
#map1 = affine_map<(d0, d1) -> (0)>
#map2 = affine_map<(d0, d1) -> (0, 0, 0)>
module attributes {stable_mosaic.version = 14 : i64} {
  func.func @_src_body(%arg0: i32, %arg1: i32, %arg2: memref<10240x128xf32, #tpu.memory_space<hbm>>, %arg3: memref<10240x384xf32, #tpu.memory_space<hbm>>, %arg4: memref<160000x128xf32, #tpu.memory_space<hbm>>, %arg5: memref<160000xi32, #tpu.memory_space<hbm>>, %arg6: memref<160000xi32, #tpu.memory_space<hbm>>, %arg7: memref<2x10240x128xf32, #tpu.memory_space<hbm>>, %arg8: memref<64xi32, #tpu.memory_space<vmem>>, %arg9: memref<1x64xi32, #tpu.memory_space<vmem>>, %arg10: memref<64x384xf32, #tpu.memory_space<vmem>>, %arg11: memref<64x128xf32, #tpu.memory_space<vmem>>, %arg12: memref<64x128xf32, #tpu.memory_space<vmem>>, %arg13: memref<10240x128xf32, #tpu.memory_space<vmem_shared>>, %arg14: memref<!tpu.dma_semaphore, #tpu.memory_space<semaphore_mem>>) attributes {dimension_semantics = [#tpu.dimension_semantics<core_parallel>, #tpu.dimension_semantics<subcore_parallel>], iteration_bounds = array<i64: 2, 16>, scalar_prefetch = 0 : i64, scratch_operands = 7 : i64, tpu.core_type = #tpu.core_type<sc_vector_subcore>, window_params = [{transform_indices = #map}, {transform_indices = #map}, {transform_indices = #map}, {transform_indices = #map1}, {transform_indices = #map1}, {transform_indices = #map2}]} {
    %mul3A = arith.constant 2 : i32
    %mul3A_0 = arith.muli %arg1, %mul3A : i32
    %add3A = arith.addi %mul3A_0, %arg0 : i32
    %eq3A = arith.constant 0 : i32
    %eq3A_1 = arith.cmpi eq, %arg1, %eq3A : i32
    %convert_element_type3A = arith.extui %eq3A_1 : i1 to i32
    %cond3A = arith.constant 0 : i32
    %cond3A_2 = arith.cmpi ne, %convert_element_type3A, %cond3A : i32
    scf.if %cond3A_2 {
      "tpu.region"() ({
        %run_scoped3A = tpu.sem_alloc : memref<!tpu.dma_semaphore, #tpu.memory_space<semaphore_mem>>
        tpu.enqueue_dma source(%arg2 : memref<10240x128xf32, #tpu.memory_space<hbm>>) target(%arg13 : memref<10240x128xf32, #tpu.memory_space<vmem_shared>>) target_semaphore(%run_scoped3A : memref<!tpu.dma_semaphore, #tpu.memory_space<semaphore_mem>>)
        tpu.wait_dma2 semaphore(%run_scoped3A : memref<!tpu.dma_semaphore, #tpu.memory_space<semaphore_mem>>) src(%arg2 : memref<10240x128xf32, #tpu.memory_space<hbm>>) dst(%arg13 : memref<10240x128xf32, #tpu.memory_space<vmem_shared>>)
        tpu.yield
      }) : () -> ()
    } else {
    }
    %scan3A = arith.constant 0 : i32
    %scan3A_3 = arith.constant 0 : i32
    %scan3A_4 = arith.constant 64 : i32
    %scan3A_5 = arith.addi %scan3A_3, %scan3A_4 : i32
    %scan3A_6 = arith.constant 1 : i32
    %scan3A_7 = scf.for %scan3A_22 = %scan3A_3 to %scan3A_5 step %scan3A_6 iter_args(%scan3A_23 = %scan3A) -> (i32)  : i32 {
      %broadcast_in_dim3A = arith.constant 0.000000e+00 : f32
      %broadcast_in_dim3A_24 = vector.broadcast %broadcast_in_dim3A : f32 to vector<16xf32>
      %swap3A = arith.index_cast %scan3A_22 : i32 to index
      %swap3A_25 = arith.constant 0 : index
      %swap3A_26 = tpu.vector_load %arg12[%swap3A, %swap3A_25] {strides = array<i32>} : memref<64x128xf32, #tpu.memory_space<vmem>>, vector<1x16xf32>,
      %swap3A_27 = vector.shape_cast %swap3A_26 : vector<1x16xf32> to vector<16xf32>
      %swap3A_28 = vector.shape_cast %broadcast_in_dim3A_24 : vector<16xf32> to vector<1x16xf32>
      tpu.vector_store %arg12[%swap3A, %swap3A_25], %swap3A_28 {strides = array<i32>} : memref<64x128xf32, #tpu.memory_space<vmem>>, vector<1x16xf32>,
      %broadcast_in_dim3A_29 = arith.constant 0.000000e+00 : f32
      %broadcast_in_dim3A_30 = vector.broadcast %broadcast_in_dim3A_29 : f32 to vector<16xf32>
      %swap3A_31 = arith.index_cast %scan3A_22 : i32 to index
      %swap3A_32 = arith.constant 16 : index
      %swap3A_33 = tpu.vector_load %arg12[%swap3A_31, %swap3A_32] {strides = array<i32>} : memref<64x128xf32, #tpu.memory_space<vmem>>, vector<1x16xf32>,
      %swap3A_34 = vector.shape_cast %swap3A_33 : vector<1x16xf32> to vector<16xf32>
      %swap3A_35 = vector.shape_cast %broadcast_in_dim3A_30 : vector<16xf32> to vector<1x16xf32>
      tpu.vector_store %arg12[%swap3A_31, %swap3A_32], %swap3A_35 {strides = array<i32>} : memref<64x128xf32, #tpu.memory_space<vmem>>, vector<1x16xf32>,
      %broadcast_in_dim3A_36 = arith.constant 0.000000e+00 : f32
      %broadcast_in_dim3A_37 = vector.broadcast %broadcast_in_dim3A_36 : f32 to vector<16xf32>
      %swap3A_38 = arith.index_cast %scan3A_22 : i32 to index
      %swap3A_39 = arith.constant 32 : index
      %swap3A_40 = tpu.vector_load %arg12[%swap3A_38, %swap3A_39] {strides = array<i32>} : memref<64x128xf32, #tpu.memory_space<vmem>>, vector<1x16xf32>,
      %swap3A_41 = vector.shape_cast %swap3A_40 : vector<1x16xf32> to vector<16xf32>
      %swap3A_42 = vector.shape_cast %broadcast_in_dim3A_37 : vector<16xf32> to vector<1x16xf32>
      tpu.vector_store %arg12[%swap3A_38, %swap3A_39], %swap3A_42 {strides = array<i32>} : memref<64x128xf32, #tpu.memory_space<vmem>>, vector<1x16xf32>,
      %broadcast_in_dim3A_43 = arith.constant 0.000000e+00 : f32
      %broadcast_in_dim3A_44 = vector.broadcast %broadcast_in_dim3A_43 : f32 to vector<16xf32>
      %swap3A_45 = arith.index_cast %scan3A_22 : i32 to index
      %swap3A_46 = arith.constant 48 : index
      %swap3A_47 = tpu.vector_load %arg12[%swap3A_45, %swap3A_46] {strides = array<i32>} : memref<64x128xf32, #tpu.memory_space<vmem>>, vector<1x16xf32>,
      %swap3A_48 = vector.shape_cast %swap3A_47 : vector<1x16xf32> to vector<16xf32>
      %swap3A_49 = vector.shape_cast %broadcast_in_dim3A_44 : vector<16xf32> to vector<1x16xf32>
      tpu.vector_store %arg12[%swap3A_45, %swap3A_46], %swap3A_49 {strides = array<i32>} : memref<64x128xf32, #tpu.memory_space<vmem>>, vector<1x16xf32>,
      %broadcast_in_dim3A_50 = arith.constant 0.000000e+00 : f32
      %broadcast_in_dim3A_51 = vector.broadcast %broadcast_in_dim3A_50 : f32 to vector<16xf32>
      %swap3A_52 = arith.index_cast %scan3A_22 : i32 to index
      %swap3A_53 = arith.constant 64 : index
      %swap3A_54 = tpu.vector_load %arg12[%swap3A_52, %swap3A_53] {strides = array<i32>} : memref<64x128xf32, #tpu.memory_space<vmem>>, vector<1x16xf32>,
      %swap3A_55 = vector.shape_cast %swap3A_54 : vector<1x16xf32> to vector<16xf32>
      %swap3A_56 = vector.shape_cast %broadcast_in_dim3A_51 : vector<16xf32> to vector<1x16xf32>
      tpu.vector_store %arg12[%swap3A_52, %swap3A_53], %swap3A_56 {strides = array<i32>} : memref<64x128xf32, #tpu.memory_space<vmem>>, vector<1x16xf32>,
      %broadcast_in_dim3A_57 = arith.constant 0.000000e+00 : f32
      %broadcast_in_dim3A_58 = vector.broadcast %broadcast_in_dim3A_57 : f32 to vector<16xf32>
      %swap3A_59 = arith.index_cast %scan3A_22 : i32 to index
      %swap3A_60 = arith.constant 80 : index
      %swap3A_61 = tpu.vector_load %arg12[%swap3A_59, %swap3A_60] {strides = array<i32>} : memref<64x128xf32, #tpu.memory_space<vmem>>, vector<1x16xf32>,
      %swap3A_62 = vector.shape_cast %swap3A_61 : vector<1x16xf32> to vector<16xf32>
      %swap3A_63 = vector.shape_cast %broadcast_in_dim3A_58 : vector<16xf32> to vector<1x16xf32>
      tpu.vector_store %arg12[%swap3A_59, %swap3A_60], %swap3A_63 {strides = array<i32>} : memref<64x128xf32, #tpu.memory_space<vmem>>, vector<1x16xf32>,
      %broadcast_in_dim3A_64 = arith.constant 0.000000e+00 : f32
      %broadcast_in_dim3A_65 = vector.broadcast %broadcast_in_dim3A_64 : f32 to vector<16xf32>
      %swap3A_66 = arith.index_cast %scan3A_22 : i32 to index
      %swap3A_67 = arith.constant 96 : index
      %swap3A_68 = tpu.vector_load %arg12[%swap3A_66, %swap3A_67] {strides = array<i32>} : memref<64x128xf32, #tpu.memory_space<vmem>>, vector<1x16xf32>,
      %swap3A_69 = vector.shape_cast %swap3A_68 : vector<1x16xf32> to vector<16xf32>
      %swap3A_70 = vector.shape_cast %broadcast_in_dim3A_65 : vector<16xf32> to vector<1x16xf32>
      tpu.vector_store %arg12[%swap3A_66, %swap3A_67], %swap3A_70 {strides = array<i32>} : memref<64x128xf32, #tpu.memory_space<vmem>>, vector<1x16xf32>,
      %broadcast_in_dim3A_71 = arith.constant 0.000000e+00 : f32
      %broadcast_in_dim3A_72 = vector.broadcast %broadcast_in_dim3A_71 : f32 to vector<16xf32>
      %swap3A_73 = arith.index_cast %scan3A_22 : i32 to index
      %swap3A_74 = arith.constant 112 : index
      %swap3A_75 = tpu.vector_load %arg12[%swap3A_73, %swap3A_74] {strides = array<i32>} : memref<64x128xf32, #tpu.memory_space<vmem>>, vector<1x16xf32>,
      %swap3A_76 = vector.shape_cast %swap3A_75 : vector<1x16xf32> to vector<16xf32>
      %swap3A_77 = vector.shape_cast %broadcast_in_dim3A_72 : vector<16xf32> to vector<1x16xf32>
      tpu.vector_store %arg12[%swap3A_73, %swap3A_74], %swap3A_77 {strides = array<i32>} : memref<64x128xf32, #tpu.memory_space<vmem>>, vector<1x16xf32>,
      %scan3A_78 = arith.constant 0 : i32
      scf.yield %scan3A_78 : i32
    }
    %scan3A_8 = arith.constant 64 : i32
    %barrier3A = arith.constant 0 : index
    tpu.barrier barrier_id(%barrier3A)
    %scan3A_9 = arith.constant 0 : i32
    %scan3A_10 = arith.constant 0 : i32
    %scan3A_11 = arith.constant 79 : i32
    %scan3A_12 = arith.addi %scan3A_10, %scan3A_11 : i32
    %scan3A_13 = arith.constant 1 : i32
    %scan3A_14 = scf.for %scan3A_22 = %scan3A_10 to %scan3A_12 step %scan3A_13 iter_args(%scan3A_23 = %scan3A_9) -> (i32)  : i32 {
      %mul3A_24 = arith.constant 32 : i32
      %mul3A_25 = arith.muli %mul3A_24, %scan3A_22 : i32
      %add3A_26 = arith.addi %add3A, %mul3A_25 : i32
      %lt3A = arith.constant 2500 : i32
      %lt3A_27 = arith.cmpi slt, %add3A_26, %lt3A : i32
      %convert_element_type3A_28 = arith.extui %lt3A_27 : i1 to i32
      %cond3A_29 = arith.constant 0 : i32
      %cond3A_30 = arith.cmpi ne, %convert_element_type3A_28, %cond3A_29 : i32
      scf.if %cond3A_30 {
        %mul3A_32 = arith.constant 64 : i32
        %mul3A_33 = arith.muli %add3A_26, %mul3A_32 : i32
        "tpu.region"() ({
          %run_scoped3A_46 = tpu.sem_alloc : memref<!tpu.dma_semaphore, #tpu.memory_space<semaphore_mem>>
          %dma_start3A_47 = tpu.memref_slice %arg5[%mul3A_33] : memref<160000xi32, #tpu.memory_space<hbm>> -> memref<64xi32, #tpu.memory_space<hbm>>
          %dma_start3A_48 = tpu.memref_slice %arg5[%mul3A_33] : memref<160000xi32, #tpu.memory_space<hbm>> -> memref<64xi32, #tpu.memory_space<hbm>>
          tpu.enqueue_dma source(%dma_start3A_48 : memref<64xi32, #tpu.memory_space<hbm>>) target(%arg8 : memref<64xi32, #tpu.memory_space<vmem>>) target_semaphore(%run_scoped3A_46 : memref<!tpu.dma_semaphore, #tpu.memory_space<semaphore_mem>>)
          %dma_wait3A_49 = tpu.memref_slice %arg5[%mul3A_33] : memref<160000xi32, #tpu.memory_space<hbm>> -> memref<64xi32, #tpu.memory_space<hbm>>
          %dma_wait3A_50 = tpu.memref_slice %arg5[%mul3A_33] : memref<160000xi32, #tpu.memory_space<hbm>> -> memref<64xi32, #tpu.memory_space<hbm>>
          tpu.wait_dma2 semaphore(%run_scoped3A_46 : memref<!tpu.dma_semaphore, #tpu.memory_space<semaphore_mem>>) src(%dma_wait3A_50 : memref<64xi32, #tpu.memory_space<hbm>>) dst(%arg8 : memref<64xi32, #tpu.memory_space<vmem>>)
          tpu.yield
        }) : () -> ()
        %run_scoped3A = arith.constant 0 : i32
        "tpu.region"() ({
          %run_scoped3A_46 = tpu.sem_alloc : memref<!tpu.dma_semaphore, #tpu.memory_space<semaphore_mem>>
          %dma_start3A_47 = arith.constant 0 : i32
          %dma_start3A_48 = tpu.memref_slice %arg9[%run_scoped3A, %dma_start3A_47] : memref<1x64xi32, #tpu.memory_space<vmem>> -> memref<1x64xi32, #tpu.memory_space<vmem>>
          %dma_start3A_49 = tpu.memref_squeeze %dma_start3A_48 : memref<1x64xi32, #tpu.memory_space<vmem>> -> memref<64xi32, #tpu.memory_space<vmem>>
          %dma_start3A_50 = tpu.memref_slice %arg6[%mul3A_33] : memref<160000xi32, #tpu.memory_space<hbm>> -> memref<64xi32, #tpu.memory_space<hbm>>
          %dma_start3A_51 = arith.constant 0 : i32
          %dma_start3A_52 = tpu.memref_slice %arg9[%run_scoped3A, %dma_start3A_51] : memref<1x64xi32, #tpu.memory_space<vmem>> -> memref<1x64xi32, #tpu.memory_space<vmem>>
          %dma_start3A_53 = tpu.memref_squeeze %dma_start3A_52 : memref<1x64xi32, #tpu.memory_space<vmem>> -> memref<64xi32, #tpu.memory_space<vmem>>
          %dma_start3A_54 = tpu.memref_slice %arg6[%mul3A_33] : memref<160000xi32, #tpu.memory_space<hbm>> -> memref<64xi32, #tpu.memory_space<hbm>>
          tpu.enqueue_dma source(%dma_start3A_54 : memref<64xi32, #tpu.memory_space<hbm>>) target(%dma_start3A_53 : memref<64xi32, #tpu.memory_space<vmem>>) target_semaphore(%run_scoped3A_46 : memref<!tpu.dma_semaphore, #tpu.memory_space<semaphore_mem>>)
          %dma_wait3A_55 = arith.constant 0 : i32
          %dma_wait3A_56 = tpu.memref_slice %arg9[%run_scoped3A, %dma_wait3A_55] : memref<1x64xi32, #tpu.memory_space<vmem>> -> memref<1x64xi32, #tpu.memory_space<vmem>>
          %dma_wait3A_57 = tpu.memref_squeeze %dma_wait3A_56 : memref<1x64xi32, #tpu.memory_space<vmem>> -> memref<64xi32, #tpu.memory_space<vmem>>
          %dma_wait3A_58 = tpu.memref_slice %arg6[%mul3A_33] : memref<160000xi32, #tpu.memory_space<hbm>> -> memref<64xi32, #tpu.memory_space<hbm>>
          %dma_wait3A_59 = arith.constant 0 : i32
          %dma_wait3A_60 = tpu.memref_slice %arg9[%run_scoped3A, %dma_wait3A_59] : memref<1x64xi32, #tpu.memory_space<vmem>> -> memref<1x64xi32, #tpu.memory_space<vmem>>
          %dma_wait3A_61 = tpu.memref_squeeze %dma_wait3A_60 : memref<1x64xi32, #tpu.memory_space<vmem>> -> memref<64xi32, #tpu.memory_space<vmem>>
          %dma_wait3A_62 = tpu.memref_slice %arg6[%mul3A_33] : memref<160000xi32, #tpu.memory_space<hbm>> -> memref<64xi32, #tpu.memory_space<hbm>>
          tpu.wait_dma2 semaphore(%run_scoped3A_46 : memref<!tpu.dma_semaphore, #tpu.memory_space<semaphore_mem>>) src(%dma_wait3A_62 : memref<64xi32, #tpu.memory_space<hbm>>) dst(%dma_wait3A_61 : memref<64xi32, #tpu.memory_space<vmem>>)
          tpu.yield
        }) : () -> ()
        %dma_start3A = arith.constant 0 : i32
        %dma_start3A_34 = arith.constant 0 : i32
        %dma_start3A_35 = tpu.memref_slice %arg3[%dma_start3A, %dma_start3A_34] : memref<10240x384xf32, #tpu.memory_space<hbm>> -> memref<10240x384xf32, #tpu.memory_space<hbm>>
        tpu.enqueue_indirect_dma source(%dma_start3A_35 : memref<10240x384xf32, #tpu.memory_space<hbm>>) target(%arg10 : memref<64x384xf32, #tpu.memory_space<vmem>>) offsets(%arg8 : memref<64xi32, #tpu.memory_space<vmem>>) semaphore(%arg14 : memref<!tpu.dma_semaphore, #tpu.memory_space<semaphore_mem>>)
        "tpu.region"() ({
          %run_scoped3A_46 = tpu.sem_alloc : memref<!tpu.dma_semaphore, #tpu.memory_space<semaphore_mem>>
          %dma_start3A_47 = arith.constant 0 : i32
          %dma_start3A_48 = tpu.memref_slice %arg4[%mul3A_33, %dma_start3A_47] : memref<160000x128xf32, #tpu.memory_space<hbm>> -> memref<64x128xf32, #tpu.memory_space<hbm>>
          %dma_start3A_49 = arith.constant 0 : i32
          %dma_start3A_50 = tpu.memref_slice %arg4[%mul3A_33, %dma_start3A_49] : memref<160000x128xf32, #tpu.memory_space<hbm>> -> memref<64x128xf32, #tpu.memory_space<hbm>>
          tpu.enqueue_dma source(%dma_start3A_50 : memref<64x128xf32, #tpu.memory_space<hbm>>) target(%arg11 : memref<64x128xf32, #tpu.memory_space<vmem>>) target_semaphore(%run_scoped3A_46 : memref<!tpu.dma_semaphore, #tpu.memory_space<semaphore_mem>>)
          %dma_wait3A_51 = arith.constant 0 : i32
          %dma_wait3A_52 = tpu.memref_slice %arg4[%mul3A_33, %dma_wait3A_51] : memref<160000x128xf32, #tpu.memory_space<hbm>> -> memref<64x128xf32, #tpu.memory_space<hbm>>
          %dma_wait3A_53 = arith.constant 0 : i32
          %dma_wait3A_54 = tpu.memref_slice %arg4[%mul3A_33, %dma_wait3A_53] : memref<160000x128xf32, #tpu.memory_space<hbm>> -> memref<64x128xf32, #tpu.memory_space<hbm>>
          tpu.wait_dma2 semaphore(%run_scoped3A_46 : memref<!tpu.dma_semaphore, #tpu.memory_space<semaphore_mem>>) src(%dma_wait3A_54 : memref<64x128xf32, #tpu.memory_space<hbm>>) dst(%arg11 : memref<64x128xf32, #tpu.memory_space<vmem>>)
          tpu.yield
        }) : () -> ()
        %dma_wait3A = arith.constant 0 : i32
        %dma_wait3A_36 = arith.constant 0 : i32
        %dma_wait3A_37 = tpu.memref_slice %arg3[%dma_wait3A, %dma_wait3A_36] : memref<10240x384xf32, #tpu.memory_space<hbm>> -> memref<10240x384xf32, #tpu.memory_space<hbm>>
        tpu.wait_indirect_dma semaphore(%arg14 : memref<!tpu.dma_semaphore, #tpu.memory_space<semaphore_mem>>) src(%dma_wait3A_37 : memref<10240x384xf32, #tpu.memory_space<hbm>>) dst(%arg10 : memref<64x384xf32, #tpu.memory_space<vmem>>)
        %scan3A_38 = arith.constant 0 : i32
        %scan3A_39 = arith.constant 0 : i32
        %scan3A_40 = arith.constant 64 : i32
        %scan3A_41 = arith.addi %scan3A_39, %scan3A_40 : i32
        %scan3A_42 = arith.constant 1 : i32
        %scan3A_43 = scf.for %scan3A_46 = %scan3A_39 to %scan3A_41 step %scan3A_42 iter_args(%scan3A_47 = %scan3A_38) -> (i32)  : i32 {
          %broadcast_in_dim3A = arith.constant 0.000000e+00 : f32
          %broadcast_in_dim3A_48 = vector.broadcast %broadcast_in_dim3A : f32 to vector<16xf32>
          %get3A = arith.index_cast %scan3A_46 : i32 to index
          %get3A_49 = arith.constant 0 : index
          %get3A_50 = tpu.vector_load %arg11[%get3A, %get3A_49] {strides = array<i32>} : memref<64x128xf32, #tpu.memory_space<vmem>>, vector<1x16xf32>,
          %get3A_51 = vector.shape_cast %get3A_50 : vector<1x16xf32> to vector<16xf32>
          %get3A_52 = arith.index_cast %scan3A_46 : i32 to index
          %get3A_53 = arith.constant 0 : index
          %get3A_54 = tpu.vector_load %arg10[%get3A_52, %get3A_53] {strides = array<i32>} : memref<64x384xf32, #tpu.memory_space<vmem>>, vector<1x16xf32>,
          %get3A_55 = vector.shape_cast %get3A_54 : vector<1x16xf32> to vector<16xf32>
          %mul3A_56 = arith.mulf %get3A_55, %get3A_51 : vector<16xf32>
          %add3A_57 = arith.addf %broadcast_in_dim3A_48, %mul3A_56 : vector<16xf32>
          %get3A_58 = arith.index_cast %scan3A_46 : i32 to index
          %get3A_59 = arith.constant 128 : index
          %get3A_60 = tpu.vector_load %arg10[%get3A_58, %get3A_59] {strides = array<i32>} : memref<64x384xf32, #tpu.memory_space<vmem>>, vector<1x16xf32>,
          %get3A_61 = vector.shape_cast %get3A_60 : vector<1x16xf32> to vector<16xf32>
          %mul3A_62 = arith.mulf %get3A_61, %get3A_51 : vector<16xf32>
          %add3A_63 = arith.addf %broadcast_in_dim3A_48, %mul3A_62 : vector<16xf32>
          %get3A_64 = arith.index_cast %scan3A_46 : i32 to index
          %get3A_65 = arith.constant 256 : index
          %get3A_66 = tpu.vector_load %arg10[%get3A_64, %get3A_65] {strides = array<i32>} : memref<64x384xf32, #tpu.memory_space<vmem>>, vector<1x16xf32>,
          %get3A_67 = vector.shape_cast %get3A_66 : vector<1x16xf32> to vector<16xf32>
          %mul3A_68 = arith.mulf %get3A_67, %get3A_51 : vector<16xf32>
          %add3A_69 = arith.addf %broadcast_in_dim3A_48, %mul3A_68 : vector<16xf32>
          %get3A_70 = arith.index_cast %scan3A_46 : i32 to index
          %get3A_71 = arith.constant 16 : index
          %get3A_72 = tpu.vector_load %arg11[%get3A_70, %get3A_71] {strides = array<i32>} : memref<64x128xf32, #tpu.memory_space<vmem>>, vector<1x16xf32>,
          %get3A_73 = vector.shape_cast %get3A_72 : vector<1x16xf32> to vector<16xf32>
          %get3A_74 = arith.index_cast %scan3A_46 : i32 to index
          %get3A_75 = arith.constant 16 : index
          %get3A_76 = tpu.vector_load %arg10[%get3A_74, %get3A_75] {strides = array<i32>} : memref<64x384xf32, #tpu.memory_space<vmem>>, vector<1x16xf32>,
          %get3A_77 = vector.shape_cast %get3A_76 : vector<1x16xf32> to vector<16xf32>
          %mul3A_78 = arith.mulf %get3A_77, %get3A_73 : vector<16xf32>
          %add3A_79 = arith.addf %add3A_57, %mul3A_78 : vector<16xf32>
          %get3A_80 = arith.index_cast %scan3A_46 : i32 to index
          %get3A_81 = arith.constant 144 : index
          %get3A_82 = tpu.vector_load %arg10[%get3A_80, %get3A_81] {strides = array<i32>} : memref<64x384xf32, #tpu.memory_space<vmem>>, vector<1x16xf32>,
          %get3A_83 = vector.shape_cast %get3A_82 : vector<1x16xf32> to vector<16xf32>
          %mul3A_84 = arith.mulf %get3A_83, %get3A_73 : vector<16xf32>
          %add3A_85 = arith.addf %add3A_63, %mul3A_84 : vector<16xf32>
          %get3A_86 = arith.index_cast %scan3A_46 : i32 to index
          %get3A_87 = arith.constant 272 : index
          %get3A_88 = tpu.vector_load %arg10[%get3A_86, %get3A_87] {strides = array<i32>} : memref<64x384xf32, #tpu.memory_space<vmem>>, vector<1x16xf32>,
          %get3A_89 = vector.shape_cast %get3A_88 : vector<1x16xf32> to vector<16xf32>
          %mul3A_90 = arith.mulf %get3A_89, %get3A_73 : vector<16xf32>
          %add3A_91 = arith.addf %add3A_69, %mul3A_90 : vector<16xf32>
          %get3A_92 = arith.index_cast %scan3A_46 : i32 to index
          %get3A_93 = arith.constant 32 : index
          %get3A_94 = tpu.vector_load %arg11[%get3A_92, %get3A_93] {strides = array<i32>} : memref<64x128xf32, #tpu.memory_space<vmem>>, vector<1x16xf32>,
          %get3A_95 = vector.shape_cast %get3A_94 : vector<1x16xf32> to vector<16xf32>
          %get3A_96 = arith.index_cast %scan3A_46 : i32 to index
          %get3A_97 = arith.constant 32 : index
          %get3A_98 = tpu.vector_load %arg10[%get3A_96, %get3A_97] {strides = array<i32>} : memref<64x384xf32, #tpu.memory_space<vmem>>, vector<1x16xf32>,
          %get3A_99 = vector.shape_cast %get3A_98 : vector<1x16xf32> to vector<16xf32>
          %mul3A_100 = arith.mulf %get3A_99, %get3A_95 : vector<16xf32>
          %add3A_101 = arith.addf %add3A_79, %mul3A_100 : vector<16xf32>
          %get3A_102 = arith.index_cast %scan3A_46 : i32 to index
          %get3A_103 = arith.constant 160 : index
          %get3A_104 = tpu.vector_load %arg10[%get3A_102, %get3A_103] {strides = array<i32>} : memref<64x384xf32, #tpu.memory_space<vmem>>, vector<1x16xf32>,
          %get3A_105 = vector.shape_cast %get3A_104 : vector<1x16xf32> to vector<16xf32>
          %mul3A_106 = arith.mulf %get3A_105, %get3A_95 : vector<16xf32>
          %add3A_107 = arith.addf %add3A_85, %mul3A_106 : vector<16xf32>
          %get3A_108 = arith.index_cast %scan3A_46 : i32 to index
          %get3A_109 = arith.constant 288 : index
          %get3A_110 = tpu.vector_load %arg10[%get3A_108, %get3A_109] {strides = array<i32>} : memref<64x384xf32, #tpu.memory_space<vmem>>, vector<1x16xf32>,
          %get3A_111 = vector.shape_cast %get3A_110 : vector<1x16xf32> to vector<16xf32>
          %mul3A_112 = arith.mulf %get3A_111, %get3A_95 : vector<16xf32>
          %add3A_113 = arith.addf %add3A_91, %mul3A_112 : vector<16xf32>
          %get3A_114 = arith.index_cast %scan3A_46 : i32 to index
          %get3A_115 = arith.constant 48 : index
          %get3A_116 = tpu.vector_load %arg11[%get3A_114, %get3A_115] {strides = array<i32>} : memref<64x128xf32, #tpu.memory_space<vmem>>, vector<1x16xf32>,
          %get3A_117 = vector.shape_cast %get3A_116 : vector<1x16xf32> to vector<16xf32>
          %get3A_118 = arith.index_cast %scan3A_46 : i32 to index
          %get3A_119 = arith.constant 48 : index
          %get3A_120 = tpu.vector_load %arg10[%get3A_118, %get3A_119] {strides = array<i32>} : memref<64x384xf32, #tpu.memory_space<vmem>>, vector<1x16xf32>,
          %get3A_121 = vector.shape_cast %get3A_120 : vector<1x16xf32> to vector<16xf32>
          %mul3A_122 = arith.mulf %get3A_121, %get3A_117 : vector<16xf32>
          %add3A_123 = arith.addf %add3A_101, %mul3A_122 : vector<16xf32>
          %get3A_124 = arith.index_cast %scan3A_46 : i32 to index
          %get3A_125 = arith.constant 176 : index
          %get3A_126 = tpu.vector_load %arg10[%get3A_124, %get3A_125] {strides = array<i32>} : memref<64x384xf32, #tpu.memory_space<vmem>>, vector<1x16xf32>,
          %get3A_127 = vector.shape_cast %get3A_126 : vector<1x16xf32> to vector<16xf32>
          %mul3A_128 = arith.mulf %get3A_127, %get3A_117 : vector<16xf32>
          %add3A_129 = arith.addf %add3A_107, %mul3A_128 : vector<16xf32>
          %get3A_130 = arith.index_cast %scan3A_46 : i32 to index
          %get3A_131 = arith.constant 304 : index
          %get3A_132 = tpu.vector_load %arg10[%get3A_130, %get3A_131] {strides = array<i32>} : memref<64x384xf32, #tpu.memory_space<vmem>>, vector<1x16xf32>,
          %get3A_133 = vector.shape_cast %get3A_132 : vector<1x16xf32> to vector<16xf32>
          %mul3A_134 = arith.mulf %get3A_133, %get3A_117 : vector<16xf32>
          %add3A_135 = arith.addf %add3A_113, %mul3A_134 : vector<16xf32>
          %get3A_136 = arith.index_cast %scan3A_46 : i32 to index
          %get3A_137 = arith.constant 64 : index
          %get3A_138 = tpu.vector_load %arg11[%get3A_136, %get3A_137] {strides = array<i32>} : memref<64x128xf32, #tpu.memory_space<vmem>>, vector<1x16xf32>,
          %get3A_139 = vector.shape_cast %get3A_138 : vector<1x16xf32> to vector<16xf32>
          %get3A_140 = arith.index_cast %scan3A_46 : i32 to index
          %get3A_141 = arith.constant 64 : index
          %get3A_142 = tpu.vector_load %arg10[%get3A_140, %get3A_141] {strides = array<i32>} : memref<64x384xf32, #tpu.memory_space<vmem>>, vector<1x16xf32>,
          %get3A_143 = vector.shape_cast %get3A_142 : vector<1x16xf32> to vector<16xf32>
          %mul3A_144 = arith.mulf %get3A_143, %get3A_139 : vector<16xf32>
          %add3A_145 = arith.addf %add3A_123, %mul3A_144 : vector<16xf32>
          %get3A_146 = arith.index_cast %scan3A_46 : i32 to index
          %get3A_147 = arith.constant 192 : index
          %get3A_148 = tpu.vector_load %arg10[%get3A_146, %get3A_147] {strides = array<i32>} : memref<64x384xf32, #tpu.memory_space<vmem>>, vector<1x16xf32>,
          %get3A_149 = vector.shape_cast %get3A_148 : vector<1x16xf32> to vector<16xf32>
          %mul3A_150 = arith.mulf %get3A_149, %get3A_139 : vector<16xf32>
          %add3A_151 = arith.addf %add3A_129, %mul3A_150 : vector<16xf32>
          %get3A_152 = arith.index_cast %scan3A_46 : i32 to index
          %get3A_153 = arith.constant 320 : index
          %get3A_154 = tpu.vector_load %arg10[%get3A_152, %get3A_153] {strides = array<i32>} : memref<64x384xf32, #tpu.memory_space<vmem>>, vector<1x16xf32>,
          %get3A_155 = vector.shape_cast %get3A_154 : vector<1x16xf32> to vector<16xf32>
          %mul3A_156 = arith.mulf %get3A_155, %get3A_139 : vector<16xf32>
          %add3A_157 = arith.addf %add3A_135, %mul3A_156 : vector<16xf32>
          %get3A_158 = arith.index_cast %scan3A_46 : i32 to index
          %get3A_159 = arith.constant 80 : index
          %get3A_160 = tpu.vector_load %arg11[%get3A_158, %get3A_159] {strides = array<i32>} : memref<64x128xf32, #tpu.memory_space<vmem>>, vector<1x16xf32>,
          %get3A_161 = vector.shape_cast %get3A_160 : vector<1x16xf32> to vector<16xf32>
          %get3A_162 = arith.index_cast %scan3A_46 : i32 to index
          %get3A_163 = arith.constant 80 : index
          %get3A_164 = tpu.vector_load %arg10[%get3A_162, %get3A_163] {strides = array<i32>} : memref<64x384xf32, #tpu.memory_space<vmem>>, vector<1x16xf32>,
          %get3A_165 = vector.shape_cast %get3A_164 : vector<1x16xf32> to vector<16xf32>
          %mul3A_166 = arith.mulf %get3A_165, %get3A_161 : vector<16xf32>
          %add3A_167 = arith.addf %add3A_145, %mul3A_166 : vector<16xf32>
          %get3A_168 = arith.index_cast %scan3A_46 : i32 to index
          %get3A_169 = arith.constant 208 : index
          %get3A_170 = tpu.vector_load %arg10[%get3A_168, %get3A_169] {strides = array<i32>} : memref<64x384xf32, #tpu.memory_space<vmem>>, vector<1x16xf32>,
          %get3A_171 = vector.shape_cast %get3A_170 : vector<1x16xf32> to vector<16xf32>
          %mul3A_172 = arith.mulf %get3A_171, %get3A_161 : vector<16xf32>
          %add3A_173 = arith.addf %add3A_151, %mul3A_172 : vector<16xf32>
          %get3A_174 = arith.index_cast %scan3A_46 : i32 to index
          %get3A_175 = arith.constant 336 : index
          %get3A_176 = tpu.vector_load %arg10[%get3A_174, %get3A_175] {strides = array<i32>} : memref<64x384xf32, #tpu.memory_space<vmem>>, vector<1x16xf32>,
          %get3A_177 = vector.shape_cast %get3A_176 : vector<1x16xf32> to vector<16xf32>
          %mul3A_178 = arith.mulf %get3A_177, %get3A_161 : vector<16xf32>
          %add3A_179 = arith.addf %add3A_157, %mul3A_178 : vector<16xf32>
          %get3A_180 = arith.index_cast %scan3A_46 : i32 to index
          %get3A_181 = arith.constant 96 : index
          %get3A_182 = tpu.vector_load %arg11[%get3A_180, %get3A_181] {strides = array<i32>} : memref<64x128xf32, #tpu.memory_space<vmem>>, vector<1x16xf32>,
          %get3A_183 = vector.shape_cast %get3A_182 : vector<1x16xf32> to vector<16xf32>
          %get3A_184 = arith.index_cast %scan3A_46 : i32 to index
          %get3A_185 = arith.constant 96 : index
          %get3A_186 = tpu.vector_load %arg10[%get3A_184, %get3A_185] {strides = array<i32>} : memref<64x384xf32, #tpu.memory_space<vmem>>, vector<1x16xf32>,
          %get3A_187 = vector.shape_cast %get3A_186 : vector<1x16xf32> to vector<16xf32>
          %mul3A_188 = arith.mulf %get3A_187, %get3A_183 : vector<16xf32>
          %add3A_189 = arith.addf %add3A_167, %mul3A_188 : vector<16xf32>
          %get3A_190 = arith.index_cast %scan3A_46 : i32 to index
          %get3A_191 = arith.constant 224 : index
          %get3A_192 = tpu.vector_load %arg10[%get3A_190, %get3A_191] {strides = array<i32>} : memref<64x384xf32, #tpu.memory_space<vmem>>, vector<1x16xf32>,
          %get3A_193 = vector.shape_cast %get3A_192 : vector<1x16xf32> to vector<16xf32>
          %mul3A_194 = arith.mulf %get3A_193, %get3A_183 : vector<16xf32>
          %add3A_195 = arith.addf %add3A_173, %mul3A_194 : vector<16xf32>
          %get3A_196 = arith.index_cast %scan3A_46 : i32 to index
          %get3A_197 = arith.constant 352 : index
          %get3A_198 = tpu.vector_load %arg10[%get3A_196, %get3A_197] {strides = array<i32>} : memref<64x384xf32, #tpu.memory_space<vmem>>, vector<1x16xf32>,
          %get3A_199 = vector.shape_cast %get3A_198 : vector<1x16xf32> to vector<16xf32>
          %mul3A_200 = arith.mulf %get3A_199, %get3A_183 : vector<16xf32>
          %add3A_201 = arith.addf %add3A_179, %mul3A_200 : vector<16xf32>
          %get3A_202 = arith.index_cast %scan3A_46 : i32 to index
          %get3A_203 = arith.constant 112 : index
          %get3A_204 = tpu.vector_load %arg11[%get3A_202, %get3A_203] {strides = array<i32>} : memref<64x128xf32, #tpu.memory_space<vmem>>, vector<1x16xf32>,
          %get3A_205 = vector.shape_cast %get3A_204 : vector<1x16xf32> to vector<16xf32>
          %get3A_206 = arith.index_cast %scan3A_46 : i32 to index
          %get3A_207 = arith.constant 112 : index
          %get3A_208 = tpu.vector_load %arg10[%get3A_206, %get3A_207] {strides = array<i32>} : memref<64x384xf32, #tpu.memory_space<vmem>>, vector<1x16xf32>,
          %get3A_209 = vector.shape_cast %get3A_208 : vector<1x16xf32> to vector<16xf32>
          %mul3A_210 = arith.mulf %get3A_209, %get3A_205 : vector<16xf32>
          %add3A_211 = arith.addf %add3A_189, %mul3A_210 : vector<16xf32>
          %get3A_212 = arith.index_cast %scan3A_46 : i32 to index
          %get3A_213 = arith.constant 240 : index
          %get3A_214 = tpu.vector_load %arg10[%get3A_212, %get3A_213] {strides = array<i32>} : memref<64x384xf32, #tpu.memory_space<vmem>>, vector<1x16xf32>,
          %get3A_215 = vector.shape_cast %get3A_214 : vector<1x16xf32> to vector<16xf32>
          %mul3A_216 = arith.mulf %get3A_215, %get3A_205 : vector<16xf32>
          %add3A_217 = arith.addf %add3A_195, %mul3A_216 : vector<16xf32>
          %get3A_218 = arith.index_cast %scan3A_46 : i32 to index
          %get3A_219 = arith.constant 368 : index
          %get3A_220 = tpu.vector_load %arg10[%get3A_218, %get3A_219] {strides = array<i32>} : memref<64x384xf32, #tpu.memory_space<vmem>>, vector<1x16xf32>,
          %get3A_221 = vector.shape_cast %get3A_220 : vector<1x16xf32> to vector<16xf32>
          %mul3A_222 = arith.mulf %get3A_221, %get3A_205 : vector<16xf32>
          %add3A_223 = arith.addf %add3A_201, %mul3A_222 : vector<16xf32>
          %swap3A = arith.index_cast %scan3A_46 : i32 to index
          %swap3A_224 = arith.constant 0 : index
          %swap3A_225 = tpu.vector_load %arg12[%swap3A, %swap3A_224] {strides = array<i32>} : memref<64x128xf32, #tpu.memory_space<vmem>>, vector<1x16xf32>,
          %swap3A_226 = vector.shape_cast %swap3A_225 : vector<1x16xf32> to vector<16xf32>
          %swap3A_227 = vector.shape_cast %add3A_211 : vector<16xf32> to vector<1x16xf32>
          tpu.vector_store %arg12[%swap3A, %swap3A_224], %swap3A_227 {strides = array<i32>} : memref<64x128xf32, #tpu.memory_space<vmem>>, vector<1x16xf32>,
          %swap3A_228 = arith.index_cast %scan3A_46 : i32 to index
          %swap3A_229 = arith.constant 16 : index
          %swap3A_230 = tpu.vector_load %arg12[%swap3A_228, %swap3A_229] {strides = array<i32>} : memref<64x128xf32, #tpu.memory_space<vmem>>, vector<1x16xf32>,
          %swap3A_231 = vector.shape_cast %swap3A_230 : vector<1x16xf32> to vector<16xf32>
          %swap3A_232 = vector.shape_cast %add3A_217 : vector<16xf32> to vector<1x16xf32>
          tpu.vector_store %arg12[%swap3A_228, %swap3A_229], %swap3A_232 {strides = array<i32>} : memref<64x128xf32, #tpu.memory_space<vmem>>, vector<1x16xf32>,
          %swap3A_233 = arith.index_cast %scan3A_46 : i32 to index
          %swap3A_234 = arith.constant 32 : index
          %swap3A_235 = tpu.vector_load %arg12[%swap3A_233, %swap3A_234] {strides = array<i32>} : memref<64x128xf32, #tpu.memory_space<vmem>>, vector<1x16xf32>,
          %swap3A_236 = vector.shape_cast %swap3A_235 : vector<1x16xf32> to vector<16xf32>
          %swap3A_237 = vector.shape_cast %add3A_223 : vector<16xf32> to vector<1x16xf32>
          tpu.vector_store %arg12[%swap3A_233, %swap3A_234], %swap3A_237 {strides = array<i32>} : memref<64x128xf32, #tpu.memory_space<vmem>>, vector<1x16xf32>,
          %scan3A_238 = arith.constant 0 : i32
          scf.yield %scan3A_238 : i32
        }
        %scan3A_44 = arith.constant 64 : i32
        %run_scoped3A_45 = arith.constant 0 : i32
        "tpu.region"() ({
          %run_scoped3A_46 = tpu.sem_alloc : memref<!tpu.dma_semaphore, #tpu.memory_space<semaphore_mem>>
          %dma_start3A_47 = arith.constant 0 : i32
          %dma_start3A_48 = tpu.memref_slice %arg9[%run_scoped3A_45, %dma_start3A_47] : memref<1x64xi32, #tpu.memory_space<vmem>> -> memref<1x64xi32, #tpu.memory_space<vmem>>
          %dma_start3A_49 = tpu.memref_squeeze %dma_start3A_48 : memref<1x64xi32, #tpu.memory_space<vmem>> -> memref<64xi32, #tpu.memory_space<vmem>>
          %dma_start3A_50 = arith.constant 0 : i32
          %dma_start3A_51 = arith.constant 0 : i32
          %dma_start3A_52 = tpu.memref_slice %arg13[%dma_start3A_50, %dma_start3A_51] : memref<10240x128xf32, #tpu.memory_space<vmem_shared>> -> memref<10240x128xf32, #tpu.memory_space<vmem_shared>>
          tpu.enqueue_indirect_dma source(%arg12 : memref<64x128xf32, #tpu.memory_space<vmem>>) target(%dma_start3A_52 : memref<10240x128xf32, #tpu.memory_space<vmem_shared>>) offsets(%dma_start3A_49 : memref<64xi32, #tpu.memory_space<vmem>>) semaphore(%run_scoped3A_46 : memref<!tpu.dma_semaphore, #tpu.memory_space<semaphore_mem>>) {add = true}
          %dma_wait3A_53 = arith.constant 0 : i32
          %dma_wait3A_54 = tpu.memref_slice %arg9[%run_scoped3A_45, %dma_wait3A_53] : memref<1x64xi32, #tpu.memory_space<vmem>> -> memref<1x64xi32, #tpu.memory_space<vmem>>
          %dma_wait3A_55 = tpu.memref_squeeze %dma_wait3A_54 : memref<1x64xi32, #tpu.memory_space<vmem>> -> memref<64xi32, #tpu.memory_space<vmem>>
          %dma_wait3A_56 = arith.constant 0 : i32
          %dma_wait3A_57 = arith.constant 0 : i32
          %dma_wait3A_58 = tpu.memref_slice %arg13[%dma_wait3A_56, %dma_wait3A_57] : memref<10240x128xf32, #tpu.memory_space<vmem_shared>> -> memref<10240x128xf32, #tpu.memory_space<vmem_shared>>
          tpu.wait_indirect_dma semaphore(%run_scoped3A_46 : memref<!tpu.dma_semaphore, #tpu.memory_space<semaphore_mem>>) src(%arg12 : memref<64x128xf32, #tpu.memory_space<vmem>>) dst(%dma_wait3A_58 : memref<10240x128xf32, #tpu.memory_space<vmem_shared>>)
          tpu.yield
        }) : () -> ()
      } else {
      }
      %scan3A_31 = arith.constant 0 : i32
      scf.yield %scan3A_31 : i32
    }
    %scan3A_15 = arith.constant 79 : i32
    %barrier3A_16 = arith.constant 0 : index
    tpu.barrier barrier_id(%barrier3A_16)
    %eq3A_17 = arith.constant 0 : i32
    %eq3A_18 = arith.cmpi eq, %arg1, %eq3A_17 : i32
    %convert_element_type3A_19 = arith.extui %eq3A_18 : i1 to i32
    %cond3A_20 = arith.constant 0 : i32
    %cond3A_21 = arith.cmpi ne, %convert_element_type3A_19, %cond3A_20 : i32
    scf.if %cond3A_21 {
      "tpu.region"() ({
        %run_scoped3A = tpu.sem_alloc : memref<!tpu.dma_semaphore, #tpu.memory_space<semaphore_mem>>
        %dma_start3A = arith.constant 0 : i32
        %dma_start3A_22 = arith.constant 0 : i32
        %dma_start3A_23 = tpu.memref_slice %arg7[%arg0, %dma_start3A, %dma_start3A_22] : memref<2x10240x128xf32, #tpu.memory_space<hbm>> -> memref<1x10240x128xf32, #tpu.memory_space<hbm>>
        %dma_start3A_24 = tpu.memref_squeeze %dma_start3A_23 : memref<1x10240x128xf32, #tpu.memory_space<hbm>> -> memref<10240x128xf32, #tpu.memory_space<hbm>>
        tpu.enqueue_dma source(%arg13 : memref<10240x128xf32, #tpu.memory_space<vmem_shared>>) target(%dma_start3A_24 : memref<10240x128xf32, #tpu.memory_space<hbm>>) target_semaphore(%run_scoped3A : memref<!tpu.dma_semaphore, #tpu.memory_space<semaphore_mem>>)
        %dma_wait3A = arith.constant 0 : i32
        %dma_wait3A_25 = arith.constant 0 : i32
        %dma_wait3A_26 = tpu.memref_slice %arg7[%arg0, %dma_wait3A, %dma_wait3A_25] : memref<2x10240x128xf32, #tpu.memory_space<hbm>> -> memref<1x10240x128xf32, #tpu.memory_space<hbm>>
        %dma_wait3A_27 = tpu.memref_squeeze %dma_wait3A_26 : memref<1x10240x128xf32, #tpu.memory_space<hbm>> -> memref<10240x128xf32, #tpu.memory_space<hbm>>
        tpu.wait_dma2 semaphore(%run_scoped3A : memref<!tpu.dma_semaphore, #tpu.memory_space<semaphore_mem>>) src(%arg13 : memref<10240x128xf32, #tpu.memory_space<vmem_shared>>) dst(%dma_wait3A_27 : memref<10240x128xf32, #tpu.memory_space<hbm>>)
        tpu.yield
      }) : () -> ()
    } else {
    }
    return
  }
}

#map = affine_map<(d0, d1) -> (0, 0)>
#map1 = affine_map<(d0, d1) -> (0)>
module attributes {stable_mosaic.version = 14 : i64} {
  func.func @_edge_gather_body(%arg0: i32, %arg1: i32, %arg2: memref<10240x256xf32, #tpu.memory_space<hbm>>, %arg3: memref<10240x256xf32, #tpu.memory_space<hbm>>, %arg4: memref<160000xi32, #tpu.memory_space<hbm>>, %arg5: memref<160000xi32, #tpu.memory_space<hbm>>, %arg6: memref<160000x256xf32, #tpu.memory_space<hbm>>, %arg7: memref<128xi32, #tpu.memory_space<vmem>>, %arg8: memref<128xi32, #tpu.memory_space<vmem>>, %arg9: memref<128x256xf32, #tpu.memory_space<vmem>>, %arg10: memref<128x256xf32, #tpu.memory_space<vmem>>, %arg11: memref<!tpu.dma_semaphore, #tpu.memory_space<semaphore_mem>>, %arg12: memref<!tpu.dma_semaphore, #tpu.memory_space<semaphore_mem>>) attributes {dimension_semantics = [#tpu.dimension_semantics<core_parallel>, #tpu.dimension_semantics<subcore_parallel>], iteration_bounds = array<i64: 2, 16>, scalar_prefetch = 0 : i64, scratch_operands = 6 : i64, tpu.core_type = #tpu.core_type<sc_vector_subcore>, window_params = [{transform_indices = #map}, {transform_indices = #map}, {transform_indices = #map1}, {transform_indices = #map1}, {transform_indices = #map}]} {
    %mul3A = arith.constant 2 : i32
    %mul3A_0 = arith.muli %arg1, %mul3A : i32
    %add3A = arith.addi %mul3A_0, %arg0 : i32
    %scan3A = arith.constant 0 : i32
    %scan3A_1 = arith.constant 0 : i32
    %scan3A_2 = arith.constant 40 : i32
    %scan3A_3 = arith.addi %scan3A_1, %scan3A_2 : i32
    %scan3A_4 = arith.constant 1 : i32
    %scan3A_5 = scf.for %scan3A_7 = %scan3A_1 to %scan3A_3 step %scan3A_4 iter_args(%scan3A_8 = %scan3A) -> (i32)  : i32 {
      %mul3A_9 = arith.constant 32 : i32
      %mul3A_10 = arith.muli %mul3A_9, %scan3A_7 : i32
      %add3A_11 = arith.addi %add3A, %mul3A_10 : i32
      %lt3A = arith.constant 1250 : i32
      %lt3A_12 = arith.cmpi slt, %add3A_11, %lt3A : i32
      %convert_element_type3A = arith.extui %lt3A_12 : i1 to i32
      %cond3A = arith.constant 0 : i32
      %cond3A_13 = arith.cmpi ne, %convert_element_type3A, %cond3A : i32
      scf.if %cond3A_13 {
        %mul3A_15 = arith.constant 128 : i32
        %mul3A_16 = arith.muli %add3A_11, %mul3A_15 : i32
        "tpu.region"() ({
          %run_scoped3A = tpu.sem_alloc : memref<!tpu.dma_semaphore, #tpu.memory_space<semaphore_mem>>
          %dma_start3A_34 = tpu.memref_slice %arg4[%mul3A_16] : memref<160000xi32, #tpu.memory_space<hbm>> -> memref<128xi32, #tpu.memory_space<hbm>>
          %dma_start3A_35 = tpu.memref_slice %arg4[%mul3A_16] : memref<160000xi32, #tpu.memory_space<hbm>> -> memref<128xi32, #tpu.memory_space<hbm>>
          tpu.enqueue_dma source(%dma_start3A_35 : memref<128xi32, #tpu.memory_space<hbm>>) target(%arg7 : memref<128xi32, #tpu.memory_space<vmem>>) target_semaphore(%run_scoped3A : memref<!tpu.dma_semaphore, #tpu.memory_space<semaphore_mem>>)
          %dma_wait3A_36 = tpu.memref_slice %arg4[%mul3A_16] : memref<160000xi32, #tpu.memory_space<hbm>> -> memref<128xi32, #tpu.memory_space<hbm>>
          %dma_wait3A_37 = tpu.memref_slice %arg4[%mul3A_16] : memref<160000xi32, #tpu.memory_space<hbm>> -> memref<128xi32, #tpu.memory_space<hbm>>
          tpu.wait_dma2 semaphore(%run_scoped3A : memref<!tpu.dma_semaphore, #tpu.memory_space<semaphore_mem>>) src(%dma_wait3A_37 : memref<128xi32, #tpu.memory_space<hbm>>) dst(%arg7 : memref<128xi32, #tpu.memory_space<vmem>>)
          tpu.yield
        }) : () -> ()
        "tpu.region"() ({
          %run_scoped3A = tpu.sem_alloc : memref<!tpu.dma_semaphore, #tpu.memory_space<semaphore_mem>>
          %dma_start3A_34 = tpu.memref_slice %arg5[%mul3A_16] : memref<160000xi32, #tpu.memory_space<hbm>> -> memref<128xi32, #tpu.memory_space<hbm>>
          %dma_start3A_35 = tpu.memref_slice %arg5[%mul3A_16] : memref<160000xi32, #tpu.memory_space<hbm>> -> memref<128xi32, #tpu.memory_space<hbm>>
          tpu.enqueue_dma source(%dma_start3A_35 : memref<128xi32, #tpu.memory_space<hbm>>) target(%arg8 : memref<128xi32, #tpu.memory_space<vmem>>) target_semaphore(%run_scoped3A : memref<!tpu.dma_semaphore, #tpu.memory_space<semaphore_mem>>)
          %dma_wait3A_36 = tpu.memref_slice %arg5[%mul3A_16] : memref<160000xi32, #tpu.memory_space<hbm>> -> memref<128xi32, #tpu.memory_space<hbm>>
          %dma_wait3A_37 = tpu.memref_slice %arg5[%mul3A_16] : memref<160000xi32, #tpu.memory_space<hbm>> -> memref<128xi32, #tpu.memory_space<hbm>>
          tpu.wait_dma2 semaphore(%run_scoped3A : memref<!tpu.dma_semaphore, #tpu.memory_space<semaphore_mem>>) src(%dma_wait3A_37 : memref<128xi32, #tpu.memory_space<hbm>>) dst(%arg8 : memref<128xi32, #tpu.memory_space<vmem>>)
          tpu.yield
        }) : () -> ()
        %dma_start3A = arith.constant 0 : i32
        %dma_start3A_17 = arith.constant 0 : i32
        %dma_start3A_18 = tpu.memref_slice %arg2[%dma_start3A, %dma_start3A_17] : memref<10240x256xf32, #tpu.memory_space<hbm>> -> memref<10240x256xf32, #tpu.memory_space<hbm>>
        tpu.enqueue_indirect_dma source(%dma_start3A_18 : memref<10240x256xf32, #tpu.memory_space<hbm>>) target(%arg9 : memref<128x256xf32, #tpu.memory_space<vmem>>) offsets(%arg7 : memref<128xi32, #tpu.memory_space<vmem>>) semaphore(%arg11 : memref<!tpu.dma_semaphore, #tpu.memory_space<semaphore_mem>>)
        %dma_start3A_19 = arith.constant 0 : i32
        %dma_start3A_20 = arith.constant 0 : i32
        %dma_start3A_21 = tpu.memref_slice %arg3[%dma_start3A_19, %dma_start3A_20] : memref<10240x256xf32, #tpu.memory_space<hbm>> -> memref<10240x256xf32, #tpu.memory_space<hbm>>
        tpu.enqueue_indirect_dma source(%dma_start3A_21 : memref<10240x256xf32, #tpu.memory_space<hbm>>) target(%arg10 : memref<128x256xf32, #tpu.memory_space<vmem>>) offsets(%arg8 : memref<128xi32, #tpu.memory_space<vmem>>) semaphore(%arg12 : memref<!tpu.dma_semaphore, #tpu.memory_space<semaphore_mem>>)
        %dma_wait3A = arith.constant 0 : i32
        %dma_wait3A_22 = arith.constant 0 : i32
        %dma_wait3A_23 = tpu.memref_slice %arg2[%dma_wait3A, %dma_wait3A_22] : memref<10240x256xf32, #tpu.memory_space<hbm>> -> memref<10240x256xf32, #tpu.memory_space<hbm>>
        tpu.wait_indirect_dma semaphore(%arg11 : memref<!tpu.dma_semaphore, #tpu.memory_space<semaphore_mem>>) src(%dma_wait3A_23 : memref<10240x256xf32, #tpu.memory_space<hbm>>) dst(%arg9 : memref<128x256xf32, #tpu.memory_space<vmem>>)
        %dma_wait3A_24 = arith.constant 0 : i32
        %dma_wait3A_25 = arith.constant 0 : i32
        %dma_wait3A_26 = tpu.memref_slice %arg3[%dma_wait3A_24, %dma_wait3A_25] : memref<10240x256xf32, #tpu.memory_space<hbm>> -> memref<10240x256xf32, #tpu.memory_space<hbm>>
        tpu.wait_indirect_dma semaphore(%arg12 : memref<!tpu.dma_semaphore, #tpu.memory_space<semaphore_mem>>) src(%dma_wait3A_26 : memref<10240x256xf32, #tpu.memory_space<hbm>>) dst(%arg10 : memref<128x256xf32, #tpu.memory_space<vmem>>)
        %scan3A_27 = arith.constant 0 : i32
        %scan3A_28 = arith.constant 0 : i32
        %scan3A_29 = arith.constant 128 : i32
        %scan3A_30 = arith.addi %scan3A_28, %scan3A_29 : i32
        %scan3A_31 = arith.constant 1 : i32
        %scan3A_32 = scf.for %scan3A_34 = %scan3A_28 to %scan3A_30 step %scan3A_31 iter_args(%scan3A_35 = %scan3A_27) -> (i32)  : i32 {
          %get3A = arith.index_cast %scan3A_34 : i32 to index
          %get3A_36 = arith.constant 0 : index
          %get3A_37 = tpu.vector_load %arg9[%get3A, %get3A_36] {strides = array<i32>} : memref<128x256xf32, #tpu.memory_space<vmem>>, vector<1x16xf32>,
          %get3A_38 = vector.shape_cast %get3A_37 : vector<1x16xf32> to vector<16xf32>
          %get3A_39 = arith.index_cast %scan3A_34 : i32 to index
          %get3A_40 = arith.constant 0 : index
          %get3A_41 = tpu.vector_load %arg10[%get3A_39, %get3A_40] {strides = array<i32>} : memref<128x256xf32, #tpu.memory_space<vmem>>, vector<1x16xf32>,
          %get3A_42 = vector.shape_cast %get3A_41 : vector<1x16xf32> to vector<16xf32>
          %add3A_43 = arith.addf %get3A_38, %get3A_42 : vector<16xf32>
          %swap3A = arith.index_cast %scan3A_34 : i32 to index
          %swap3A_44 = arith.constant 0 : index
          %swap3A_45 = tpu.vector_load %arg9[%swap3A, %swap3A_44] {strides = array<i32>} : memref<128x256xf32, #tpu.memory_space<vmem>>, vector<1x16xf32>,
          %swap3A_46 = vector.shape_cast %swap3A_45 : vector<1x16xf32> to vector<16xf32>
          %swap3A_47 = vector.shape_cast %add3A_43 : vector<16xf32> to vector<1x16xf32>
          tpu.vector_store %arg9[%swap3A, %swap3A_44], %swap3A_47 {strides = array<i32>} : memref<128x256xf32, #tpu.memory_space<vmem>>, vector<1x16xf32>,
          %get3A_48 = arith.index_cast %scan3A_34 : i32 to index
          %get3A_49 = arith.constant 16 : index
          %get3A_50 = tpu.vector_load %arg9[%get3A_48, %get3A_49] {strides = array<i32>} : memref<128x256xf32, #tpu.memory_space<vmem>>, vector<1x16xf32>,
          %get3A_51 = vector.shape_cast %get3A_50 : vector<1x16xf32> to vector<16xf32>
          %get3A_52 = arith.index_cast %scan3A_34 : i32 to index
          %get3A_53 = arith.constant 16 : index
          %get3A_54 = tpu.vector_load %arg10[%get3A_52, %get3A_53] {strides = array<i32>} : memref<128x256xf32, #tpu.memory_space<vmem>>, vector<1x16xf32>,
          %get3A_55 = vector.shape_cast %get3A_54 : vector<1x16xf32> to vector<16xf32>
          %add3A_56 = arith.addf %get3A_51, %get3A_55 : vector<16xf32>
          %swap3A_57 = arith.index_cast %scan3A_34 : i32 to index
          %swap3A_58 = arith.constant 16 : index
          %swap3A_59 = tpu.vector_load %arg9[%swap3A_57, %swap3A_58] {strides = array<i32>} : memref<128x256xf32, #tpu.memory_space<vmem>>, vector<1x16xf32>,
          %swap3A_60 = vector.shape_cast %swap3A_59 : vector<1x16xf32> to vector<16xf32>
          %swap3A_61 = vector.shape_cast %add3A_56 : vector<16xf32> to vector<1x16xf32>
          tpu.vector_store %arg9[%swap3A_57, %swap3A_58], %swap3A_61 {strides = array<i32>} : memref<128x256xf32, #tpu.memory_space<vmem>>, vector<1x16xf32>,
          %get3A_62 = arith.index_cast %scan3A_34 : i32 to index
          %get3A_63 = arith.constant 32 : index
          %get3A_64 = tpu.vector_load %arg9[%get3A_62, %get3A_63] {strides = array<i32>} : memref<128x256xf32, #tpu.memory_space<vmem>>, vector<1x16xf32>,
          %get3A_65 = vector.shape_cast %get3A_64 : vector<1x16xf32> to vector<16xf32>
          %get3A_66 = arith.index_cast %scan3A_34 : i32 to index
          %get3A_67 = arith.constant 32 : index
          %get3A_68 = tpu.vector_load %arg10[%get3A_66, %get3A_67] {strides = array<i32>} : memref<128x256xf32, #tpu.memory_space<vmem>>, vector<1x16xf32>,
          %get3A_69 = vector.shape_cast %get3A_68 : vector<1x16xf32> to vector<16xf32>
          %add3A_70 = arith.addf %get3A_65, %get3A_69 : vector<16xf32>
          %swap3A_71 = arith.index_cast %scan3A_34 : i32 to index
          %swap3A_72 = arith.constant 32 : index
          %swap3A_73 = tpu.vector_load %arg9[%swap3A_71, %swap3A_72] {strides = array<i32>} : memref<128x256xf32, #tpu.memory_space<vmem>>, vector<1x16xf32>,
          %swap3A_74 = vector.shape_cast %swap3A_73 : vector<1x16xf32> to vector<16xf32>
          %swap3A_75 = vector.shape_cast %add3A_70 : vector<16xf32> to vector<1x16xf32>
          tpu.vector_store %arg9[%swap3A_71, %swap3A_72], %swap3A_75 {strides = array<i32>} : memref<128x256xf32, #tpu.memory_space<vmem>>, vector<1x16xf32>,
          %get3A_76 = arith.index_cast %scan3A_34 : i32 to index
          %get3A_77 = arith.constant 48 : index
          %get3A_78 = tpu.vector_load %arg9[%get3A_76, %get3A_77] {strides = array<i32>} : memref<128x256xf32, #tpu.memory_space<vmem>>, vector<1x16xf32>,
          %get3A_79 = vector.shape_cast %get3A_78 : vector<1x16xf32> to vector<16xf32>
          %get3A_80 = arith.index_cast %scan3A_34 : i32 to index
          %get3A_81 = arith.constant 48 : index
          %get3A_82 = tpu.vector_load %arg10[%get3A_80, %get3A_81] {strides = array<i32>} : memref<128x256xf32, #tpu.memory_space<vmem>>, vector<1x16xf32>,
          %get3A_83 = vector.shape_cast %get3A_82 : vector<1x16xf32> to vector<16xf32>
          %add3A_84 = arith.addf %get3A_79, %get3A_83 : vector<16xf32>
          %swap3A_85 = arith.index_cast %scan3A_34 : i32 to index
          %swap3A_86 = arith.constant 48 : index
          %swap3A_87 = tpu.vector_load %arg9[%swap3A_85, %swap3A_86] {strides = array<i32>} : memref<128x256xf32, #tpu.memory_space<vmem>>, vector<1x16xf32>,
          %swap3A_88 = vector.shape_cast %swap3A_87 : vector<1x16xf32> to vector<16xf32>
          %swap3A_89 = vector.shape_cast %add3A_84 : vector<16xf32> to vector<1x16xf32>
          tpu.vector_store %arg9[%swap3A_85, %swap3A_86], %swap3A_89 {strides = array<i32>} : memref<128x256xf32, #tpu.memory_space<vmem>>, vector<1x16xf32>,
          %get3A_90 = arith.index_cast %scan3A_34 : i32 to index
          %get3A_91 = arith.constant 64 : index
          %get3A_92 = tpu.vector_load %arg9[%get3A_90, %get3A_91] {strides = array<i32>} : memref<128x256xf32, #tpu.memory_space<vmem>>, vector<1x16xf32>,
          %get3A_93 = vector.shape_cast %get3A_92 : vector<1x16xf32> to vector<16xf32>
          %get3A_94 = arith.index_cast %scan3A_34 : i32 to index
          %get3A_95 = arith.constant 64 : index
          %get3A_96 = tpu.vector_load %arg10[%get3A_94, %get3A_95] {strides = array<i32>} : memref<128x256xf32, #tpu.memory_space<vmem>>, vector<1x16xf32>,
          %get3A_97 = vector.shape_cast %get3A_96 : vector<1x16xf32> to vector<16xf32>
          %add3A_98 = arith.addf %get3A_93, %get3A_97 : vector<16xf32>
          %swap3A_99 = arith.index_cast %scan3A_34 : i32 to index
          %swap3A_100 = arith.constant 64 : index
          %swap3A_101 = tpu.vector_load %arg9[%swap3A_99, %swap3A_100] {strides = array<i32>} : memref<128x256xf32, #tpu.memory_space<vmem>>, vector<1x16xf32>,
          %swap3A_102 = vector.shape_cast %swap3A_101 : vector<1x16xf32> to vector<16xf32>
          %swap3A_103 = vector.shape_cast %add3A_98 : vector<16xf32> to vector<1x16xf32>
          tpu.vector_store %arg9[%swap3A_99, %swap3A_100], %swap3A_103 {strides = array<i32>} : memref<128x256xf32, #tpu.memory_space<vmem>>, vector<1x16xf32>,
          %get3A_104 = arith.index_cast %scan3A_34 : i32 to index
          %get3A_105 = arith.constant 80 : index
          %get3A_106 = tpu.vector_load %arg9[%get3A_104, %get3A_105] {strides = array<i32>} : memref<128x256xf32, #tpu.memory_space<vmem>>, vector<1x16xf32>,
          %get3A_107 = vector.shape_cast %get3A_106 : vector<1x16xf32> to vector<16xf32>
          %get3A_108 = arith.index_cast %scan3A_34 : i32 to index
          %get3A_109 = arith.constant 80 : index
          %get3A_110 = tpu.vector_load %arg10[%get3A_108, %get3A_109] {strides = array<i32>} : memref<128x256xf32, #tpu.memory_space<vmem>>, vector<1x16xf32>,
          %get3A_111 = vector.shape_cast %get3A_110 : vector<1x16xf32> to vector<16xf32>
          %add3A_112 = arith.addf %get3A_107, %get3A_111 : vector<16xf32>
          %swap3A_113 = arith.index_cast %scan3A_34 : i32 to index
          %swap3A_114 = arith.constant 80 : index
          %swap3A_115 = tpu.vector_load %arg9[%swap3A_113, %swap3A_114] {strides = array<i32>} : memref<128x256xf32, #tpu.memory_space<vmem>>, vector<1x16xf32>,
          %swap3A_116 = vector.shape_cast %swap3A_115 : vector<1x16xf32> to vector<16xf32>
          %swap3A_117 = vector.shape_cast %add3A_112 : vector<16xf32> to vector<1x16xf32>
          tpu.vector_store %arg9[%swap3A_113, %swap3A_114], %swap3A_117 {strides = array<i32>} : memref<128x256xf32, #tpu.memory_space<vmem>>, vector<1x16xf32>,
          %get3A_118 = arith.index_cast %scan3A_34 : i32 to index
          %get3A_119 = arith.constant 96 : index
          %get3A_120 = tpu.vector_load %arg9[%get3A_118, %get3A_119] {strides = array<i32>} : memref<128x256xf32, #tpu.memory_space<vmem>>, vector<1x16xf32>,
          %get3A_121 = vector.shape_cast %get3A_120 : vector<1x16xf32> to vector<16xf32>
          %get3A_122 = arith.index_cast %scan3A_34 : i32 to index
          %get3A_123 = arith.constant 96 : index
          %get3A_124 = tpu.vector_load %arg10[%get3A_122, %get3A_123] {strides = array<i32>} : memref<128x256xf32, #tpu.memory_space<vmem>>, vector<1x16xf32>,
          %get3A_125 = vector.shape_cast %get3A_124 : vector<1x16xf32> to vector<16xf32>
          %add3A_126 = arith.addf %get3A_121, %get3A_125 : vector<16xf32>
          %swap3A_127 = arith.index_cast %scan3A_34 : i32 to index
          %swap3A_128 = arith.constant 96 : index
          %swap3A_129 = tpu.vector_load %arg9[%swap3A_127, %swap3A_128] {strides = array<i32>} : memref<128x256xf32, #tpu.memory_space<vmem>>, vector<1x16xf32>,
          %swap3A_130 = vector.shape_cast %swap3A_129 : vector<1x16xf32> to vector<16xf32>
          %swap3A_131 = vector.shape_cast %add3A_126 : vector<16xf32> to vector<1x16xf32>
          tpu.vector_store %arg9[%swap3A_127, %swap3A_128], %swap3A_131 {strides = array<i32>} : memref<128x256xf32, #tpu.memory_space<vmem>>, vector<1x16xf32>,
          %get3A_132 = arith.index_cast %scan3A_34 : i32 to index
          %get3A_133 = arith.constant 112 : index
          %get3A_134 = tpu.vector_load %arg9[%get3A_132, %get3A_133] {strides = array<i32>} : memref<128x256xf32, #tpu.memory_space<vmem>>, vector<1x16xf32>,
          %get3A_135 = vector.shape_cast %get3A_134 : vector<1x16xf32> to vector<16xf32>
          %get3A_136 = arith.index_cast %scan3A_34 : i32 to index
          %get3A_137 = arith.constant 112 : index
          %get3A_138 = tpu.vector_load %arg10[%get3A_136, %get3A_137] {strides = array<i32>} : memref<128x256xf32, #tpu.memory_space<vmem>>, vector<1x16xf32>,
          %get3A_139 = vector.shape_cast %get3A_138 : vector<1x16xf32> to vector<16xf32>
          %add3A_140 = arith.addf %get3A_135, %get3A_139 : vector<16xf32>
          %swap3A_141 = arith.index_cast %scan3A_34 : i32 to index
          %swap3A_142 = arith.constant 112 : index
          %swap3A_143 = tpu.vector_load %arg9[%swap3A_141, %swap3A_142] {strides = array<i32>} : memref<128x256xf32, #tpu.memory_space<vmem>>, vector<1x16xf32>,
          %swap3A_144 = vector.shape_cast %swap3A_143 : vector<1x16xf32> to vector<16xf32>
          %swap3A_145 = vector.shape_cast %add3A_140 : vector<16xf32> to vector<1x16xf32>
          tpu.vector_store %arg9[%swap3A_141, %swap3A_142], %swap3A_145 {strides = array<i32>} : memref<128x256xf32, #tpu.memory_space<vmem>>, vector<1x16xf32>,
          %get3A_146 = arith.index_cast %scan3A_34 : i32 to index
          %get3A_147 = arith.constant 128 : index
          %get3A_148 = tpu.vector_load %arg9[%get3A_146, %get3A_147] {strides = array<i32>} : memref<128x256xf32, #tpu.memory_space<vmem>>, vector<1x16xf32>,
          %get3A_149 = vector.shape_cast %get3A_148 : vector<1x16xf32> to vector<16xf32>
          %get3A_150 = arith.index_cast %scan3A_34 : i32 to index
          %get3A_151 = arith.constant 128 : index
          %get3A_152 = tpu.vector_load %arg10[%get3A_150, %get3A_151] {strides = array<i32>} : memref<128x256xf32, #tpu.memory_space<vmem>>, vector<1x16xf32>,
          %get3A_153 = vector.shape_cast %get3A_152 : vector<1x16xf32> to vector<16xf32>
          %add3A_154 = arith.addf %get3A_149, %get3A_153 : vector<16xf32>
          %swap3A_155 = arith.index_cast %scan3A_34 : i32 to index
          %swap3A_156 = arith.constant 128 : index
          %swap3A_157 = tpu.vector_load %arg9[%swap3A_155, %swap3A_156] {strides = array<i32>} : memref<128x256xf32, #tpu.memory_space<vmem>>, vector<1x16xf32>,
          %swap3A_158 = vector.shape_cast %swap3A_157 : vector<1x16xf32> to vector<16xf32>
          %swap3A_159 = vector.shape_cast %add3A_154 : vector<16xf32> to vector<1x16xf32>
          tpu.vector_store %arg9[%swap3A_155, %swap3A_156], %swap3A_159 {strides = array<i32>} : memref<128x256xf32, #tpu.memory_space<vmem>>, vector<1x16xf32>,
          %get3A_160 = arith.index_cast %scan3A_34 : i32 to index
          %get3A_161 = arith.constant 144 : index
          %get3A_162 = tpu.vector_load %arg9[%get3A_160, %get3A_161] {strides = array<i32>} : memref<128x256xf32, #tpu.memory_space<vmem>>, vector<1x16xf32>,
          %get3A_163 = vector.shape_cast %get3A_162 : vector<1x16xf32> to vector<16xf32>
          %get3A_164 = arith.index_cast %scan3A_34 : i32 to index
          %get3A_165 = arith.constant 144 : index
          %get3A_166 = tpu.vector_load %arg10[%get3A_164, %get3A_165] {strides = array<i32>} : memref<128x256xf32, #tpu.memory_space<vmem>>, vector<1x16xf32>,
          %get3A_167 = vector.shape_cast %get3A_166 : vector<1x16xf32> to vector<16xf32>
          %add3A_168 = arith.addf %get3A_163, %get3A_167 : vector<16xf32>
          %swap3A_169 = arith.index_cast %scan3A_34 : i32 to index
          %swap3A_170 = arith.constant 144 : index
          %swap3A_171 = tpu.vector_load %arg9[%swap3A_169, %swap3A_170] {strides = array<i32>} : memref<128x256xf32, #tpu.memory_space<vmem>>, vector<1x16xf32>,
          %swap3A_172 = vector.shape_cast %swap3A_171 : vector<1x16xf32> to vector<16xf32>
          %swap3A_173 = vector.shape_cast %add3A_168 : vector<16xf32> to vector<1x16xf32>
          tpu.vector_store %arg9[%swap3A_169, %swap3A_170], %swap3A_173 {strides = array<i32>} : memref<128x256xf32, #tpu.memory_space<vmem>>, vector<1x16xf32>,
          %get3A_174 = arith.index_cast %scan3A_34 : i32 to index
          %get3A_175 = arith.constant 160 : index
          %get3A_176 = tpu.vector_load %arg9[%get3A_174, %get3A_175] {strides = array<i32>} : memref<128x256xf32, #tpu.memory_space<vmem>>, vector<1x16xf32>,
          %get3A_177 = vector.shape_cast %get3A_176 : vector<1x16xf32> to vector<16xf32>
          %get3A_178 = arith.index_cast %scan3A_34 : i32 to index
          %get3A_179 = arith.constant 160 : index
          %get3A_180 = tpu.vector_load %arg10[%get3A_178, %get3A_179] {strides = array<i32>} : memref<128x256xf32, #tpu.memory_space<vmem>>, vector<1x16xf32>,
          %get3A_181 = vector.shape_cast %get3A_180 : vector<1x16xf32> to vector<16xf32>
          %add3A_182 = arith.addf %get3A_177, %get3A_181 : vector<16xf32>
          %swap3A_183 = arith.index_cast %scan3A_34 : i32 to index
          %swap3A_184 = arith.constant 160 : index
          %swap3A_185 = tpu.vector_load %arg9[%swap3A_183, %swap3A_184] {strides = array<i32>} : memref<128x256xf32, #tpu.memory_space<vmem>>, vector<1x16xf32>,
          %swap3A_186 = vector.shape_cast %swap3A_185 : vector<1x16xf32> to vector<16xf32>
          %swap3A_187 = vector.shape_cast %add3A_182 : vector<16xf32> to vector<1x16xf32>
          tpu.vector_store %arg9[%swap3A_183, %swap3A_184], %swap3A_187 {strides = array<i32>} : memref<128x256xf32, #tpu.memory_space<vmem>>, vector<1x16xf32>,
          %get3A_188 = arith.index_cast %scan3A_34 : i32 to index
          %get3A_189 = arith.constant 176 : index
          %get3A_190 = tpu.vector_load %arg9[%get3A_188, %get3A_189] {strides = array<i32>} : memref<128x256xf32, #tpu.memory_space<vmem>>, vector<1x16xf32>,
          %get3A_191 = vector.shape_cast %get3A_190 : vector<1x16xf32> to vector<16xf32>
          %get3A_192 = arith.index_cast %scan3A_34 : i32 to index
          %get3A_193 = arith.constant 176 : index
          %get3A_194 = tpu.vector_load %arg10[%get3A_192, %get3A_193] {strides = array<i32>} : memref<128x256xf32, #tpu.memory_space<vmem>>, vector<1x16xf32>,
          %get3A_195 = vector.shape_cast %get3A_194 : vector<1x16xf32> to vector<16xf32>
          %add3A_196 = arith.addf %get3A_191, %get3A_195 : vector<16xf32>
          %swap3A_197 = arith.index_cast %scan3A_34 : i32 to index
          %swap3A_198 = arith.constant 176 : index
          %swap3A_199 = tpu.vector_load %arg9[%swap3A_197, %swap3A_198] {strides = array<i32>} : memref<128x256xf32, #tpu.memory_space<vmem>>, vector<1x16xf32>,
          %swap3A_200 = vector.shape_cast %swap3A_199 : vector<1x16xf32> to vector<16xf32>
          %swap3A_201 = vector.shape_cast %add3A_196 : vector<16xf32> to vector<1x16xf32>
          tpu.vector_store %arg9[%swap3A_197, %swap3A_198], %swap3A_201 {strides = array<i32>} : memref<128x256xf32, #tpu.memory_space<vmem>>, vector<1x16xf32>,
          %get3A_202 = arith.index_cast %scan3A_34 : i32 to index
          %get3A_203 = arith.constant 192 : index
          %get3A_204 = tpu.vector_load %arg9[%get3A_202, %get3A_203] {strides = array<i32>} : memref<128x256xf32, #tpu.memory_space<vmem>>, vector<1x16xf32>,
          %get3A_205 = vector.shape_cast %get3A_204 : vector<1x16xf32> to vector<16xf32>
          %get3A_206 = arith.index_cast %scan3A_34 : i32 to index
          %get3A_207 = arith.constant 192 : index
          %get3A_208 = tpu.vector_load %arg10[%get3A_206, %get3A_207] {strides = array<i32>} : memref<128x256xf32, #tpu.memory_space<vmem>>, vector<1x16xf32>,
          %get3A_209 = vector.shape_cast %get3A_208 : vector<1x16xf32> to vector<16xf32>
          %add3A_210 = arith.addf %get3A_205, %get3A_209 : vector<16xf32>
          %swap3A_211 = arith.index_cast %scan3A_34 : i32 to index
          %swap3A_212 = arith.constant 192 : index
          %swap3A_213 = tpu.vector_load %arg9[%swap3A_211, %swap3A_212] {strides = array<i32>} : memref<128x256xf32, #tpu.memory_space<vmem>>, vector<1x16xf32>,
          %swap3A_214 = vector.shape_cast %swap3A_213 : vector<1x16xf32> to vector<16xf32>
          %swap3A_215 = vector.shape_cast %add3A_210 : vector<16xf32> to vector<1x16xf32>
          tpu.vector_store %arg9[%swap3A_211, %swap3A_212], %swap3A_215 {strides = array<i32>} : memref<128x256xf32, #tpu.memory_space<vmem>>, vector<1x16xf32>,
          %get3A_216 = arith.index_cast %scan3A_34 : i32 to index
          %get3A_217 = arith.constant 208 : index
          %get3A_218 = tpu.vector_load %arg9[%get3A_216, %get3A_217] {strides = array<i32>} : memref<128x256xf32, #tpu.memory_space<vmem>>, vector<1x16xf32>,
          %get3A_219 = vector.shape_cast %get3A_218 : vector<1x16xf32> to vector<16xf32>
          %get3A_220 = arith.index_cast %scan3A_34 : i32 to index
          %get3A_221 = arith.constant 208 : index
          %get3A_222 = tpu.vector_load %arg10[%get3A_220, %get3A_221] {strides = array<i32>} : memref<128x256xf32, #tpu.memory_space<vmem>>, vector<1x16xf32>,
          %get3A_223 = vector.shape_cast %get3A_222 : vector<1x16xf32> to vector<16xf32>
          %add3A_224 = arith.addf %get3A_219, %get3A_223 : vector<16xf32>
          %swap3A_225 = arith.index_cast %scan3A_34 : i32 to index
          %swap3A_226 = arith.constant 208 : index
          %swap3A_227 = tpu.vector_load %arg9[%swap3A_225, %swap3A_226] {strides = array<i32>} : memref<128x256xf32, #tpu.memory_space<vmem>>, vector<1x16xf32>,
          %swap3A_228 = vector.shape_cast %swap3A_227 : vector<1x16xf32> to vector<16xf32>
          %swap3A_229 = vector.shape_cast %add3A_224 : vector<16xf32> to vector<1x16xf32>
          tpu.vector_store %arg9[%swap3A_225, %swap3A_226], %swap3A_229 {strides = array<i32>} : memref<128x256xf32, #tpu.memory_space<vmem>>, vector<1x16xf32>,
          %get3A_230 = arith.index_cast %scan3A_34 : i32 to index
          %get3A_231 = arith.constant 224 : index
          %get3A_232 = tpu.vector_load %arg9[%get3A_230, %get3A_231] {strides = array<i32>} : memref<128x256xf32, #tpu.memory_space<vmem>>, vector<1x16xf32>,
          %get3A_233 = vector.shape_cast %get3A_232 : vector<1x16xf32> to vector<16xf32>
          %get3A_234 = arith.index_cast %scan3A_34 : i32 to index
          %get3A_235 = arith.constant 224 : index
          %get3A_236 = tpu.vector_load %arg10[%get3A_234, %get3A_235] {strides = array<i32>} : memref<128x256xf32, #tpu.memory_space<vmem>>, vector<1x16xf32>,
          %get3A_237 = vector.shape_cast %get3A_236 : vector<1x16xf32> to vector<16xf32>
          %add3A_238 = arith.addf %get3A_233, %get3A_237 : vector<16xf32>
          %swap3A_239 = arith.index_cast %scan3A_34 : i32 to index
          %swap3A_240 = arith.constant 224 : index
          %swap3A_241 = tpu.vector_load %arg9[%swap3A_239, %swap3A_240] {strides = array<i32>} : memref<128x256xf32, #tpu.memory_space<vmem>>, vector<1x16xf32>,
          %swap3A_242 = vector.shape_cast %swap3A_241 : vector<1x16xf32> to vector<16xf32>
          %swap3A_243 = vector.shape_cast %add3A_238 : vector<16xf32> to vector<1x16xf32>
          tpu.vector_store %arg9[%swap3A_239, %swap3A_240], %swap3A_243 {strides = array<i32>} : memref<128x256xf32, #tpu.memory_space<vmem>>, vector<1x16xf32>,
          %get3A_244 = arith.index_cast %scan3A_34 : i32 to index
          %get3A_245 = arith.constant 240 : index
          %get3A_246 = tpu.vector_load %arg9[%get3A_244, %get3A_245] {strides = array<i32>} : memref<128x256xf32, #tpu.memory_space<vmem>>, vector<1x16xf32>,
          %get3A_247 = vector.shape_cast %get3A_246 : vector<1x16xf32> to vector<16xf32>
          %get3A_248 = arith.index_cast %scan3A_34 : i32 to index
          %get3A_249 = arith.constant 240 : index
          %get3A_250 = tpu.vector_load %arg10[%get3A_248, %get3A_249] {strides = array<i32>} : memref<128x256xf32, #tpu.memory_space<vmem>>, vector<1x16xf32>,
          %get3A_251 = vector.shape_cast %get3A_250 : vector<1x16xf32> to vector<16xf32>
          %add3A_252 = arith.addf %get3A_247, %get3A_251 : vector<16xf32>
          %swap3A_253 = arith.index_cast %scan3A_34 : i32 to index
          %swap3A_254 = arith.constant 240 : index
          %swap3A_255 = tpu.vector_load %arg9[%swap3A_253, %swap3A_254] {strides = array<i32>} : memref<128x256xf32, #tpu.memory_space<vmem>>, vector<1x16xf32>,
          %swap3A_256 = vector.shape_cast %swap3A_255 : vector<1x16xf32> to vector<16xf32>
          %swap3A_257 = vector.shape_cast %add3A_252 : vector<16xf32> to vector<1x16xf32>
          tpu.vector_store %arg9[%swap3A_253, %swap3A_254], %swap3A_257 {strides = array<i32>} : memref<128x256xf32, #tpu.memory_space<vmem>>, vector<1x16xf32>,
          %scan3A_258 = arith.constant 0 : i32
          scf.yield %scan3A_258 : i32
        }
        %scan3A_33 = arith.constant 128 : i32
        "tpu.region"() ({
          %run_scoped3A = tpu.sem_alloc : memref<!tpu.dma_semaphore, #tpu.memory_space<semaphore_mem>>
          %dma_start3A_34 = arith.constant 0 : i32
          %dma_start3A_35 = tpu.memref_slice %arg6[%mul3A_16, %dma_start3A_34] : memref<160000x256xf32, #tpu.memory_space<hbm>> -> memref<128x256xf32, #tpu.memory_space<hbm>>
          %dma_start3A_36 = arith.constant 0 : i32
          %dma_start3A_37 = tpu.memref_slice %arg6[%mul3A_16, %dma_start3A_36] : memref<160000x256xf32, #tpu.memory_space<hbm>> -> memref<128x256xf32, #tpu.memory_space<hbm>>
          tpu.enqueue_dma source(%arg9 : memref<128x256xf32, #tpu.memory_space<vmem>>) target(%dma_start3A_37 : memref<128x256xf32, #tpu.memory_space<hbm>>) target_semaphore(%run_scoped3A : memref<!tpu.dma_semaphore, #tpu.memory_space<semaphore_mem>>)
          %dma_wait3A_38 = arith.constant 0 : i32
          %dma_wait3A_39 = tpu.memref_slice %arg6[%mul3A_16, %dma_wait3A_38] : memref<160000x256xf32, #tpu.memory_space<hbm>> -> memref<128x256xf32, #tpu.memory_space<hbm>>
          %dma_wait3A_40 = arith.constant 0 : i32
          %dma_wait3A_41 = tpu.memref_slice %arg6[%mul3A_16, %dma_wait3A_40] : memref<160000x256xf32, #tpu.memory_space<hbm>> -> memref<128x256xf32, #tpu.memory_space<hbm>>
          tpu.wait_dma2 semaphore(%run_scoped3A : memref<!tpu.dma_semaphore, #tpu.memory_space<semaphore_mem>>) src(%arg9 : memref<128x256xf32, #tpu.memory_space<vmem>>) dst(%dma_wait3A_41 : memref<128x256xf32, #tpu.memory_space<hbm>>)
          tpu.yield
        }) : () -> ()
      } else {
      }
      %scan3A_14 = arith.constant 0 : i32
      scf.yield %scan3A_14 : i32
    }
    %scan3A_6 = arith.constant 40 : i32
    return
  }
}

#map = affine_map<(d0, d1) -> (0, 0)>
#map1 = affine_map<(d0, d1) -> (0)>
#map2 = affine_map<(d0, d1) -> (0, 0, 0)>
module attributes {stable_mosaic.version = 14 : i64} {
  func.func @_usum_body(%arg0: i32, %arg1: i32, %arg2: memref<10240x128xf32, #tpu.memory_space<hbm>>, %arg3: memref<160000x128xf32, #tpu.memory_space<hbm>>, %arg4: memref<160000xi32, #tpu.memory_space<hbm>>, %arg5: memref<2x10240x128xf32, #tpu.memory_space<hbm>>, %arg6: memref<1x128xi32, #tpu.memory_space<vmem>>, %arg7: memref<128x128xf32, #tpu.memory_space<vmem>>, %arg8: memref<10240x128xf32, #tpu.memory_space<vmem_shared>>, %arg9: memref<!tpu.dma_semaphore, #tpu.memory_space<semaphore_mem>>) attributes {dimension_semantics = [#tpu.dimension_semantics<core_parallel>, #tpu.dimension_semantics<subcore_parallel>], iteration_bounds = array<i64: 2, 16>, scalar_prefetch = 0 : i64, scratch_operands = 4 : i64, tpu.core_type = #tpu.core_type<sc_vector_subcore>, window_params = [{transform_indices = #map}, {transform_indices = #map}, {transform_indices = #map1}, {transform_indices = #map2}]} {
    %mul3A = arith.constant 2 : i32
    %mul3A_0 = arith.muli %arg1, %mul3A : i32
    %add3A = arith.addi %mul3A_0, %arg0 : i32
    %eq3A = arith.constant 0 : i32
    %eq3A_1 = arith.cmpi eq, %arg1, %eq3A : i32
    %convert_element_type3A = arith.extui %eq3A_1 : i1 to i32
    %cond3A = arith.constant 0 : i32
    %cond3A_2 = arith.cmpi ne, %convert_element_type3A, %cond3A : i32
    scf.if %cond3A_2 {
      "tpu.region"() ({
        %run_scoped3A = tpu.sem_alloc : memref<!tpu.dma_semaphore, #tpu.memory_space<semaphore_mem>>
        tpu.enqueue_dma source(%arg2 : memref<10240x128xf32, #tpu.memory_space<hbm>>) target(%arg8 : memref<10240x128xf32, #tpu.memory_space<vmem_shared>>) target_semaphore(%run_scoped3A : memref<!tpu.dma_semaphore, #tpu.memory_space<semaphore_mem>>)
        tpu.wait_dma2 semaphore(%run_scoped3A : memref<!tpu.dma_semaphore, #tpu.memory_space<semaphore_mem>>) src(%arg2 : memref<10240x128xf32, #tpu.memory_space<hbm>>) dst(%arg8 : memref<10240x128xf32, #tpu.memory_space<vmem_shared>>)
        tpu.yield
      }) : () -> ()
    } else {
    }
    %barrier3A = arith.constant 0 : index
    tpu.barrier barrier_id(%barrier3A)
    %scan3A = arith.constant 0 : i32
    %scan3A_3 = arith.constant 0 : i32
    %scan3A_4 = arith.constant 40 : i32
    %scan3A_5 = arith.addi %scan3A_3, %scan3A_4 : i32
    %scan3A_6 = arith.constant 1 : i32
    %scan3A_7 = scf.for %scan3A_15 = %scan3A_3 to %scan3A_5 step %scan3A_6 iter_args(%scan3A_16 = %scan3A) -> (i32)  : i32 {
      %mul3A_17 = arith.constant 32 : i32
      %mul3A_18 = arith.muli %mul3A_17, %scan3A_15 : i32
      %add3A_19 = arith.addi %add3A, %mul3A_18 : i32
      %lt3A = arith.constant 1250 : i32
      %lt3A_20 = arith.cmpi slt, %add3A_19, %lt3A : i32
      %convert_element_type3A_21 = arith.extui %lt3A_20 : i1 to i32
      %cond3A_22 = arith.constant 0 : i32
      %cond3A_23 = arith.cmpi ne, %convert_element_type3A_21, %cond3A_22 : i32
      scf.if %cond3A_23 {
        %mul3A_25 = arith.constant 128 : i32
        %mul3A_26 = arith.muli %add3A_19, %mul3A_25 : i32
        %dma_start3A = arith.constant 0 : i32
        %dma_start3A_27 = tpu.memref_slice %arg3[%mul3A_26, %dma_start3A] : memref<160000x128xf32, #tpu.memory_space<hbm>> -> memref<128x128xf32, #tpu.memory_space<hbm>>
        %dma_start3A_28 = arith.constant 0 : i32
        %dma_start3A_29 = tpu.memref_slice %arg3[%mul3A_26, %dma_start3A_28] : memref<160000x128xf32, #tpu.memory_space<hbm>> -> memref<128x128xf32, #tpu.memory_space<hbm>>
        tpu.enqueue_dma source(%dma_start3A_29 : memref<128x128xf32, #tpu.memory_space<hbm>>) target(%arg7 : memref<128x128xf32, #tpu.memory_space<vmem>>) target_semaphore(%arg9 : memref<!tpu.dma_semaphore, #tpu.memory_space<semaphore_mem>>)
        %run_scoped3A = arith.constant 0 : i32
        "tpu.region"() ({
          %run_scoped3A_34 = tpu.sem_alloc : memref<!tpu.dma_semaphore, #tpu.memory_space<semaphore_mem>>
          %dma_start3A_35 = arith.constant 0 : i32
          %dma_start3A_36 = tpu.memref_slice %arg6[%run_scoped3A, %dma_start3A_35] : memref<1x128xi32, #tpu.memory_space<vmem>> -> memref<1x128xi32, #tpu.memory_space<vmem>>
          %dma_start3A_37 = tpu.memref_squeeze %dma_start3A_36 : memref<1x128xi32, #tpu.memory_space<vmem>> -> memref<128xi32, #tpu.memory_space<vmem>>
          %dma_start3A_38 = tpu.memref_slice %arg4[%mul3A_26] : memref<160000xi32, #tpu.memory_space<hbm>> -> memref<128xi32, #tpu.memory_space<hbm>>
          %dma_start3A_39 = arith.constant 0 : i32
          %dma_start3A_40 = tpu.memref_slice %arg6[%run_scoped3A, %dma_start3A_39] : memref<1x128xi32, #tpu.memory_space<vmem>> -> memref<1x128xi32, #tpu.memory_space<vmem>>
          %dma_start3A_41 = tpu.memref_squeeze %dma_start3A_40 : memref<1x128xi32, #tpu.memory_space<vmem>> -> memref<128xi32, #tpu.memory_space<vmem>>
          %dma_start3A_42 = tpu.memref_slice %arg4[%mul3A_26] : memref<160000xi32, #tpu.memory_space<hbm>> -> memref<128xi32, #tpu.memory_space<hbm>>
          tpu.enqueue_dma source(%dma_start3A_42 : memref<128xi32, #tpu.memory_space<hbm>>) target(%dma_start3A_41 : memref<128xi32, #tpu.memory_space<vmem>>) target_semaphore(%run_scoped3A_34 : memref<!tpu.dma_semaphore, #tpu.memory_space<semaphore_mem>>)
          %dma_wait3A_43 = arith.constant 0 : i32
          %dma_wait3A_44 = tpu.memref_slice %arg6[%run_scoped3A, %dma_wait3A_43] : memref<1x128xi32, #tpu.memory_space<vmem>> -> memref<1x128xi32, #tpu.memory_space<vmem>>
          %dma_wait3A_45 = tpu.memref_squeeze %dma_wait3A_44 : memref<1x128xi32, #tpu.memory_space<vmem>> -> memref<128xi32, #tpu.memory_space<vmem>>
          %dma_wait3A_46 = tpu.memref_slice %arg4[%mul3A_26] : memref<160000xi32, #tpu.memory_space<hbm>> -> memref<128xi32, #tpu.memory_space<hbm>>
          %dma_wait3A_47 = arith.constant 0 : i32
          %dma_wait3A_48 = tpu.memref_slice %arg6[%run_scoped3A, %dma_wait3A_47] : memref<1x128xi32, #tpu.memory_space<vmem>> -> memref<1x128xi32, #tpu.memory_space<vmem>>
          %dma_wait3A_49 = tpu.memref_squeeze %dma_wait3A_48 : memref<1x128xi32, #tpu.memory_space<vmem>> -> memref<128xi32, #tpu.memory_space<vmem>>
          %dma_wait3A_50 = tpu.memref_slice %arg4[%mul3A_26] : memref<160000xi32, #tpu.memory_space<hbm>> -> memref<128xi32, #tpu.memory_space<hbm>>
          tpu.wait_dma2 semaphore(%run_scoped3A_34 : memref<!tpu.dma_semaphore, #tpu.memory_space<semaphore_mem>>) src(%dma_wait3A_50 : memref<128xi32, #tpu.memory_space<hbm>>) dst(%dma_wait3A_49 : memref<128xi32, #tpu.memory_space<vmem>>)
          tpu.yield
        }) : () -> ()
        %dma_wait3A = arith.constant 0 : i32
        %dma_wait3A_30 = tpu.memref_slice %arg3[%mul3A_26, %dma_wait3A] : memref<160000x128xf32, #tpu.memory_space<hbm>> -> memref<128x128xf32, #tpu.memory_space<hbm>>
        %dma_wait3A_31 = arith.constant 0 : i32
        %dma_wait3A_32 = tpu.memref_slice %arg3[%mul3A_26, %dma_wait3A_31] : memref<160000x128xf32, #tpu.memory_space<hbm>> -> memref<128x128xf32, #tpu.memory_space<hbm>>
        tpu.wait_dma2 semaphore(%arg9 : memref<!tpu.dma_semaphore, #tpu.memory_space<semaphore_mem>>) src(%dma_wait3A_32 : memref<128x128xf32, #tpu.memory_space<hbm>>) dst(%arg7 : memref<128x128xf32, #tpu.memory_space<vmem>>)
        %run_scoped3A_33 = arith.constant 0 : i32
        "tpu.region"() ({
          %run_scoped3A_34 = tpu.sem_alloc : memref<!tpu.dma_semaphore, #tpu.memory_space<semaphore_mem>>
          %dma_start3A_35 = arith.constant 0 : i32
          %dma_start3A_36 = tpu.memref_slice %arg6[%run_scoped3A_33, %dma_start3A_35] : memref<1x128xi32, #tpu.memory_space<vmem>> -> memref<1x128xi32, #tpu.memory_space<vmem>>
          %dma_start3A_37 = tpu.memref_squeeze %dma_start3A_36 : memref<1x128xi32, #tpu.memory_space<vmem>> -> memref<128xi32, #tpu.memory_space<vmem>>
          %dma_start3A_38 = arith.constant 0 : i32
          %dma_start3A_39 = arith.constant 0 : i32
          %dma_start3A_40 = tpu.memref_slice %arg8[%dma_start3A_38, %dma_start3A_39] : memref<10240x128xf32, #tpu.memory_space<vmem_shared>> -> memref<10240x128xf32, #tpu.memory_space<vmem_shared>>
          tpu.enqueue_indirect_dma source(%arg7 : memref<128x128xf32, #tpu.memory_space<vmem>>) target(%dma_start3A_40 : memref<10240x128xf32, #tpu.memory_space<vmem_shared>>) offsets(%dma_start3A_37 : memref<128xi32, #tpu.memory_space<vmem>>) semaphore(%run_scoped3A_34 : memref<!tpu.dma_semaphore, #tpu.memory_space<semaphore_mem>>) {add = true}
          %dma_wait3A_41 = arith.constant 0 : i32
          %dma_wait3A_42 = tpu.memref_slice %arg6[%run_scoped3A_33, %dma_wait3A_41] : memref<1x128xi32, #tpu.memory_space<vmem>> -> memref<1x128xi32, #tpu.memory_space<vmem>>
          %dma_wait3A_43 = tpu.memref_squeeze %dma_wait3A_42 : memref<1x128xi32, #tpu.memory_space<vmem>> -> memref<128xi32, #tpu.memory_space<vmem>>
          %dma_wait3A_44 = arith.constant 0 : i32
          %dma_wait3A_45 = arith.constant 0 : i32
          %dma_wait3A_46 = tpu.memref_slice %arg8[%dma_wait3A_44, %dma_wait3A_45] : memref<10240x128xf32, #tpu.memory_space<vmem_shared>> -> memref<10240x128xf32, #tpu.memory_space<vmem_shared>>
          tpu.wait_indirect_dma semaphore(%run_scoped3A_34 : memref<!tpu.dma_semaphore, #tpu.memory_space<semaphore_mem>>) src(%arg7 : memref<128x128xf32, #tpu.memory_space<vmem>>) dst(%dma_wait3A_46 : memref<10240x128xf32, #tpu.memory_space<vmem_shared>>)
          tpu.yield
        }) : () -> ()
      } else {
      }
      %scan3A_24 = arith.constant 0 : i32
      scf.yield %scan3A_24 : i32
    }
    %scan3A_8 = arith.constant 40 : i32
    %barrier3A_9 = arith.constant 0 : index
    tpu.barrier barrier_id(%barrier3A_9)
    %eq3A_10 = arith.constant 0 : i32
    %eq3A_11 = arith.cmpi eq, %arg1, %eq3A_10 : i32
    %convert_element_type3A_12 = arith.extui %eq3A_11 : i1 to i32
    %cond3A_13 = arith.constant 0 : i32
    %cond3A_14 = arith.cmpi ne, %convert_element_type3A_12, %cond3A_13 : i32
    scf.if %cond3A_14 {
      "tpu.region"() ({
        %run_scoped3A = tpu.sem_alloc : memref<!tpu.dma_semaphore, #tpu.memory_space<semaphore_mem>>
        %dma_start3A = arith.constant 0 : i32
        %dma_start3A_15 = arith.constant 0 : i32
        %dma_start3A_16 = tpu.memref_slice %arg5[%arg0, %dma_start3A, %dma_start3A_15] : memref<2x10240x128xf32, #tpu.memory_space<hbm>> -> memref<1x10240x128xf32, #tpu.memory_space<hbm>>
        %dma_start3A_17 = tpu.memref_squeeze %dma_start3A_16 : memref<1x10240x128xf32, #tpu.memory_space<hbm>> -> memref<10240x128xf32, #tpu.memory_space<hbm>>
        tpu.enqueue_dma source(%arg8 : memref<10240x128xf32, #tpu.memory_space<vmem_shared>>) target(%dma_start3A_17 : memref<10240x128xf32, #tpu.memory_space<hbm>>) target_semaphore(%run_scoped3A : memref<!tpu.dma_semaphore, #tpu.memory_space<semaphore_mem>>)
        %dma_wait3A = arith.constant 0 : i32
        %dma_wait3A_18 = arith.constant 0 : i32
        %dma_wait3A_19 = tpu.memref_slice %arg5[%arg0, %dma_wait3A, %dma_wait3A_18] : memref<2x10240x128xf32, #tpu.memory_space<hbm>> -> memref<1x10240x128xf32, #tpu.memory_space<hbm>>
        %dma_wait3A_20 = tpu.memref_squeeze %dma_wait3A_19 : memref<1x10240x128xf32, #tpu.memory_space<hbm>> -> memref<10240x128xf32, #tpu.memory_space<hbm>>
        tpu.wait_dma2 semaphore(%run_scoped3A : memref<!tpu.dma_semaphore, #tpu.memory_space<semaphore_mem>>) src(%arg8 : memref<10240x128xf32, #tpu.memory_space<vmem_shared>>) dst(%dma_wait3A_20 : memref<10240x128xf32, #tpu.memory_space<hbm>>)
        tpu.yield
      }) : () -> ()
    } else {
    }
    return
  }
}

module attributes {stable_mosaic.version = 14 : i64} {
  func.func @_tables_body(%arg0: i32, %arg1: memref<1024x1xi32, #tpu.memory_space<vmem>>, %arg2: memref<1024x128xf32, #tpu.memory_space<vmem>>, %arg3: memref<128x128xf32, #tpu.memory_space<vmem>>, %arg4: memref<128x128xf32, #tpu.memory_space<vmem>>, %arg5: memref<1024x256xf32, #tpu.memory_space<vmem>>, %arg6: memref<1024x256xf32, #tpu.memory_space<vmem>>) attributes {dimension_semantics = [#tpu.dimension_semantics<arbitrary>], iteration_bounds = array<i64: 10>, scalar_prefetch = 0 : i64, scratch_operands = 0 : i64, tpu.core_type = #tpu.core_type<tc>, window_params = [{transform_indices = @transform_0, window_bounds = array<i64: 1024, 1>}, {transform_indices = @transform_1, window_bounds = array<i64: 1024, 128>}, {pipeline_mode = #tpu.pipeline_mode<synchronous>, transform_indices = @transform_2, window_bounds = array<i64: 128, 128>}, {pipeline_mode = #tpu.pipeline_mode<synchronous>, transform_indices = @transform_3, window_bounds = array<i64: 128, 128>}, {transform_indices = @transform_4, window_bounds = array<i64: 1024, 256>}, {transform_indices = @transform_5, window_bounds = array<i64: 1024, 256>}]} {
    %get3A = arith.constant 0 : index
    %get3A_0 = arith.constant 0 : index
    %get3A_1 = vector.load %arg1[%get3A, %get3A_0] : memref<1024x1xi32, #tpu.memory_space<vmem>>, vector<1024x1xi32>
    %iota3A = tpu.iota {dimensions = array<i32: 1>} : vector<1x128xi32>
    %eq3A = vector.broadcast %get3A_1 : vector<1024x1xi32> to vector<1024x128xi32>
    %eq3A_2 = vector.broadcast %iota3A : vector<1x128xi32> to vector<1024x128xi32>
    %eq3A_3 = arith.cmpi eq, %eq3A, %eq3A_2 : vector<1024x128xi32>
    %convert_element_type3A = arith.extui %eq3A_3 : vector<1024x128xi1> to vector<1024x128xi32>
    %convert_element_type3A_4 = arith.sitofp %convert_element_type3A : vector<1024x128xi32> to vector<1024x128xf32>
    %get3A_5 = arith.constant 0 : index
    %get3A_6 = arith.constant 0 : index
    %get3A_7 = vector.load %arg3[%get3A_5, %get3A_6] : memref<128x128xf32, #tpu.memory_space<vmem>>, vector<128x128xf32>
    %dot_general3A = arith.constant dense<0.000000e+00> : vector<1024x128xf32>
    %dot_general3A_8 = tpu.matmul %convert_element_type3A_4, %get3A_7, %dot_general3A {dimension_numbers = #tpu.dot_dimension_numbers<[1], [0], [0], [1], [0, 0, 1, 1], [], []>, transpose_lhs_hint = false} : vector<1024x128xf32>, vector<128x128xf32>, vector<1024x128xf32> -> vector<1024x128xf32>
    %get3A_9 = arith.constant 0 : index
    %get3A_10 = arith.constant 0 : index
    %get3A_11 = vector.load %arg4[%get3A_9, %get3A_10] : memref<128x128xf32, #tpu.memory_space<vmem>>, vector<128x128xf32>
    %dot_general3A_12 = arith.constant dense<0.000000e+00> : vector<1024x128xf32>
    %dot_general3A_13 = tpu.matmul %convert_element_type3A_4, %get3A_11, %dot_general3A_12 {dimension_numbers = #tpu.dot_dimension_numbers<[1], [0], [0], [1], [0, 0, 1, 1], [], []>, transpose_lhs_hint = false} : vector<1024x128xf32>, vector<128x128xf32>, vector<1024x128xf32> -> vector<1024x128xf32>
    %get3A_14 = arith.constant 0 : index
    %get3A_15 = arith.constant 0 : index
    %get3A_16 = vector.load %arg2[%get3A_14, %get3A_15] : memref<1024x128xf32, #tpu.memory_space<vmem>>, vector<1024x128xf32>
    %concatenate3A = tpu.concatenate %dot_general3A_8, %get3A_16 in 1 : vector<1024x128xf32>, vector<1024x128xf32> -> vector<1024x256xf32>
    %swap3A = arith.constant 0 : index
    %swap3A_17 = arith.constant 0 : index
    %swap3A_18 = vector.load %arg5[%swap3A, %swap3A_17] : memref<1024x256xf32, #tpu.memory_space<vmem>>, vector<1024x256xf32>
    tpu.vector_store %arg5[%swap3A, %swap3A_17], %concatenate3A {strides = array<i32>} : memref<1024x256xf32, #tpu.memory_space<vmem>>, vector<1024x256xf32>,
    %concatenate3A_19 = tpu.concatenate %dot_general3A_13, %get3A_16 in 1 : vector<1024x128xf32>, vector<1024x128xf32> -> vector<1024x256xf32>
    %swap3A_20 = arith.constant 0 : index
    %swap3A_21 = arith.constant 0 : index
    %swap3A_22 = vector.load %arg6[%swap3A_20, %swap3A_21] : memref<1024x256xf32, #tpu.memory_space<vmem>>, vector<1024x256xf32>
    tpu.vector_store %arg6[%swap3A_20, %swap3A_21], %concatenate3A_19 {strides = array<i32>} : memref<1024x256xf32, #tpu.memory_space<vmem>>, vector<1024x256xf32>,
    return
  }
  func.func @transform_0(%arg0: i32) -> (i32, i32) {
    %c0_i32 = arith.constant 0 : i32
    %c0_i32_0 = arith.constant 0 : i32
    return %arg0, %c0_i32 : i32, i32
  }
  func.func @transform_1(%arg0: i32) -> (i32, i32) {
    %c0_i32 = arith.constant 0 : i32
    %c0_i32_0 = arith.constant 0 : i32
    return %arg0, %c0_i32 : i32, i32
  }
  func.func @transform_2(%arg0: i32) -> (i32, i32) {
    %c0_i32 = arith.constant 0 : i32
    %c0_i32_0 = arith.constant 0 : i32
    %c0_i32_1 = arith.constant 0 : i32
    return %c0_i32, %c0_i32_0 : i32, i32
  }
  func.func @transform_3(%arg0: i32) -> (i32, i32) {
    %c0_i32 = arith.constant 0 : i32
    %c0_i32_0 = arith.constant 0 : i32
    %c0_i32_1 = arith.constant 0 : i32
    return %c0_i32, %c0_i32_0 : i32, i32
  }
  func.func @transform_4(%arg0: i32) -> (i32, i32) {
    %c0_i32 = arith.constant 0 : i32
    %c0_i32_0 = arith.constant 0 : i32
    return %arg0, %c0_i32 : i32, i32
  }
  func.func @transform_5(%arg0: i32) -> (i32, i32) {
    %c0_i32 = arith.constant 0 : i32
    %c0_i32_0 = arith.constant 0 : i32
    return %arg0, %c0_i32 : i32, i32
  }
}

module attributes {stable_mosaic.version = 14 : i64} {
  func.func @_edge_math_body(%arg0: i32, %arg1: memref<2000x256xf32, #tpu.memory_space<vmem>>, %arg2: memref<2000x128xf32, #tpu.memory_space<vmem>>, %arg3: memref<128x64xf32, #tpu.memory_space<vmem>>, %arg4: memref<64x64xf32, #tpu.memory_space<vmem>>, %arg5: memref<128x512xf32, #tpu.memory_space<vmem>>, %arg6: memref<64x512xf32, #tpu.memory_space<vmem>>, %arg7: memref<1x512xf32, #tpu.memory_space<vmem>>, %arg8: memref<512x128xf32, #tpu.memory_space<vmem>>, %arg9: memref<64x128xf32, #tpu.memory_space<vmem>>, %arg10: memref<1x128xf32, #tpu.memory_space<vmem>>, %arg11: memref<2000x128xf32, #tpu.memory_space<vmem>>, %arg12: memref<2000x128xf32, #tpu.memory_space<vmem>>) attributes {dimension_semantics = [#tpu.dimension_semantics<arbitrary>], iteration_bounds = array<i64: 80>, scalar_prefetch = 0 : i64, scratch_operands = 0 : i64, tpu.core_type = #tpu.core_type<tc>, window_params = [{transform_indices = @transform_0, window_bounds = array<i64: 2000, 256>}, {transform_indices = @transform_1, window_bounds = array<i64: 2000, 128>}, {pipeline_mode = #tpu.pipeline_mode<synchronous>, transform_indices = @transform_2, window_bounds = array<i64: 128, 64>}, {pipeline_mode = #tpu.pipeline_mode<synchronous>, transform_indices = @transform_3, window_bounds = array<i64: 64, 64>}, {pipeline_mode = #tpu.pipeline_mode<synchronous>, transform_indices = @transform_4, window_bounds = array<i64: 128, 512>}, {pipeline_mode = #tpu.pipeline_mode<synchronous>, transform_indices = @transform_5, window_bounds = array<i64: 64, 512>}, {pipeline_mode = #tpu.pipeline_mode<synchronous>, transform_indices = @transform_6, window_bounds = array<i64: 1, 512>}, {pipeline_mode = #tpu.pipeline_mode<synchronous>, transform_indices = @transform_7, window_bounds = array<i64: 512, 128>}, {pipeline_mode = #tpu.pipeline_mode<synchronous>, transform_indices = @transform_8, window_bounds = array<i64: 64, 128>}, {pipeline_mode = #tpu.pipeline_mode<synchronous>, transform_indices = @transform_9, window_bounds = array<i64: 1, 128>}, {transform_indices = @transform_10, window_bounds = array<i64: 2000, 128>}, {transform_indices = @transform_11, window_bounds = array<i64: 2000, 128>}]} {
    %get3A = arith.constant 0 : index
    %get3A_0 = arith.constant 0 : index
    %get3A_1 = vector.load %arg1[%get3A, %get3A_0] : memref<2000x256xf32, #tpu.memory_space<vmem>>, vector<2000x256xf32>
    %slice3A = vector.extract_strided_slice %get3A_1 {offsets = [0, 0], sizes = [2000, 128], strides = [1, 1]} : vector<2000x256xf32> to vector<2000x128xf32>
    %get3A_2 = arith.constant 0 : index
    %get3A_3 = arith.constant 0 : index
    %get3A_4 = vector.load %arg2[%get3A_2, %get3A_3] : memref<2000x128xf32, #tpu.memory_space<vmem>>, vector<2000x128xf32>
    %add3A = arith.addf %slice3A, %get3A_4 : vector<2000x128xf32>
    %slice3A_5 = vector.extract_strided_slice %get3A_1 {offsets = [0, 128], sizes = [2000, 128], strides = [1, 1]} : vector<2000x256xf32> to vector<2000x128xf32>
    %get3A_6 = arith.constant 0 : index
    %get3A_7 = arith.constant 0 : index
    %get3A_8 = vector.load %arg3[%get3A_6, %get3A_7] : memref<128x64xf32, #tpu.memory_space<vmem>>, vector<128x64xf32>
    %dot_general3A = arith.constant dense<0.000000e+00> : vector<2000x64xf32>
    %dot_general3A_9 = tpu.matmul %add3A, %get3A_8, %dot_general3A {dimension_numbers = #tpu.dot_dimension_numbers<[1], [0], [0], [1], [0, 0, 1, 1], [], []>, transpose_lhs_hint = false} : vector<2000x128xf32>, vector<128x64xf32>, vector<2000x64xf32> -> vector<2000x64xf32>
    %logistic3A = arith.negf %dot_general3A_9 : vector<2000x64xf32>
    %logistic3A_10 = math.exp %logistic3A : vector<2000x64xf32>
    %logistic3A_11 = arith.constant 1.000000e+00 : f32
    %logistic3A_12 = vector.broadcast %logistic3A_11 : f32 to vector<2000x64xf32>
    %logistic3A_13 = arith.addf %logistic3A_12, %logistic3A_10 : vector<2000x64xf32>
    %logistic3A_14 = arith.divf %logistic3A_12, %logistic3A_13 : vector<2000x64xf32>
    %mul3A = arith.mulf %dot_general3A_9, %logistic3A_14 : vector<2000x64xf32>
    %get3A_15 = arith.constant 0 : index
    %get3A_16 = arith.constant 0 : index
    %get3A_17 = vector.load %arg4[%get3A_15, %get3A_16] : memref<64x64xf32, #tpu.memory_space<vmem>>, vector<64x64xf32>
    %dot_general3A_18 = arith.constant dense<0.000000e+00> : vector<2000x64xf32>
    %dot_general3A_19 = tpu.matmul %mul3A, %get3A_17, %dot_general3A_18 {dimension_numbers = #tpu.dot_dimension_numbers<[1], [0], [0], [1], [0, 0, 1, 1], [], []>, transpose_lhs_hint = false} : vector<2000x64xf32>, vector<64x64xf32>, vector<2000x64xf32> -> vector<2000x64xf32>
    %logistic3A_20 = arith.negf %dot_general3A_19 : vector<2000x64xf32>
    %logistic3A_21 = math.exp %logistic3A_20 : vector<2000x64xf32>
    %logistic3A_22 = arith.constant 1.000000e+00 : f32
    %logistic3A_23 = vector.broadcast %logistic3A_22 : f32 to vector<2000x64xf32>
    %logistic3A_24 = arith.addf %logistic3A_23, %logistic3A_21 : vector<2000x64xf32>
    %logistic3A_25 = arith.divf %logistic3A_23, %logistic3A_24 : vector<2000x64xf32>
    %mul3A_26 = arith.mulf %dot_general3A_19, %logistic3A_25 : vector<2000x64xf32>
    %get3A_27 = arith.constant 0 : index
    %get3A_28 = arith.constant 0 : index
    %get3A_29 = vector.load %arg5[%get3A_27, %get3A_28] : memref<128x512xf32, #tpu.memory_space<vmem>>, vector<128x512xf32>
    %dot_general3A_30 = arith.constant dense<0.000000e+00> : vector<2000x512xf32>
    %dot_general3A_31 = tpu.matmul %slice3A_5, %get3A_29, %dot_general3A_30 {dimension_numbers = #tpu.dot_dimension_numbers<[1], [0], [0], [1], [0, 0, 1, 1], [], []>, transpose_lhs_hint = false} : vector<2000x128xf32>, vector<128x512xf32>, vector<2000x512xf32> -> vector<2000x512xf32>
    %get3A_32 = arith.constant 0 : index
    %get3A_33 = arith.constant 0 : index
    %get3A_34 = vector.load %arg6[%get3A_32, %get3A_33] : memref<64x512xf32, #tpu.memory_space<vmem>>, vector<64x512xf32>
    %dot_general3A_35 = arith.constant dense<0.000000e+00> : vector<2000x512xf32>
    %dot_general3A_36 = tpu.matmul %mul3A_26, %get3A_34, %dot_general3A_35 {dimension_numbers = #tpu.dot_dimension_numbers<[1], [0], [0], [1], [0, 0, 1, 1], [], []>, transpose_lhs_hint = false} : vector<2000x64xf32>, vector<64x512xf32>, vector<2000x512xf32> -> vector<2000x512xf32>
    %add3A_37 = arith.addf %dot_general3A_31, %dot_general3A_36 : vector<2000x512xf32>
    %logistic3A_38 = arith.negf %add3A_37 : vector<2000x512xf32>
    %logistic3A_39 = math.exp %logistic3A_38 : vector<2000x512xf32>
    %logistic3A_40 = arith.constant 1.000000e+00 : f32
    %logistic3A_41 = vector.broadcast %logistic3A_40 : f32 to vector<2000x512xf32>
    %logistic3A_42 = arith.addf %logistic3A_41, %logistic3A_39 : vector<2000x512xf32>
    %logistic3A_43 = arith.divf %logistic3A_41, %logistic3A_42 : vector<2000x512xf32>
    %mul3A_44 = arith.mulf %add3A_37, %logistic3A_43 : vector<2000x512xf32>
    %get3A_45 = arith.constant 0 : index
    %get3A_46 = arith.constant 0 : index
    %get3A_47 = vector.load %arg7[%get3A_45, %get3A_46] : memref<1x512xf32, #tpu.memory_space<vmem>>, vector<1x512xf32>
    %mul3A_48 = vector.broadcast %get3A_47 : vector<1x512xf32> to vector<2000x512xf32>
    %mul3A_49 = arith.mulf %mul3A_44, %mul3A_48 : vector<2000x512xf32>
    %get3A_50 = arith.constant 0 : index
    %get3A_51 = arith.constant 0 : index
    %get3A_52 = vector.load %arg8[%get3A_50, %get3A_51] : memref<512x128xf32, #tpu.memory_space<vmem>>, vector<512x128xf32>
    %dot_general3A_53 = arith.constant dense<0.000000e+00> : vector<2000x128xf32>
    %dot_general3A_54 = tpu.matmul %mul3A_49, %get3A_52, %dot_general3A_53 {dimension_numbers = #tpu.dot_dimension_numbers<[1], [0], [0], [1], [0, 0, 1, 1], [], []>, transpose_lhs_hint = false} : vector<2000x512xf32>, vector<512x128xf32>, vector<2000x128xf32> -> vector<2000x128xf32>
    %exp3A = math.exp %dot_general3A_54 : vector<2000x128xf32>
    %swap3A = arith.constant 0 : index
    %swap3A_55 = arith.constant 0 : index
    %swap3A_56 = vector.load %arg11[%swap3A, %swap3A_55] : memref<2000x128xf32, #tpu.memory_space<vmem>>, vector<2000x128xf32>
    tpu.vector_store %arg11[%swap3A, %swap3A_55], %exp3A {strides = array<i32>} : memref<2000x128xf32, #tpu.memory_space<vmem>>, vector<2000x128xf32>,
    %get3A_57 = arith.constant 0 : index
    %get3A_58 = arith.constant 0 : index
    %get3A_59 = vector.load %arg9[%get3A_57, %get3A_58] : memref<64x128xf32, #tpu.memory_space<vmem>>, vector<64x128xf32>
    %dot_general3A_60 = arith.constant dense<0.000000e+00> : vector<2000x128xf32>
    %dot_general3A_61 = tpu.matmul %mul3A_26, %get3A_59, %dot_general3A_60 {dimension_numbers = #tpu.dot_dimension_numbers<[1], [0], [0], [1], [0, 0, 1, 1], [], []>, transpose_lhs_hint = false} : vector<2000x64xf32>, vector<64x128xf32>, vector<2000x128xf32> -> vector<2000x128xf32>
    %logistic3A_62 = arith.negf %dot_general3A_61 : vector<2000x128xf32>
    %logistic3A_63 = math.exp %logistic3A_62 : vector<2000x128xf32>
    %logistic3A_64 = arith.constant 1.000000e+00 : f32
    %logistic3A_65 = vector.broadcast %logistic3A_64 : f32 to vector<2000x128xf32>
    %logistic3A_66 = arith.addf %logistic3A_65, %logistic3A_63 : vector<2000x128xf32>
    %logistic3A_67 = arith.divf %logistic3A_65, %logistic3A_66 : vector<2000x128xf32>
    %get3A_68 = arith.constant 0 : index
    %get3A_69 = arith.constant 0 : index
    %get3A_70 = vector.load %arg10[%get3A_68, %get3A_69] : memref<1x128xf32, #tpu.memory_space<vmem>>, vector<1x128xf32>
    %mul3A_71 = vector.broadcast %get3A_70 : vector<1x128xf32> to vector<2000x128xf32>
    %mul3A_72 = arith.mulf %logistic3A_67, %mul3A_71 : vector<2000x128xf32>
    %swap3A_73 = arith.constant 0 : index
    %swap3A_74 = arith.constant 0 : index
    %swap3A_75 = vector.load %arg12[%swap3A_73, %swap3A_74] : memref<2000x128xf32, #tpu.memory_space<vmem>>, vector<2000x128xf32>
    tpu.vector_store %arg12[%swap3A_73, %swap3A_74], %mul3A_72 {strides = array<i32>} : memref<2000x128xf32, #tpu.memory_space<vmem>>, vector<2000x128xf32>,
    return
  }
  func.func @transform_0(%arg0: i32) -> (i32, i32) {
    %c0_i32 = arith.constant 0 : i32
    %c0_i32_0 = arith.constant 0 : i32
    return %arg0, %c0_i32 : i32, i32
  }
  func.func @transform_1(%arg0: i32) -> (i32, i32) {
    %c0_i32 = arith.constant 0 : i32
    %c0_i32_0 = arith.constant 0 : i32
    return %arg0, %c0_i32 : i32, i32
  }
  func.func @transform_2(%arg0: i32) -> (i32, i32) {
    %c0_i32 = arith.constant 0 : i32
    %c0_i32_0 = arith.constant 0 : i32
    %c0_i32_1 = arith.constant 0 : i32
    return %c0_i32, %c0_i32_0 : i32, i32
  }
  func.func @transform_3(%arg0: i32) -> (i32, i32) {
    %c0_i32 = arith.constant 0 : i32
    %c0_i32_0 = arith.constant 0 : i32
    %c0_i32_1 = arith.constant 0 : i32
    return %c0_i32, %c0_i32_0 : i32, i32
  }
  func.func @transform_4(%arg0: i32) -> (i32, i32) {
    %c0_i32 = arith.constant 0 : i32
    %c0_i32_0 = arith.constant 0 : i32
    %c0_i32_1 = arith.constant 0 : i32
    return %c0_i32, %c0_i32_0 : i32, i32
  }
  func.func @transform_5(%arg0: i32) -> (i32, i32) {
    %c0_i32 = arith.constant 0 : i32
    %c0_i32_0 = arith.constant 0 : i32
    %c0_i32_1 = arith.constant 0 : i32
    return %c0_i32, %c0_i32_0 : i32, i32
  }
  func.func @transform_6(%arg0: i32) -> (i32, i32) {
    %c0_i32 = arith.constant 0 : i32
    %c0_i32_0 = arith.constant 0 : i32
    %c0_i32_1 = arith.constant 0 : i32
    return %c0_i32, %c0_i32_0 : i32, i32
  }
  func.func @transform_7(%arg0: i32) -> (i32, i32) {
    %c0_i32 = arith.constant 0 : i32
    %c0_i32_0 = arith.constant 0 : i32
    %c0_i32_1 = arith.constant 0 : i32
    return %c0_i32, %c0_i32_0 : i32, i32
  }
  func.func @transform_8(%arg0: i32) -> (i32, i32) {
    %c0_i32 = arith.constant 0 : i32
    %c0_i32_0 = arith.constant 0 : i32
    %c0_i32_1 = arith.constant 0 : i32
    return %c0_i32, %c0_i32_0 : i32, i32
  }
  func.func @transform_9(%arg0: i32) -> (i32, i32) {
    %c0_i32 = arith.constant 0 : i32
    %c0_i32_0 = arith.constant 0 : i32
    %c0_i32_1 = arith.constant 0 : i32
    return %c0_i32, %c0_i32_0 : i32, i32
  }
  func.func @transform_10(%arg0: i32) -> (i32, i32) {
    %c0_i32 = arith.constant 0 : i32
    %c0_i32_0 = arith.constant 0 : i32
    return %arg0, %c0_i32 : i32, i32
  }
  func.func @transform_11(%arg0: i32) -> (i32, i32) {
    %c0_i32 = arith.constant 0 : i32
    %c0_i32_0 = arith.constant 0 : i32
    return %arg0, %c0_i32 : i32, i32
  }
}

module attributes {stable_mosaic.version = 14 : i64} {
  func.func @_denc_body(%arg0: i32, %arg1: memref<2x1024x128xf32, #tpu.memory_space<vmem>>, %arg2: memref<1024x128xf32, #tpu.memory_space<vmem>>) attributes {dimension_semantics = [#tpu.dimension_semantics<arbitrary>], iteration_bounds = array<i64: 10>, scalar_prefetch = 0 : i64, scratch_operands = 0 : i64, tpu.core_type = #tpu.core_type<tc>, window_params = [{transform_indices = @transform_0, window_bounds = array<i64: 2, 1024, 128>}, {transform_indices = @transform_1, window_bounds = array<i64: 1024, 128>}]} {
    %get3A = arith.constant 0 : index
    %get3A_0 = arith.constant 0 : index
    %get3A_1 = arith.constant 0 : index
    %get3A_2 = vector.load %arg1[%get3A, %get3A_0, %get3A_1] : memref<2x1024x128xf32, #tpu.memory_space<vmem>>, vector<1x1024x128xf32>
    %get3A_3 = vector.shape_cast %get3A_2 : vector<1x1024x128xf32> to vector<1024x128xf32>
    %get3A_4 = arith.constant 1 : index
    %get3A_5 = arith.constant 0 : index
    %get3A_6 = arith.constant 0 : index
    %get3A_7 = vector.load %arg1[%get3A_4, %get3A_5, %get3A_6] : memref<2x1024x128xf32, #tpu.memory_space<vmem>>, vector<1x1024x128xf32>
    %get3A_8 = vector.shape_cast %get3A_7 : vector<1x1024x128xf32> to vector<1024x128xf32>
    %add3A = arith.addf %get3A_3, %get3A_8 : vector<1024x128xf32>
    %swap3A = arith.constant 0 : index
    %swap3A_9 = arith.constant 0 : index
    %swap3A_10 = vector.load %arg2[%swap3A, %swap3A_9] : memref<1024x128xf32, #tpu.memory_space<vmem>>, vector<1024x128xf32>
    tpu.vector_store %arg2[%swap3A, %swap3A_9], %add3A {strides = array<i32>} : memref<1024x128xf32, #tpu.memory_space<vmem>>, vector<1024x128xf32>,
    return
  }
  func.func @transform_0(%arg0: i32) -> (i32, i32, i32) {
    %c0_i32 = arith.constant 0 : i32
    %c0_i32_0 = arith.constant 0 : i32
    %c0_i32_1 = arith.constant 0 : i32
    return %c0_i32, %arg0, %c0_i32_0 : i32, i32, i32
  }
  func.func @transform_1(%arg0: i32) -> (i32, i32) {
    %c0_i32 = arith.constant 0 : i32
    %c0_i32_0 = arith.constant 0 : i32
    return %arg0, %c0_i32 : i32, i32
  }
}

module attributes {stable_mosaic.version = 14 : i64} {
  func.func @_u_body(%arg0: i32, %arg1: memref<2000x128xf32, #tpu.memory_space<vmem>>, %arg2: memref<2000x16xf32, #tpu.memory_space<vmem>>, %arg3: memref<2000x128xf32, #tpu.memory_space<vmem>>, %arg4: memref<8x128xf32, #tpu.memory_space<vmem>>, %arg5: memref<128x128xf32, #tpu.memory_space<vmem>>, %arg6: memref<2000x128xf32, #tpu.memory_space<vmem>>) attributes {dimension_semantics = [#tpu.dimension_semantics<arbitrary>], iteration_bounds = array<i64: 80>, scalar_prefetch = 0 : i64, scratch_operands = 0 : i64, tpu.core_type = #tpu.core_type<tc>, window_params = [{transform_indices = @transform_0, window_bounds = array<i64: 2000, 128>}, {transform_indices = @transform_1, window_bounds = array<i64: 2000, 16>}, {transform_indices = @transform_2, window_bounds = array<i64: 2000, 128>}, {pipeline_mode = #tpu.pipeline_mode<synchronous>, transform_indices = @transform_3, window_bounds = array<i64: 8, 128>}, {pipeline_mode = #tpu.pipeline_mode<synchronous>, transform_indices = @transform_4, window_bounds = array<i64: 128, 128>}, {transform_indices = @transform_5, window_bounds = array<i64: 2000, 128>}]} {
    %get3A = arith.constant 0 : index
    %get3A_0 = arith.constant 0 : index
    %get3A_1 = vector.load %arg1[%get3A, %get3A_0] : memref<2000x128xf32, #tpu.memory_space<vmem>>, vector<2000x128xf32>
    %slice3A = vector.extract_strided_slice %get3A_1 {offsets = [0, 0], sizes = [2000, 8], strides = [1, 1]} : vector<2000x128xf32> to vector<2000x8xf32>
    %get3A_2 = arith.constant 0 : index
    %get3A_3 = arith.constant 0 : index
    %get3A_4 = vector.load %arg2[%get3A_2, %get3A_3] : memref<2000x16xf32, #tpu.memory_space<vmem>>, vector<2000x16xf32>
    %slice3A_5 = vector.extract_strided_slice %get3A_4 {offsets = [0, 0], sizes = [2000, 8], strides = [1, 1]} : vector<2000x16xf32> to vector<2000x8xf32>
    %add3A = arith.constant 9.99999971E-10 : f32
    %add3A_6 = vector.broadcast %add3A : f32 to vector<2000x8xf32>
    %add3A_7 = arith.addf %slice3A_5, %add3A_6 : vector<2000x8xf32>
    %div3A = arith.divf %slice3A, %add3A_7 : vector<2000x8xf32>
    %get3A_8 = arith.constant 0 : index
    %get3A_9 = arith.constant 0 : index
    %get3A_10 = vector.load %arg4[%get3A_8, %get3A_9] : memref<8x128xf32, #tpu.memory_space<vmem>>, vector<8x128xf32>
    %dot_general3A = arith.constant dense<0.000000e+00> : vector<2000x128xf32>
    %dot_general3A_11 = tpu.matmul %div3A, %get3A_10, %dot_general3A {dimension_numbers = #tpu.dot_dimension_numbers<[1], [0], [0], [1], [0, 0, 1, 1], [], []>, transpose_lhs_hint = false} : vector<2000x8xf32>, vector<8x128xf32>, vector<2000x128xf32> -> vector<2000x128xf32>
    %get3A_12 = arith.constant 0 : index
    %get3A_13 = arith.constant 0 : index
    %get3A_14 = vector.load %arg3[%get3A_12, %get3A_13] : memref<2000x128xf32, #tpu.memory_space<vmem>>, vector<2000x128xf32>
    %mul3A = arith.mulf %dot_general3A_11, %get3A_14 : vector<2000x128xf32>
    %get3A_15 = arith.constant 0 : index
    %get3A_16 = arith.constant 0 : index
    %get3A_17 = vector.load %arg5[%get3A_15, %get3A_16] : memref<128x128xf32, #tpu.memory_space<vmem>>, vector<128x128xf32>
    %dot_general3A_18 = arith.constant dense<0.000000e+00> : vector<2000x128xf32>
    %dot_general3A_19 = tpu.matmul %mul3A, %get3A_17, %dot_general3A_18 {dimension_numbers = #tpu.dot_dimension_numbers<[1], [0], [0], [1], [0, 0, 1, 1], [], []>, transpose_lhs_hint = false} : vector<2000x128xf32>, vector<128x128xf32>, vector<2000x128xf32> -> vector<2000x128xf32>
    %swap3A = arith.constant 0 : index
    %swap3A_20 = arith.constant 0 : index
    %swap3A_21 = vector.load %arg6[%swap3A, %swap3A_20] : memref<2000x128xf32, #tpu.memory_space<vmem>>, vector<2000x128xf32>
    tpu.vector_store %arg6[%swap3A, %swap3A_20], %dot_general3A_19 {strides = array<i32>} : memref<2000x128xf32, #tpu.memory_space<vmem>>, vector<2000x128xf32>,
    return
  }
  func.func @transform_0(%arg0: i32) -> (i32, i32) {
    %c0_i32 = arith.constant 0 : i32
    %c0_i32_0 = arith.constant 0 : i32
    return %arg0, %c0_i32 : i32, i32
  }
  func.func @transform_1(%arg0: i32) -> (i32, i32) {
    %c0_i32 = arith.constant 0 : i32
    %c0_i32_0 = arith.constant 0 : i32
    return %arg0, %c0_i32 : i32, i32
  }
  func.func @transform_2(%arg0: i32) -> (i32, i32) {
    %c0_i32 = arith.constant 0 : i32
    %c0_i32_0 = arith.constant 0 : i32
    return %arg0, %c0_i32 : i32, i32
  }
  func.func @transform_3(%arg0: i32) -> (i32, i32) {
    %c0_i32 = arith.constant 0 : i32
    %c0_i32_0 = arith.constant 0 : i32
    %c0_i32_1 = arith.constant 0 : i32
    return %c0_i32, %c0_i32_0 : i32, i32
  }
  func.func @transform_4(%arg0: i32) -> (i32, i32) {
    %c0_i32 = arith.constant 0 : i32
    %c0_i32_0 = arith.constant 0 : i32
    %c0_i32_1 = arith.constant 0 : i32
    return %c0_i32, %c0_i32_0 : i32, i32
  }
  func.func @transform_5(%arg0: i32) -> (i32, i32) {
    %c0_i32 = arith.constant 0 : i32
    %c0_i32_0 = arith.constant 0 : i32
    return %arg0, %c0_i32 : i32, i32
  }
}

module attributes {stable_mosaic.version = 14 : i64} {
  func.func @_final_body(%arg0: i32, %arg1: memref<2x1024x128xf32, #tpu.memory_space<vmem>>, %arg2: memref<2x1024x128xf32, #tpu.memory_space<vmem>>, %arg3: memref<1024x384xf32, #tpu.memory_space<vmem>>, %arg4: memref<1024x16xf32, #tpu.memory_space<vmem>>) attributes {dimension_semantics = [#tpu.dimension_semantics<arbitrary>], iteration_bounds = array<i64: 10>, scalar_prefetch = 0 : i64, scratch_operands = 0 : i64, tpu.core_type = #tpu.core_type<tc>, window_params = [{transform_indices = @transform_0, window_bounds = array<i64: 2, 1024, 128>}, {transform_indices = @transform_1, window_bounds = array<i64: 2, 1024, 128>}, {transform_indices = @transform_2, window_bounds = array<i64: 1024, 384>}, {transform_indices = @transform_3, window_bounds = array<i64: 1024, 16>}]} {
    %get3A = arith.constant 0 : index
    %get3A_0 = arith.constant 0 : index
    %get3A_1 = arith.constant 0 : index
    %get3A_2 = vector.load %arg2[%get3A, %get3A_0, %get3A_1] : memref<2x1024x128xf32, #tpu.memory_space<vmem>>, vector<1x1024x128xf32>
    %get3A_3 = vector.shape_cast %get3A_2 : vector<1x1024x128xf32> to vector<1024x128xf32>
    %get3A_4 = arith.constant 1 : index
    %get3A_5 = arith.constant 0 : index
    %get3A_6 = arith.constant 0 : index
    %get3A_7 = vector.load %arg2[%get3A_4, %get3A_5, %get3A_6] : memref<2x1024x128xf32, #tpu.memory_space<vmem>>, vector<1x1024x128xf32>
    %get3A_8 = vector.shape_cast %get3A_7 : vector<1x1024x128xf32> to vector<1024x128xf32>
    %add3A = arith.addf %get3A_3, %get3A_8 : vector<1024x128xf32>
    %get3A_9 = arith.constant 0 : index
    %get3A_10 = arith.constant 0 : index
    %get3A_11 = arith.constant 0 : index
    %get3A_12 = vector.load %arg1[%get3A_9, %get3A_10, %get3A_11] : memref<2x1024x128xf32, #tpu.memory_space<vmem>>, vector<1x1024x128xf32>
    %get3A_13 = vector.shape_cast %get3A_12 : vector<1x1024x128xf32> to vector<1024x128xf32>
    %get3A_14 = arith.constant 1 : index
    %get3A_15 = arith.constant 0 : index
    %get3A_16 = arith.constant 0 : index
    %get3A_17 = vector.load %arg1[%get3A_14, %get3A_15, %get3A_16] : memref<2x1024x128xf32, #tpu.memory_space<vmem>>, vector<1x1024x128xf32>
    %get3A_18 = vector.shape_cast %get3A_17 : vector<1x1024x128xf32> to vector<1024x128xf32>
    %add3A_19 = arith.addf %get3A_13, %get3A_18 : vector<1024x128xf32>
    %iota3A = tpu.iota {dimensions = array<i32: 1>} : vector<1024x16xi32>
    %broadcast_in_dim3A = arith.constant 0.000000e+00 : f32
    %broadcast_in_dim3A_20 = vector.broadcast %broadcast_in_dim3A : f32 to vector<1024x16xf32>
    %get3A_21 = arith.constant 0 : index
    %get3A_22 = arith.constant 0 : index
    %get3A_23 = vector.load %arg3[%get3A_21, %get3A_22] : memref<1024x384xf32, #tpu.memory_space<vmem>>, vector<1024x384xf32>
    %slice3A = vector.extract_strided_slice %get3A_23 {offsets = [0, 0], sizes = [1024, 128], strides = [1, 1]} : vector<1024x384xf32> to vector<1024x128xf32>
    %mul3A = arith.mulf %slice3A, %add3A : vector<1024x128xf32>
    %reduce_sum3A = arith.constant dense<0.000000e+00> : vector<1024xf32>
    %reduce_sum3A_24 = vector.multi_reduction <add>, %mul3A, %reduce_sum3A [1] : vector<1024x128xf32> to vector<1024xf32>
    %broadcast_in_dim3A_25 = vector.shape_cast %reduce_sum3A_24 : vector<1024xf32> to vector<1024x1xf32>
    %slice3A_26 = vector.extract_strided_slice %add3A_19 {offsets = [0, 0], sizes = [1024, 16], strides = [1, 1]} : vector<1024x128xf32> to vector<1024x16xf32>
    %reduce_sum3A_27 = arith.constant dense<0.000000e+00> : vector<1024xf32>
    %reduce_sum3A_28 = vector.multi_reduction <add>, %slice3A_26, %reduce_sum3A_27 [1] : vector<1024x16xf32> to vector<1024xf32>
    %broadcast_in_dim3A_29 = vector.shape_cast %reduce_sum3A_28 : vector<1024xf32> to vector<1024x1xf32>
    %add3A_30 = arith.addf %broadcast_in_dim3A_25, %broadcast_in_dim3A_29 : vector<1024x1xf32>
    %eq3A = arith.constant 0 : i32
    %eq3A_31 = vector.broadcast %eq3A : i32 to vector<1024x16xi32>
    %eq3A_32 = arith.cmpi eq, %iota3A, %eq3A_31 : vector<1024x16xi32>
    %jit3A = arith.constant 0.000000e+00 : f32
    %broadcast_in_dim3A_33 = vector.shape_cast %add3A_30 : vector<1024x1xf32> to vector<1024x1xf32>
    %broadcast_in_dim3A_34 = vector.broadcast %broadcast_in_dim3A_33 : vector<1024x1xf32> to vector<1024x16xf32>
    %broadcast_in_dim3A_35 = vector.broadcast %jit3A : f32 to vector<1024x16xf32>
    %select_n3A = arith.select %eq3A_32, %broadcast_in_dim3A_34, %broadcast_in_dim3A_35 : vector<1024x16xi1>, vector<1024x16xf32>
    %add3A_36 = arith.addf %broadcast_in_dim3A_20, %select_n3A : vector<1024x16xf32>
    %get3A_37 = arith.constant 0 : index
    %get3A_38 = arith.constant 0 : index
    %get3A_39 = vector.load %arg3[%get3A_37, %get3A_38] : memref<1024x384xf32, #tpu.memory_space<vmem>>, vector<1024x384xf32>
    %slice3A_40 = vector.extract_strided_slice %get3A_39 {offsets = [0, 128], sizes = [1024, 128], strides = [1, 1]} : vector<1024x384xf32> to vector<1024x128xf32>
    %mul3A_41 = arith.mulf %slice3A_40, %add3A : vector<1024x128xf32>
    %reduce_sum3A_42 = arith.constant dense<0.000000e+00> : vector<1024xf32>
    %reduce_sum3A_43 = vector.multi_reduction <add>, %mul3A_41, %reduce_sum3A_42 [1] : vector<1024x128xf32> to vector<1024xf32>
    %broadcast_in_dim3A_44 = vector.shape_cast %reduce_sum3A_43 : vector<1024xf32> to vector<1024x1xf32>
    %slice3A_45 = vector.extract_strided_slice %add3A_19 {offsets = [0, 16], sizes = [1024, 16], strides = [1, 1]} : vector<1024x128xf32> to vector<1024x16xf32>
    %reduce_sum3A_46 = arith.constant dense<0.000000e+00> : vector<1024xf32>
    %reduce_sum3A_47 = vector.multi_reduction <add>, %slice3A_45, %reduce_sum3A_46 [1] : vector<1024x16xf32> to vector<1024xf32>
    %broadcast_in_dim3A_48 = vector.shape_cast %reduce_sum3A_47 : vector<1024xf32> to vector<1024x1xf32>
    %add3A_49 = arith.addf %broadcast_in_dim3A_44, %broadcast_in_dim3A_48 : vector<1024x1xf32>
    %eq3A_50 = arith.constant 1 : i32
    %eq3A_51 = vector.broadcast %eq3A_50 : i32 to vector<1024x16xi32>
    %eq3A_52 = arith.cmpi eq, %iota3A, %eq3A_51 : vector<1024x16xi32>
    %jit3A_53 = arith.constant 0.000000e+00 : f32
    %broadcast_in_dim3A_54 = vector.shape_cast %add3A_49 : vector<1024x1xf32> to vector<1024x1xf32>
    %broadcast_in_dim3A_55 = vector.broadcast %broadcast_in_dim3A_54 : vector<1024x1xf32> to vector<1024x16xf32>
    %broadcast_in_dim3A_56 = vector.broadcast %jit3A_53 : f32 to vector<1024x16xf32>
    %select_n3A_57 = arith.select %eq3A_52, %broadcast_in_dim3A_55, %broadcast_in_dim3A_56 : vector<1024x16xi1>, vector<1024x16xf32>
    %add3A_58 = arith.addf %add3A_36, %select_n3A_57 : vector<1024x16xf32>
    %get3A_59 = arith.constant 0 : index
    %get3A_60 = arith.constant 0 : index
    %get3A_61 = vector.load %arg3[%get3A_59, %get3A_60] : memref<1024x384xf32, #tpu.memory_space<vmem>>, vector<1024x384xf32>
    %slice3A_62 = vector.extract_strided_slice %get3A_61 {offsets = [0, 256], sizes = [1024, 128], strides = [1, 1]} : vector<1024x384xf32> to vector<1024x128xf32>
    %mul3A_63 = arith.mulf %slice3A_62, %add3A : vector<1024x128xf32>
    %reduce_sum3A_64 = arith.constant dense<0.000000e+00> : vector<1024xf32>
    %reduce_sum3A_65 = vector.multi_reduction <add>, %mul3A_63, %reduce_sum3A_64 [1] : vector<1024x128xf32> to vector<1024xf32>
    %broadcast_in_dim3A_66 = vector.shape_cast %reduce_sum3A_65 : vector<1024xf32> to vector<1024x1xf32>
    %slice3A_67 = vector.extract_strided_slice %add3A_19 {offsets = [0, 32], sizes = [1024, 16], strides = [1, 1]} : vector<1024x128xf32> to vector<1024x16xf32>
    %reduce_sum3A_68 = arith.constant dense<0.000000e+00> : vector<1024xf32>
    %reduce_sum3A_69 = vector.multi_reduction <add>, %slice3A_67, %reduce_sum3A_68 [1] : vector<1024x16xf32> to vector<1024xf32>
    %broadcast_in_dim3A_70 = vector.shape_cast %reduce_sum3A_69 : vector<1024xf32> to vector<1024x1xf32>
    %add3A_71 = arith.addf %broadcast_in_dim3A_66, %broadcast_in_dim3A_70 : vector<1024x1xf32>
    %eq3A_72 = arith.constant 2 : i32
    %eq3A_73 = vector.broadcast %eq3A_72 : i32 to vector<1024x16xi32>
    %eq3A_74 = arith.cmpi eq, %iota3A, %eq3A_73 : vector<1024x16xi32>
    %jit3A_75 = arith.constant 0.000000e+00 : f32
    %broadcast_in_dim3A_76 = vector.shape_cast %add3A_71 : vector<1024x1xf32> to vector<1024x1xf32>
    %broadcast_in_dim3A_77 = vector.broadcast %broadcast_in_dim3A_76 : vector<1024x1xf32> to vector<1024x16xf32>
    %broadcast_in_dim3A_78 = vector.broadcast %jit3A_75 : f32 to vector<1024x16xf32>
    %select_n3A_79 = arith.select %eq3A_74, %broadcast_in_dim3A_77, %broadcast_in_dim3A_78 : vector<1024x16xi1>, vector<1024x16xf32>
    %add3A_80 = arith.addf %add3A_58, %select_n3A_79 : vector<1024x16xf32>
    %swap3A = arith.constant 0 : index
    %swap3A_81 = arith.constant 0 : index
    %swap3A_82 = vector.load %arg4[%swap3A, %swap3A_81] : memref<1024x16xf32, #tpu.memory_space<vmem>>, vector<1024x16xf32>
    tpu.vector_store %arg4[%swap3A, %swap3A_81], %add3A_80 {strides = array<i32>} : memref<1024x16xf32, #tpu.memory_space<vmem>>, vector<1024x16xf32>,
    return
  }
  func.func @transform_0(%arg0: i32) -> (i32, i32, i32) {
    %c0_i32 = arith.constant 0 : i32
    %c0_i32_0 = arith.constant 0 : i32
    %c0_i32_1 = arith.constant 0 : i32
    return %c0_i32, %arg0, %c0_i32_0 : i32, i32, i32
  }
  func.func @transform_1(%arg0: i32) -> (i32, i32, i32) {
    %c0_i32 = arith.constant 0 : i32
    %c0_i32_0 = arith.constant 0 : i32
    %c0_i32_1 = arith.constant 0 : i32
    return %c0_i32, %arg0, %c0_i32_0 : i32, i32, i32
  }
  func.func @transform_2(%arg0: i32) -> (i32, i32) {
    %c0_i32 = arith.constant 0 : i32
    %c0_i32_0 = arith.constant 0 : i32
    return %arg0, %c0_i32 : i32, i32
  }
  func.func @transform_3(%arg0: i32) -> (i32, i32) {
    %c0_i32 = arith.constant 0 : i32
    %c0_i32_0 = arith.constant 0 : i32
    return %arg0, %c0_i32 : i32, i32
  }
}

</mosaic_0001>

<sc_bundles>
// kernel: _run.12.cloned.1.call-start
scs
__scs_entry_jumppad:
0x0: {  	(pc) =	sbr.rel $0x88, $3  }
0x1: {  	(tag) =	ssettag $0x0;
	lr =	simm.s32 $0x1  }
0x2: {  	[smem:$0x3F93] =	sst lr;
	_ =	strace $0xD0000000  }
0x3: {  	_ = 	snop  }
0x4: {  	_ = 	snop  }
0x5: {  	_ = 	snop  }
0x6: {  	_ = 	snop  }
0x7: {  	_ = 	snop  }
__scs_overlays_trampoline_lowered:
0x8: {  	[smem:$0x3FA2] =	sst s0  }
0x9: {  	[smem:$0x3FA3] =	sst s1  }
0xa: {  	[smem:$0x3FA4] =	sst s2  }
0xb: {  	[smem:$0x3FA5] =	sst s3  }
0xc: {  	[smem:$0x3FA6] =	sst s4  }
0xd: {  	[smem:$0x3FA7] =	sst s5  }
0xe: {  	[smem:$0x3FA8] =	sst s6  }
0xf: {  	[smem:$0x3FA9] =	sst s7  }
0x10: {  	[smem:$0x3FAA] =	sst s8  }
0x11: {  	[smem:$0x3FAB] =	sst s9;
	s0 =	simm.s32 @!p0 $0x0  }
0x12: {  	s1 =	sld [smem:$0x3F91];
	s0 =	simm.s32 @p0 $0x1  }
0x13: {  	[smem:$0x3FAC] =	sst s0;
	s0 =	simm.s32 @!p1 $0x0  }
0x14: {  	s2 =	sld [smem:$0x3F90];
	s0 =	simm.s32 @p1 $0x1  }
0x15: {  	[smem:$0x3FAD] =	sst s0;
	s0 =	simm.s32 @!p2 $0x0  }
0x16: {  	s3 =	sld [smem:$0x3FDB];
	s0 =	simm.s32 @p2 $0x1  }
0x17: {  	s4 =	simm.s32 $0x1BF5;
	[smem:$0x3FAF] =	sst s0  }
0x18: {  	s0 =	sld [smem:$0x3F92];
	_ =	swait.ge [sflag:s4], $0x0  }
0x19: {  	s7 =	sld [smem:$0x3F93]  }
0x1a: {  	s8 =	sadd.s32 $0xFFFFE003, lr  }
0x1b: {  	s9 =	sadd.s32 $0xFFFFFEF7, lr;
	s5 =	simm.s32 $0xFFFFFFFF;
	p2 =	slt.u32 s8, $0xFFFFF086  }
0x1c: {  	p1 =	slt.u32 s9, $0xF7A;
	s5 =	simm.s32 @!p2 $0x0  }
0x1d: {  	s5 =	simm.s32 @p1 $0x1;
	p0 =	seq.s32 s7, s2  }
0x1e: {  	s7 =	smul.u32 @!p0 $0xF7A, s2;
	p2 =	seq.s32 @!p0 s5, $0x0  }
0x1f: {  	s9 =	smul.u32 $0xF7A, s1;
	s8 =	simm.s32 @!p0 $0x1BF5;
	p2 =	por !p2, p0  }
0x20: {  	[sflag:s8] =	ssyncset.s32 @!p0 $0xFFFFF086;
	s6 =	sadd.s32 @!p0 s3, s7;
	s7 =	simm.s32 @!p0 $0x108  }
0x21: {  	s3 =	sadd.s32 s3, s9;
	s6 =	sadd.s32 @!p0 $0x88, s6;
	s7 =	simm.s32 @p2 $0x1082  }
0x22: {  	[simem:s7], [sflag:s8] =	dma.local @!p0 [hbm:s6], $0xF7A  }
0x23: {  	s9 =	sor.u32 $0xD0000000, s2;
	s6 =	simm.s32 $0x108;
	_ =	swait.ge @!p0 [sflag:s8], $0x0  }
0x24: {  	s3 =	sadd.s32 $0x88, s3;
	s6 =	simm.s32 @!p1 $0x1082;
	[sflag:s4] =	ssyncset.s32 $0xFFFFF086  }
0x25: {  	[simem:s6], [sflag:s4] =	dma.local [hbm:s3], $0xF7A  }
0x26: {  	[smem:$0x3F93] =	sst s1;
	(tag) =	ssettag s2;
	_ =	strace s9  }
0x27: {  	s1 =	sld [smem:$0x3FA3]  }
0x28: {  	s2 =	sld [smem:$0x3FA4]  }
0x29: {  	s4 =	sld [smem:$0x3FA6]  }
0x2a: {  	p0 =	seq.s32 s5, $0x0;
	s5 =	sld [smem:$0x3FA7]  }
0x2b: {  	s6 =	sld [smem:$0x3FA8]  }
0x2c: {  	s7 =	sld [smem:$0x3FA9]  }
0x2d: {  	s3 =	simm.s32 $0x108;
	s8 =	sld [smem:$0x3FAA]  }
0x2e: {  	s3 =	simm.s32 @!p0 $0x1082;
	s9 =	sld [smem:$0x3FAB]  }
0x2f: {  	lr =	sadd.s32 s0, s3;
	s0 =	sld [smem:$0x3FA2]  }
0x30: {  	s3 =	sld [smem:$0x3FA5]  }
0x31: {  	[smem:$0x3FAE] =	sst s10  }
0x32: {  	s10 =	sld [smem:$0x3FAC];
	_ =	sdelay $0x3  }
0x33: {  	p0 =	seq.s32 s10, $0x1;
	s10 =	sld [smem:$0x3FAE];
	_ =	sdelay $0x3  }
0x34: {  	[smem:$0x3FAE] =	sst s10  }
0x35: {  	s10 =	sld [smem:$0x3FAD];
	_ =	sdelay $0x3  }
0x36: {  	p1 =	seq.s32 s10, $0x1;
	s10 =	sld [smem:$0x3FAE];
	_ =	sdelay $0x3  }
0x37: {  	[smem:$0x3FAE] =	sst s10  }
0x38: {  	s10 =	sld [smem:$0x3FAF]  }
0x39: {  	_ = 	snop;
	(pc) =	sbr.ind lr, $3  }
0x3a: {  	_ = 	snop  }
0x3b: {  	_ = 	snop  }
0x3c: {  	p2 =	seq.s32 s10, $0x1;
	s10 =	sld [smem:$0x3FAE]  }
0x3d: {  	_ =	shalt  }
0x3e: {  	_ =	shalt  }
0x3f: {  	_ =	shalt  }
0x40: {  	_ =	shalt  }
0x41: {  	_ =	shalt  }
0x42: {  	_ =	shalt  }
0x43: {  	_ =	shalt  }
0x44: {  	_ =	shalt  }
0x45: {  	_ =	shalt  }
0x46: {  	_ =	shalt  }
0x47: {  	_ =	shalt  }
0x48: {  	_ =	shalt  }
0x49: {  	_ =	shalt  }
0x4a: {  	_ =	shalt  }
0x4b: {  	_ =	shalt  }
0x4c: {  	_ =	shalt  }
0x4d: {  	_ =	shalt  }
0x4e: {  	_ =	shalt  }
0x4f: {  	_ =	shalt  }
0x50: {  	_ =	shalt  }
0x51: {  	_ =	shalt  }
0x52: {  	_ =	shalt  }
0x53: {  	_ =	shalt  }
0x54: {  	_ =	shalt  }
0x55: {  	_ =	shalt  }
0x56: {  	_ =	shalt  }
0x57: {  	_ =	shalt  }
0x58: {  	_ =	shalt  }
0x59: {  	_ =	shalt  }
0x5a: {  	_ =	shalt  }
0x5b: {  	_ =	shalt  }
0x5c: {  	_ =	shalt  }
0x5d: {  	_ =	shalt  }
0x5e: {  	_ =	shalt  }
0x5f: {  	_ =	shalt  }
0x60: {  	_ =	shalt  }
0x61: {  	_ =	shalt  }
0x62: {  	_ =	shalt  }
0x63: {  	_ =	shalt  }
0x64: {  	_ =	shalt  }
0x65: {  	_ =	shalt  }
0x66: {  	_ =	shalt  }
0x67: {  	_ =	shalt  }
0x68: {  	_ =	shalt  }
0x69: {  	_ =	shalt  }
0x6a: {  	_ =	shalt  }
0x6b: {  	_ =	shalt  }
0x6c: {  	_ =	shalt  }
0x6d: {  	_ =	shalt  }
0x6e: {  	_ =	shalt  }
0x6f: {  	_ =	shalt  }
0x70: {  	_ =	shalt  }
0x71: {  	_ =	shalt  }
0x72: {  	_ =	shalt  }
0x73: {  	_ =	shalt  }
0x74: {  	_ =	shalt  }
0x75: {  	_ =	shalt  }
0x76: {  	_ =	shalt  }
0x77: {  	_ =	shalt  }
0x78: {  	_ =	shalt  }
0x79: {  	_ =	shalt  }
0x7a: {  	_ =	shalt  }
0x7b: {  	_ =	shalt  }
0x7c: {  	_ =	shalt  }
0x7d: {  	_ =	shalt  }
0x7e: {  	_ =	shalt  }
0x7f: {  	_ =	shalt  }
0x80: {  	_ =	shalt  }
0x81: {  	_ =	shalt  }
0x82: {  	_ =	shalt  }
0x83: {  	_ =	shalt  }
0x84: {  	_ =	shalt  }
0x85: {  	_ =	shalt  }
0x86: {  	_ =	shalt  }
0x87: {  	_ =	shalt  }
.Lfunc_end0:
.L_simem_size_0:
called_computation_lowered:
.L_overlay_start_0:
0x88: {  	s2 =	sld [smem:$0x3FD9]  }
0x89: {  	s3 =	sld [smem:$0x3FFE];
	_ =	sdelay $0x1  }
0x8a: {  	s1 =	srdreg.scid  }
0x8b: {  	s0 =	sand.u32 $0x1, s1  }
0x8c: {  	s16 =	sshll.u32 s0, $0xA;
	s2 =	sadd.s32 s3, s2  }
0x8d: {  	s2 =	sadd.s32 s2, s16  }
0x8e: {  	[smem:$0x3FBA] =	sst s2  }
0x8f: {  	_ = 	snop  }
0x90: {  	(tm) =	ssettm $0x1  }
0x91: {  	s17 =	sld [smem:$0x3FFB];
	_ =	sdelay $0x3  }
0x92: {  	_ =	strace s17  }
0x93: {  	s2 =	sld [smem:$0x3FFC];
	_ =	sdelay $0x3  }
0x94: {  	_ =	strace s2  }
0x95: {  	s2 =	sld [smem:$0x3FFD];
	_ =	sdelay $0x3  }
0x96: {  	_ =	strace s2  }
0x97: {  	_ =	strace $0x8FFFFFFF  }
0x98: {  	s18 =	sld [smem:$0x3FDB];
	_ =	sdelay $0x1  }
0x99: {  	s19 =	simm.s32 $_scs_section_size  }
0x9a: {  	s4 =	simm.s32 $_size__tile_overlayer_lowered;
	s5 =	simm.s32 $_tile_overlayer_lowered  }
0x9b: {  	s22 =	simm.s32 $0x1BFF;
	s21 =	sshll.u32 s5, $0x1;
	s2 =	sadd.s32 s19, s18  }
0x9c: {  	s6 =	simm.s32 $0x0;
	s20 =	sshll.u32 s4, $0x1;
	s4 =	sadd.s32 s21, s2  }
0x9d: {  	[timem:s6], [sflag:s22] =	dma.local [hbm:s4], s20  }
0x9e: {  	_ =	swait.ge [sflag:s22], s20  }
0x9f: {  	s3 =	ssub.s32 $0x0, s20;
	[sflag:s22] =	ssyncset.done $0x0  }
0xa0: {  	[sflag:s22] =	ssyncadd.s32 s3;
	_ =	sdelay $0x1  }
0xa1: {  	s23 =	simm.s32 $0x1B8B  }
0xa2: {  	_ =	swait.ge [sflag:s23], $0x1  }
0xa3: {  	[sflag:s23] =	ssyncset.done $0x0  }
0xa4: {  	s25 =	simm.s32 $0x1B8E;
	s24 =	sld [smem:$0x3FFE];
	[sflag:s23] =	ssyncadd.s32 $0xFFFFFFFF  }
0xa5: {  	s26 =	simm.s32 $execute0_lowered;
	[smem:$0x3FD2] =	sst s25  }
0xa6: {  	s4 =	sshll.u32 s26, $0x1;
	_ =	strace $0x80000046;
	[dreg:$0x1] =	wrdreg $0xFFFFFFFF  }
0xa7: {  	s28 =	simm.s32 $_size_execute0_lowered;
	s2 =	sadd.s32 s2, s4;
	[dreg:$0x0] =	wrdreg $0x0  }
0xa8: {  	s4 =	sshll.u32 s28, $0x1;
	[dreg:$0x2] =	wrdreg s2  }
0xa9: {  	[dreg:$0x3] =	wrdreg s4  }
0xaa: {  	[dreg:$0x4] =	wrdreg $0xC0  }
0xab: {  	_ =	task [dreg:s6], $0x5FFFF  }
0xac: {  	[dreg:$0x1] =	wrdreg $0xFFFFFFFF  }
0xad: {  	[dreg:$0x0] =	wrdreg $0x60  }
0xae: {  	[dreg:$0x2] =	wrdreg s24  }
0xaf: {  	[dreg:$0x3] =	wrdreg $0x9  }
0xb0: {  	_ =	task.clear_ibuf [dreg:s6], $0x4FFFF;
	_ =	strace $0x90000046  }
0xb1: {  	s29 =	simm.s32 $0x9;
	_ =	strace $0x80000048  }
0xb2: {  	_ =	swait.ge [sflag:s29], $0x1  }
0xb3: {  	[sflag:s29] =	ssyncadd.s32 $0xFFFFFFFF  }
0xb4: {  	_ =	strace $0x90000048  }
0xb5: {  	_ =	sfence  }
0xb6: {  	s30 =	sld [smem:$0x0];
	_ =	sdelay $0x2  }
0xb7: {  	s31 =	sshll.u32 s1, $0xD;
	s1 =	sshrl.u32 s1, $0x2  }
0xb8: {  	s3 =	sand.u32 $0x4000, s31;
	s1 =	sadd.s32 s1, s30  }
0xb9: {  	s0 =	sor.u32 s3, s0;
	s1 =	sshll.u32 s1, $0x11  }
0xba: {  	s0 =	sor.u32 s1, s0  }
0xbb: {  	s0 =	sadd.s32 $0x8F2B, s0  }
0xbc: {  	[sflag:s0] =	ssyncadd.remote.s32 $0x1  }
0xbd: {  	_ =	sfence.sel $0xFFFF  }
0xbe: {  	[dreg:$0x0] =	wrdreg $0xFFFFFFFF;
	(pc) =	sbr.abs _section_cstart, $3  }
0xbf: {  	[dreg:$0x1] =	wrdreg $0xFFFFFFFF  }
0xc0: {  	_ =	task.clear_ibuf [dreg:s6], $0x2FFFF;
	_ =	strace $0x9FFFFFFF  }
0xc1: {  	(tm) =	ssettm $0x7FFFFFFF  }
tec
execute0_lowered:
.L_overlay_start_1:
0x0: {  	(tag) =	ssettag $0x1  }
0x1: {  	s0 =	rddreg [dreg:$0x0]  }
0x2: {  	s1 =	simm.s32 $0x0;
	s30 =	srdreg.scid;
	s9 =	stileid.u32  }
0x3: {  	s11 =	simm.s32 $0x4;
	s13 =	simm.s32 $0x100;
	s10 =	simm.s32 $0xA100  }
0x4: {  	s12 =	simm.s32 $0xB100;
	s14 =	simm.s32 $0xB900;
	s15 =	simm.s32 $0xC100  }
0x5: {  	s16 =	simm.s32 $0xC900;
	s17 =	simm.s32 $0xD100;
	s18 =	simm.s32 $0xD900  }
0x6: {  	s19 =	simm.s32 $0xE100;
	s20 =	simm.s32 $0xE900;
	s21 =	simm.s32 $0xF100  }
0x7: {  	s22 =	simm.s32 $0xF900;
	s23 =	simm.s32 $0x1;
	s24 =	simm.s32 $0x2  }
0x8: {  	s25 =	simm.s32 $0x3;
	[smem:$0x7FF] =	sst s1;
	s3 =	sand.u32 $0x1, s30  }
.Ltmp0:
0x9: {  	s2 =	sadd.s32 $0x5D000, s0;
	s1 =	ssub.s32 $0x2, s3;
	(pc) =	sbr.rel .LBB2_1-.Ltmp0, $4  }
0xa: {  	s5 =	sadd.s32 $0xD000, s0;
	s6 =	sadd.s32 $0x3000, s0;
	s4 =	sshrl.u32 s1, $0x1  }
0xb: {  	v2 =	vlaneseq.u32;
	s7 =	sadd.s32 $0x8000, s0;
	s8 =	sadd.s32 $0xAD000, s0;
	s31 =	ssub.s32 s1, s4  }
0xc: {  	vm0 =	vmmov $0xffff;
	s9 =	sshll.u32 s9, $0x1;
	v1 =	vshrl.u32 v2, $0x3;
	_ =	strace $0x80000047;
	s0 =	smax.u32 s31, $0x1  }
0xd: {  	v0 =	vand.u32 $0x7, v2;
	v2 =	vor.u32 $0x8, v2;
	v1 =	vmul.u32 $0x8, v1;
	s1 =	simm.s32 $0xA900;
	s4 =	simm.s32 $0x0;
	[dreg:$0x2] =	wrdreg s0  }
.LBB2_7:
0xe: {  	s4 =	rddreg [dreg:$0x3]  }
0xf: {  	s0 =	rddreg [dreg:$0x2];
	s4 =	sadd.s32 $0x1, s4  }
0x10: {  	p0 =	sne.s32 s4, s0  }
.Ltmp1:
0x11: {  	_ = 	snop;
	(pc) =	sbr.rel @!p0 .LBB2_8-.Ltmp1, $1  }
0x12: {  	_ =	sdelay $0x3  }
.LBB2_1:
.Ltmp2:
0x13: {  	(pc) =	sbr.rel .LBB2_2-.Ltmp2, $2  }
0x14: {  	_ =	sdelay $0x2  }
0x15: {  	[dreg:$0x3] =	wrdreg s4;
	s26 =	simm.s32 $0x0  }
.LBB2_6:
0x16: {  	s26 =	sadd.s32 $0x1, s26  }
0x17: {  	p0 =	sne.s32 s26, $0x28  }
.Ltmp3:
0x18: {  	_ = 	snop;
	(pc) =	sbr.rel @!p0 .LBB2_7-.Ltmp3, $1  }
0x19: {  	_ =	sdelay $0x3  }
.LBB2_2:
0x1a: {  	s28 =	sshll.u32 s26, $0x5  }
0x1b: {  	s28 =	sor.u32 s9, s28  }
0x1c: {  	p0 =	sgt.u32 s28, $0x4E1  }
.Ltmp4:
0x1d: {  	_ = 	snop;
	(pc) =	sbr.rel @p0 .LBB2_6-.Ltmp4, $1  }
0x1e: {  	_ =	sdelay $0x3  }
0x1f: {  	s28 =	sor.u32 s3, s28  }
0x20: {  	s30 =	sshll.u32 s28, $0x4  }
0x21: {  	s29 =	simm.s32 $0x0;
	s31 =	sadd.s32 s6, s30  }
0x22: {  	[tilespmem:s29], [sflag:$0x4] =	stream.linear.gather [hbm4b:s31+s29], $0x80, $0x38;
	[tilespmem:$0x10100] =	vst v63  }
0x23: {  	_ =	swait.ge [sflag:s11], $0x80  }
0x24: {  	[sflag:s11] =	ssyncset.done $0x0  }
0x25: {  	s0 =	simm.s32 $0x80;
	s30 =	sadd.s32 s7, s30;
	[sflag:s11] =	ssyncadd.s32 $0xFFFFFF80  }
0x26: {  	[tilespmem:s0], [sflag:$0x4] =	stream.linear.gather [hbm4b:s30+s29], $0x80, $0x38;
	[tilespmem:$0x10100] =	vst v63  }
0x27: {  	_ =	swait.ge [sflag:s11], $0x80  }
0x28: {  	[sflag:s11] =	ssyncset.done $0x0  }
0x29: {  	[sflag:s11] =	ssyncadd.s32 $0xFFFFFF80  }
0x2a: {  	v3 =	vld [tilespmem:$0x0];
	_ =	sdelay $0x4  }
0x2b: {  	v4 =	vshll.u32 v3, $0x1  }
0x2c: {  	v3 =	vand.u32 $0x7, v3;
	v4 =	vand.u32 $0xFFFFFFF0, v4  }
0x2d: {  	v3 =	vor.u32 v3, v4  }
0x2e: {  	v4 =	vperm.xlane v3, v0;
	_ =	sdelay $0x1  }
0x2f: {  	v3 =	vperm.xlane v3, v2;
	v4 =	vadd.s32 v1, v4;
	_ =	sdelay $0x1  }
0x30: {  	v3 =	vadd.s32 v1, v3;
	_ =	sdelay $0x2  }
0x31: {  	[tilespmem:s13], [sflag:$0x1] =	stream.indirect_vreg.gather [hbm4b:s2+s29], $0x80, v4, vm0, $0xb8;
	[tilespmem:$0x10100] =	vst v63  }
0x32: {  	s4 =	simm.s32 $0x900  }
0x33: {  	[tilespmem:s4], [sflag:$0x1] =	stream.indirect_vreg.gather [hbm4b:s2+s29], $0x80, v3, vm0, $0xb8;
	[tilespmem:$0x10100] =	vst v63  }
0x34: {  	v3 =	vld [tilespmem:$0x10];
	_ =	sdelay $0x4  }
0x35: {  	v4 =	vshll.u32 v3, $0x1  }
0x36: {  	v3 =	vand.u32 $0x7, v3;
	v4 =	vand.u32 $0xFFFFFFF0, v4  }
0x37: {  	v3 =	vor.u32 v3, v4  }
0x38: {  	v4 =	vperm.xlane v3, v0;
	_ =	sdelay $0x1  }
0x39: {  	v3 =	vperm.xlane v3, v2;
	v4 =	vadd.s32 v1, v4;
	_ =	sdelay $0x1  }
0x3a: {  	v3 =	vadd.s32 v1, v3;
	_ =	sdelay $0x1  }
0x3b: {  	s4 =	simm.s32 $0x1100  }
0x3c: {  	[tilespmem:s4], [sflag:$0x1] =	stream.indirect_vreg.gather [hbm4b:s2+s29], $0x80, v4, vm0, $0xb8;
	[tilespmem:$0x10100] =	vst v63  }
0x3d: {  	s4 =	simm.s32 $0x1900  }
0x3e: {  	[tilespmem:s4], [sflag:$0x1] =	stream.indirect_vreg.gather [hbm4b:s2+s29], $0x80, v3, vm0, $0xb8;
	[tilespmem:$0x10100] =	vst v63  }
0x3f: {  	v3 =	vld [tilespmem:$0x20];
	_ =	sdelay $0x4  }
0x40: {  	v4 =	vshll.u32 v3, $0x1  }
0x41: {  	v3 =	vand.u32 $0x7, v3;
	v4 =	vand.u32 $0xFFFFFFF0, v4  }
0x42: {  	v3 =	vor.u32 v3, v4  }
0x43: {  	v4 =	vperm.xlane v3, v0;
	_ =	sdelay $0x1  }
0x44: {  	v3 =	vperm.xlane v3, v2;
	v4 =	vadd.s32 v1, v4;
	_ =	sdelay $0x1  }
0x45: {  	v3 =	vadd.s32 v1, v3;
	_ =	sdelay $0x1  }
0x46: {  	s4 =	simm.s32 $0x2100  }
0x47: {  	[tilespmem:s4], [sflag:$0x1] =	stream.indirect_vreg.gather [hbm4b:s2+s29], $0x80, v4, vm0, $0xb8;
	[tilespmem:$0x10100] =	vst v63  }
0x48: {  	s4 =	simm.s32 $0x2900  }
0x49: {  	[tilespmem:s4], [sflag:$0x1] =	stream.indirect_vreg.gather [hbm4b:s2+s29], $0x80, v3, vm0, $0xb8;
	[tilespmem:$0x10100] =	vst v63  }
0x4a: {  	v3 =	vld [tilespmem:$0x30];
	_ =	sdelay $0x4  }
0x4b: {  	v4 =	vshll.u32 v3, $0x1  }
0x4c: {  	v3 =	vand.u32 $0x7, v3;
	v4 =	vand.u32 $0xFFFFFFF0, v4  }
0x4d: {  	v3 =	vor.u32 v3, v4  }
0x4e: {  	v4 =	vperm.xlane v3, v0;
	_ =	sdelay $0x1  }
0x4f: {  	v3 =	vperm.xlane v3, v2;
	v4 =	vadd.s32 v1, v4;
	_ =	sdelay $0x1  }
0x50: {  	v3 =	vadd.s32 v1, v3;
	_ =	sdelay $0x1  }
0x51: {  	s4 =	simm.s32 $0x3100  }
0x52: {  	[tilespmem:s4], [sflag:$0x1] =	stream.indirect_vreg.gather [hbm4b:s2+s29], $0x80, v4, vm0, $0xb8;
	[tilespmem:$0x10100] =	vst v63  }
0x53: {  	s4 =	simm.s32 $0x3900  }
0x54: {  	[tilespmem:s4], [sflag:$0x1] =	stream.indirect_vreg.gather [hbm4b:s2+s29], $0x80, v3, vm0, $0xb8;
	[tilespmem:$0x10100] =	vst v63  }
0x55: {  	v3 =	vld [tilespmem:$0x40];
	_ =	sdelay $0x4  }
0x56: {  	v4 =	vshll.u32 v3, $0x1  }
0x57: {  	v3 =	vand.u32 $0x7, v3;
	v4 =	vand.u32 $0xFFFFFFF0, v4  }
0x58: {  	v3 =	vor.u32 v3, v4  }
0x59: {  	v4 =	vperm.xlane v3, v0;
	_ =	sdelay $0x1  }
0x5a: {  	v3 =	vperm.xlane v3, v2;
	v4 =	vadd.s32 v1, v4;
	_ =	sdelay $0x1  }
0x5b: {  	v3 =	vadd.s32 v1, v3;
	_ =	sdelay $0x1  }
0x5c: {  	s4 =	simm.s32 $0x4100  }
0x5d: {  	[tilespmem:s4], [sflag:$0x1] =	stream.indirect_vreg.gather [hbm4b:s2+s29], $0x80, v4, vm0, $0xb8;
	[tilespmem:$0x10100] =	vst v63  }
0x5e: {  	s4 =	simm.s32 $0x4900  }
0x5f: {  	[tilespmem:s4], [sflag:$0x1] =	stream.indirect_vreg.gather [hbm4b:s2+s29], $0x80, v3, vm0, $0xb8;
	[tilespmem:$0x10100] =	vst v63  }
0x60: {  	v3 =	vld [tilespmem:$0x50];
	_ =	sdelay $0x4  }
0x61: {  	v4 =	vshll.u32 v3, $0x1  }
0x62: {  	v3 =	vand.u32 $0x7, v3;
	v4 =	vand.u32 $0xFFFFFFF0, v4  }
0x63: {  	v3 =	vor.u32 v3, v4  }
0x64: {  	v4 =	vperm.xlane v3, v0;
	_ =	sdelay $0x1  }
0x65: {  	v3 =	vperm.xlane v3, v2;
	v4 =	vadd.s32 v1, v4;
	_ =	sdelay $0x1  }
0x66: {  	v3 =	vadd.s32 v1, v3;
	_ =	sdelay $0x1  }
0x67: {  	s4 =	simm.s32 $0x5100  }
0x68: {  	[tilespmem:s4], [sflag:$0x1] =	stream.indirect_vreg.gather [hbm4b:s2+s29], $0x80, v4, vm0, $0xb8;
	[tilespmem:$0x10100] =	vst v63  }
0x69: {  	s4 =	simm.s32 $0x5900  }
0x6a: {  	[tilespmem:s4], [sflag:$0x1] =	stream.indirect_vreg.gather [hbm4b:s2+s29], $0x80, v3, vm0, $0xb8;
	[tilespmem:$0x10100] =	vst v63  }
0x6b: {  	v3 =	vld [tilespmem:$0x60];
	_ =	sdelay $0x4  }
0x6c: {  	v4 =	vshll.u32 v3, $0x1  }
0x6d: {  	v3 =	vand.u32 $0x7, v3;
	v4 =	vand.u32 $0xFFFFFFF0, v4  }
0x6e: {  	v3 =	vor.u32 v3, v4  }
0x6f: {  	v4 =	vperm.xlane v3, v0;
	_ =	sdelay $0x1  }
0x70: {  	v3 =	vperm.xlane v3, v2;
	v4 =	vadd.s32 v1, v4;
	_ =	sdelay $0x1  }
0x71: {  	v3 =	vadd.s32 v1, v3;
	_ =	sdelay $0x1  }
0x72: {  	s4 =	simm.s32 $0x6100  }
0x73: {  	[tilespmem:s4], [sflag:$0x1] =	stream.indirect_vreg.gather [hbm4b:s2+s29], $0x80, v4, vm0, $0xb8;
	[tilespmem:$0x10100] =	vst v63  }
0x74: {  	s4 =	simm.s32 $0x6900  }
0x75: {  	[tilespmem:s4], [sflag:$0x1] =	stream.indirect_vreg.gather [hbm4b:s2+s29], $0x80, v3, vm0, $0xb8;
	[tilespmem:$0x10100] =	vst v63  }
0x76: {  	v3 =	vld [tilespmem:$0x70];
	_ =	sdelay $0x4  }
0x77: {  	v4 =	vshll.u32 v3, $0x1  }
0x78: {  	v3 =	vand.u32 $0x7, v3;
	v4 =	vand.u32 $0xFFFFFFF0, v4  }
0x79: {  	v3 =	vor.u32 v3, v4  }
0x7a: {  	v4 =	vperm.xlane v3, v0;
	_ =	sdelay $0x1  }
0x7b: {  	v3 =	vperm.xlane v3, v2;
	v4 =	vadd.s32 v1, v4;
	_ =	sdelay $0x1  }
0x7c: {  	v3 =	vadd.s32 v1, v3;
	_ =	sdelay $0x1  }
0x7d: {  	s4 =	simm.s32 $0x7100  }
0x7e: {  	[tilespmem:s4], [sflag:$0x1] =	stream.indirect_vreg.gather [hbm4b:s2+s29], $0x80, v4, vm0, $0xb8;
	[tilespmem:$0x10100] =	vst v63  }
0x7f: {  	s4 =	simm.s32 $0x7900  }
0x80: {  	[tilespmem:s4], [sflag:$0x1] =	stream.indirect_vreg.gather [hbm4b:s2+s29], $0x80, v3, vm0, $0xb8;
	[tilespmem:$0x10100] =	vst v63  }
0x81: {  	v3 =	vld [tilespmem:$0x80];
	_ =	sdelay $0x4  }
0x82: {  	v4 =	vshll.u32 v3, $0x1  }
0x83: {  	v3 =	vand.u32 $0x7, v3;
	v4 =	vand.u32 $0xFFFFFFF0, v4  }
0x84: {  	v3 =	vor.u32 v3, v4  }
0x85: {  	v4 =	vperm.xlane v3, v0;
	_ =	sdelay $0x1  }
0x86: {  	v3 =	vperm.xlane v3, v2;
	v4 =	vadd.s32 v1, v4;
	_ =	sdelay $0x1  }
0x87: {  	v3 =	vadd.s32 v1, v3;
	_ =	sdelay $0x1  }
0x88: {  	s4 =	simm.s32 $0x8100  }
0x89: {  	[tilespmem:s4], [sflag:$0x2] =	stream.indirect_vreg.gather [hbm4b:s5+s29], $0x80, v4, vm0, $0xb8;
	[tilespmem:$0x10100] =	vst v63  }
0x8a: {  	s4 =	simm.s32 $0x8900  }
0x8b: {  	[tilespmem:s4], [sflag:$0x2] =	stream.indirect_vreg.gather [hbm4b:s5+s29], $0x80, v3, vm0, $0xb8;
	[tilespmem:$0x10100] =	vst v63  }
0x8c: {  	v3 =	vld [tilespmem:$0x90];
	_ =	sdelay $0x4  }
0x8d: {  	v4 =	vshll.u32 v3, $0x1  }
0x8e: {  	v3 =	vand.u32 $0x7, v3;
	v4 =	vand.u32 $0xFFFFFFF0, v4  }
0x8f: {  	v3 =	vor.u32 v3, v4  }
0x90: {  	v4 =	vperm.xlane v3, v0;
	_ =	sdelay $0x1  }
0x91: {  	v3 =	vperm.xlane v3, v2;
	v4 =	vadd.s32 v1, v4;
	_ =	sdelay $0x1  }
0x92: {  	v3 =	vadd.s32 v1, v3;
	_ =	sdelay $0x1  }
0x93: {  	s4 =	simm.s32 $0x9100  }
0x94: {  	[tilespmem:s4], [sflag:$0x2] =	stream.indirect_vreg.gather [hbm4b:s5+s29], $0x80, v4, vm0, $0xb8;
	[tilespmem:$0x10100] =	vst v63  }
0x95: {  	s4 =	simm.s32 $0x9900  }
0x96: {  	[tilespmem:s4], [sflag:$0x2] =	stream.indirect_vreg.gather [hbm4b:s5+s29], $0x80, v3, vm0, $0xb8;
	[tilespmem:$0x10100] =	vst v63  }
0x97: {  	v3 =	vld [tilespmem:$0xA0];
	_ =	sdelay $0x4  }
0x98: {  	v4 =	vshll.u32 v3, $0x1  }
0x99: {  	v3 =	vand.u32 $0x7, v3;
	v4 =	vand.u32 $0xFFFFFFF0, v4  }
0x9a: {  	v3 =	vor.u32 v3, v4  }
0x9b: {  	v4 =	vperm.xlane v3, v0;
	_ =	sdelay $0x1  }
0x9c: {  	v3 =	vperm.xlane v3, v2;
	v4 =	vadd.s32 v1, v4;
	_ =	sdelay $0x1  }
0x9d: {  	v3 =	vadd.s32 v1, v3;
	_ =	sdelay $0x2  }
0x9e: {  	[tilespmem:s10], [sflag:$0x2] =	stream.indirect_vreg.gather [hbm4b:s5+s29], $0x80, v4, vm0, $0xb8;
	[tilespmem:$0x10100] =	vst v63  }
0x9f: {  	_ = 	snop  }
0xa0: {  	[tilespmem:s1], [sflag:$0x2] =	stream.indirect_vreg.gather [hbm4b:s5+s29], $0x80, v3, vm0, $0xb8;
	[tilespmem:$0x10100] =	vst v63  }
0xa1: {  	v3 =	vld [tilespmem:$0xB0];
	_ =	sdelay $0x4  }
0xa2: {  	v4 =	vshll.u32 v3, $0x1  }
0xa3: {  	v3 =	vand.u32 $0x7, v3;
	v4 =	vand.u32 $0xFFFFFFF0, v4  }
0xa4: {  	v3 =	vor.u32 v3, v4  }
0xa5: {  	v4 =	vperm.xlane v3, v0;
	_ =	sdelay $0x1  }
0xa6: {  	v3 =	vperm.xlane v3, v2;
	v4 =	vadd.s32 v1, v4;
	_ =	sdelay $0x1  }
0xa7: {  	v3 =	vadd.s32 v1, v3;
	_ =	sdelay $0x2  }
0xa8: {  	[tilespmem:s12], [sflag:$0x2] =	stream.indirect_vreg.gather [hbm4b:s5+s29], $0x80, v4, vm0, $0xb8;
	[tilespmem:$0x10100] =	vst v63  }
0xa9: {  	_ = 	snop  }
0xaa: {  	[tilespmem:s14], [sflag:$0x2] =	stream.indirect_vreg.gather [hbm4b:s5+s29], $0x80, v3, vm0, $0xb8;
	[tilespmem:$0x10100] =	vst v63  }
0xab: {  	v3 =	vld [tilespmem:$0xC0];
	_ =	sdelay $0x4  }
0xac: {  	v4 =	vshll.u32 v3, $0x1  }
0xad: {  	v3 =	vand.u32 $0x7, v3;
	v4 =	vand.u32 $0xFFFFFFF0, v4  }
0xae: {  	v3 =	vor.u32 v3, v4  }
0xaf: {  	v4 =	vperm.xlane v3, v0;
	_ =	sdelay $0x1  }
0xb0: {  	v3 =	vperm.xlane v3, v2;
	v4 =	vadd.s32 v1, v4;
	_ =	sdelay $0x1  }
0xb1: {  	v3 =	vadd.s32 v1, v3;
	_ =	sdelay $0x2  }
0xb2: {  	[tilespmem:s15], [sflag:$0x2] =	stream.indirect_vreg.gather [hbm4b:s5+s29], $0x80, v4, vm0, $0xb8;
	[tilespmem:$0x10100] =	vst v63  }
0xb3: {  	_ = 	snop  }
0xb4: {  	[tilespmem:s16], [sflag:$0x2] =	stream.indirect_vreg.gather [hbm4b:s5+s29], $0x80, v3, vm0, $0xb8;
	[tilespmem:$0x10100] =	vst v63  }
0xb5: {  	v3 =	vld [tilespmem:$0xD0];
	_ =	sdelay $0x4  }
0xb6: {  	v4 =	vshll.u32 v3, $0x1  }
0xb7: {  	v3 =	vand.u32 $0x7, v3;
	v4 =	vand.u32 $0xFFFFFFF0, v4  }
0xb8: {  	v3 =	vor.u32 v3, v4  }
0xb9: {  	v4 =	vperm.xlane v3, v0;
	_ =	sdelay $0x1  }
0xba: {  	v3 =	vperm.xlane v3, v2;
	v4 =	vadd.s32 v1, v4;
	_ =	sdelay $0x1  }
0xbb: {  	v3 =	vadd.s32 v1, v3;
	_ =	sdelay $0x2  }
0xbc: {  	[tilespmem:s17], [sflag:$0x2] =	stream.indirect_vreg.gather [hbm4b:s5+s29], $0x80, v4, vm0, $0xb8;
	[tilespmem:$0x10100] =	vst v63  }
0xbd: {  	_ = 	snop  }
0xbe: {  	[tilespmem:s18], [sflag:$0x2] =	stream.indirect_vreg.gather [hbm4b:s5+s29], $0x80, v3, vm0, $0xb8;
	[tilespmem:$0x10100] =	vst v63  }
0xbf: {  	v3 =	vld [tilespmem:$0xE0];
	_ =	sdelay $0x4  }
0xc0: {  	v4 =	vshll.u32 v3, $0x1  }
0xc1: {  	v3 =	vand.u32 $0x7, v3;
	v4 =	vand.u32 $0xFFFFFFF0, v4  }
0xc2: {  	v3 =	vor.u32 v3, v4  }
0xc3: {  	v4 =	vperm.xlane v3, v0;
	_ =	sdelay $0x1  }
0xc4: {  	v3 =	vperm.xlane v3, v2;
	v4 =	vadd.s32 v1, v4;
	_ =	sdelay $0x1  }
0xc5: {  	v3 =	vadd.s32 v1, v3;
	_ =	sdelay $0x2  }
0xc6: {  	[tilespmem:s19], [sflag:$0x2] =	stream.indirect_vreg.gather [hbm4b:s5+s29], $0x80, v4, vm0, $0xb8;
	[tilespmem:$0x10100] =	vst v63  }
0xc7: {  	_ = 	snop  }
0xc8: {  	[tilespmem:s20], [sflag:$0x2] =	stream.indirect_vreg.gather [hbm4b:s5+s29], $0x80, v3, vm0, $0xb8;
	[tilespmem:$0x10100] =	vst v63  }
0xc9: {  	v3 =	vld [tilespmem:$0xF0];
	_ =	sdelay $0x4  }
0xca: {  	v4 =	vshll.u32 v3, $0x1  }
0xcb: {  	v3 =	vand.u32 $0x7, v3;
	v4 =	vand.u32 $0xFFFFFFF0, v4  }
0xcc: {  	v3 =	vor.u32 v3, v4  }
0xcd: {  	v4 =	vperm.xlane v3, v0;
	_ =	sdelay $0x1  }
0xce: {  	v3 =	vperm.xlane v3, v2;
	v4 =	vadd.s32 v1, v4;
	_ =	sdelay $0x1  }
0xcf: {  	v3 =	vadd.s32 v1, v3;
	_ =	sdelay $0x2  }
0xd0: {  	[tilespmem:s21], [sflag:$0x2] =	stream.indirect_vreg.gather [hbm4b:s5+s29], $0x80, v4, vm0, $0xb8;
	[tilespmem:$0x10100] =	vst v63  }
0xd1: {  	_ = 	snop  }
0xd2: {  	[tilespmem:s22], [sflag:$0x2] =	stream.indirect_vreg.gather [hbm4b:s5+s29], $0x80, v3, vm0, $0xb8;
	[tilespmem:$0x10100] =	vst v63  }
0xd3: {  	_ =	swait.ge [sflag:s23], $0x8000  }
0xd4: {  	[sflag:s23] =	ssyncset.done $0x0  }
0xd5: {  	[sflag:s23] =	ssyncadd.s32 $0xFFFF8000  }
0xd6: {  	_ =	swait.ge [sflag:s24], $0x8000  }
0xd7: {  	s30 =	sand.u32 $0x7800, s29;
	s29 =	sand.u32 $0x380, s29;
	[sflag:s24] =	ssyncset.done $0x0  }
0xd8: {  	s29 =	sor.u32 s29, s30;
	[sflag:s24] =	ssyncadd.s32 $0xFFFF8000  }
0xd9: {  	v10 =	vld [tilespmem:s29+$0x8100]  }
0xda: {  	v11 =	vld [tilespmem:s29+$0x8110]  }
0xdb: {  	v12 =	vld [tilespmem:s29+$0x8120]  }
0xdc: {  	v13 =	vld [tilespmem:s29+$0x8130]  }
0xdd: {  	v14 =	vld [tilespmem:s29+$0x8140]  }
0xde: {  	v15 =	vld [tilespmem:s29+$0x8150]  }
0xdf: {  	v16 =	vld [tilespmem:s29+$0x8160]  }
0xe0: {  	v17 =	vld [tilespmem:s29+$0x8170]  }
0xe1: {  	v18 =	vld [tilespmem:s29+$0x8500]  }
0xe2: {  	v9 =	vld [tilespmem:s29+$0x8510]  }
0xe3: {  	v8 =	vld [tilespmem:s29+$0x8520]  }
0xe4: {  	v7 =	vld [tilespmem:s29+$0x8530]  }
0xe5: {  	v6 =	vld [tilespmem:s29+$0x8540]  }
0xe6: {  	v5 =	vld [tilespmem:s29+$0x8550]  }
0xe7: {  	v4 =	vld [tilespmem:s29+$0x8560]  }
0xe8: {  	v3 =	vld [tilespmem:s29+$0x8570]  }
0xe9: {  	v19 =	vld [tilespmem:s29+$0x100]  }
0xea: {  	v20 =	vld [tilespmem:s29+$0x110]  }
0xeb: {  	v21 =	vld [tilespmem:s29+$0x120]  }
0xec: {  	v22 =	vld [tilespmem:s29+$0x130]  }
0xed: {  	v23 =	vld [tilespmem:s29+$0x140]  }
0xee: {  	v10 =	vadd.f32 v10, v19;
	v19 =	vld [tilespmem:s29+$0x150]  }
0xef: {  	v61 =	vld [tilespmem:s29+$0x160];
	v11 =	vadd.f32 v11, v20  }
0xf0: {  	v62 =	vld [tilespmem:s29+$0x170];
	[tilespmem:s29+$0x100] =	vst v10;
	v10 =	vadd.f32 v12, v21  }
0xf1: {  	v63 =	vld [tilespmem:s29+$0x500];
	[tilespmem:s29+$0x110] =	vst v11;
	v11 =	vadd.f32 v13, v22  }
0xf2: {  	v13 =	vld [tilespmem:s29+$0x510];
	[tilespmem:s29+$0x120] =	vst v10;
	v10 =	vadd.f32 v14, v23  }
0xf3: {  	v12 =	vld [tilespmem:s29+$0x520];
	[tilespmem:s29+$0x130] =	vst v11;
	v11 =	vadd.f32 v15, v19  }
0xf4: {  	v14 =	vadd.f32 v16, v61;
	[tilespmem:s29+$0x140] =	vst v10;
	v10 =	vld [tilespmem:s29+$0x530]  }
0xf5: {  	v16 =	vadd.f32 v17, v62;
	[tilespmem:s29+$0x150] =	vst v11;
	v11 =	vld [tilespmem:s29+$0x540]  }
0xf6: {  	s31 =	simm.s32 $0x100;
	s30 =	simm.s32 $0x80;
	v15 =	vadd.f32 v18, v63;
	[tilespmem:s29+$0x160] =	vst v14;
	v14 =	vld [tilespmem:s29+$0x550]  }
.LBB2_4:
0xf7: {  	s0 =	sand.u32 $0x7800, s31;
	s4 =	sand.u32 $0x380, s30;
	p0 =	sne.s32 s31, $0x7F00;
	[tilespmem:s29+$0x170] =	vst v16;
	v9 =	vadd.f32 v9, v13;
	v13 =	vld [tilespmem:s29+$0x560]  }
0xf8: {  	s0 =	sor.u32 s4, s0;
	[tilespmem:s29+$0x500] =	vst v15;
	v8 =	vadd.f32 v8, v12;
	v12 =	vld [tilespmem:s29+$0x570]  }
0xf9: {  	v15 =	vld [tilespmem:s0+$0x8100];
	[tilespmem:s29+$0x510] =	vst v9;
	v7 =	vadd.f32 v7, v10  }
0xfa: {  	v10 =	vld [tilespmem:s0+$0x8110];
	[tilespmem:s29+$0x520] =	vst v8;
	v6 =	vadd.f32 v6, v11  }
0xfb: {  	v11 =	vld [tilespmem:s0+$0x8120];
	[tilespmem:s29+$0x530] =	vst v7;
	v5 =	vadd.f32 v5, v14  }
0xfc: {  	v14 =	vld [tilespmem:s0+$0x8130];
	[tilespmem:s29+$0x540] =	vst v6;
	v4 =	vadd.f32 v4, v13  }
0xfd: {  	v13 =	vld [tilespmem:s0+$0x8140];
	[tilespmem:s29+$0x550] =	vst v5;
	v3 =	vadd.f32 v3, v12  }
0xfe: {  	v12 =	vld [tilespmem:s0+$0x8150];
	[tilespmem:s29+$0x560] =	vst v4  }
0xff: {  	v16 =	vld [tilespmem:s0+$0x8160];
	[tilespmem:s29+$0x570] =	vst v3;
	s29 =	smov.u32 s0  }
0x100: {  	v17 =	vld [tilespmem:s29+$0x8170]  }
0x101: {  	v18 =	vld [tilespmem:s29+$0x8500]  }
0x102: {  	v9 =	vld [tilespmem:s29+$0x8510]  }
0x103: {  	v8 =	vld [tilespmem:s29+$0x8520]  }
0x104: {  	v7 =	vld [tilespmem:s29+$0x8530]  }
0x105: {  	v6 =	vld [tilespmem:s29+$0x8540]  }
0x106: {  	v5 =	vld [tilespmem:s29+$0x8550]  }
0x107: {  	v4 =	vld [tilespmem:s29+$0x8560]  }
0x108: {  	v3 =	vld [tilespmem:s29+$0x8570]  }
0x109: {  	v19 =	vld [tilespmem:s29+$0x100]  }
0x10a: {  	v20 =	vld [tilespmem:s29+$0x110]  }
0x10b: {  	v21 =	vld [tilespmem:s29+$0x120]  }
0x10c: {  	v22 =	vld [tilespmem:s29+$0x130]  }
0x10d: {  	v23 =	vld [tilespmem:s29+$0x140]  }
0x10e: {  	v15 =	vadd.f32 v15, v19;
	v19 =	vld [tilespmem:s29+$0x150]  }
0x10f: {  	v10 =	vadd.f32 v10, v20;
	v20 =	vld [tilespmem:s29+$0x160]  }
0x110: {  	[tilespmem:s29+$0x100] =	vst v15;
	v11 =	vadd.f32 v11, v21;
	v15 =	vld [tilespmem:s29+$0x170]  }
0x111: {  	[tilespmem:s29+$0x110] =	vst v10;
	v10 =	vadd.f32 v14, v22;
	v14 =	vld [tilespmem:s29+$0x500]  }
.Ltmp5:
0x112: {  	[tilespmem:s29+$0x120] =	vst v11;
	v11 =	vadd.f32 v13, v23;
	v13 =	vld [tilespmem:s29+$0x510];
	(pc) =	sbr.rel @p0 .LBB2_4-.Ltmp5, $4  }
0x113: {  	[tilespmem:s29+$0x130] =	vst v10;
	v19 =	vadd.f32 v12, v19;
	v12 =	vld [tilespmem:s29+$0x520]  }
0x114: {  	[tilespmem:s29+$0x140] =	vst v11;
	v20 =	vadd.f32 v16, v20;
	v10 =	vld [tilespmem:s29+$0x530]  }
0x115: {  	[tilespmem:s29+$0x150] =	vst v19;
	v16 =	vadd.f32 v17, v15;
	v11 =	vld [tilespmem:s29+$0x540]  }
0x116: {  	s30 =	sadd.s32 $0x80, s30;
	s31 =	sadd.s32 $0x100, s31;
	[tilespmem:s29+$0x160] =	vst v20;
	v15 =	vadd.f32 v18, v14;
	v14 =	vld [tilespmem:s29+$0x550]  }
0x117: {  	[tilespmem:s29+$0x170] =	vst v16;
	v9 =	vadd.f32 v9, v13;
	v62 =	vld [tilespmem:s29+$0x560]  }
0x118: {  	v63 =	vld [tilespmem:s29+$0x570];
	[tilespmem:s29+$0x500] =	vst v15;
	v8 =	vadd.f32 v8, v12  }
0x119: {  	[tilespmem:s29+$0x510] =	vst v9;
	v7 =	vadd.f32 v7, v10  }
0x11a: {  	[tilespmem:s29+$0x520] =	vst v8;
	v6 =	vadd.f32 v6, v11  }
0x11b: {  	[tilespmem:s29+$0x530] =	vst v7;
	v5 =	vadd.f32 v5, v14  }
0x11c: {  	[tilespmem:s29+$0x540] =	vst v6;
	v4 =	vadd.f32 v4, v62  }
0x11d: {  	v3 =	vadd.f32 v3, v63;
	[tilespmem:s29+$0x550] =	vst v5  }
0x11e: {  	s0 =	sshll.u32 s28, $0xC;
	[tilespmem:s29+$0x560] =	vst v4  }
.Ltmp6:
0x11f: {  	s4 =	simm.s32 $0x0;
	s0 =	sadd.s32 s8, s0;
	[tilespmem:s29+$0x570] =	vst v3;
	(pc) =	sbr.rel .LBB2_6-.Ltmp6, $4  }
0x120: {  	[hbm4b:s0+s4] =	stream.linear.scatter [tilespmem:s13], [sflag:$0x3], $0x8000, $0x38;
	[tilespmem:$0x10100] =	vst v63  }
0x121: {  	_ =	swait.ge [sflag:s25], $0x8000  }
0x122: {  	[sflag:s25] =	ssyncset.done $0x0  }
0x123: {  	[sflag:s25] =	ssyncadd.s32 $0xFFFF8000  }
.LBB2_8:
0x124: {  	_ =	sfence.sel $0x180000  }
0x125: {  	[bflag:$0x0] =	sbarrier.arrive $0xFFFF  }
0x126: {  	_ =	strace $0x90000047  }
0x127: {  	s0 =	stileid.u32;
	[bflag:$0x2] =	sbarrier.arrive $0xFFFF  }
0x128: {  	p0 =	sne.s32 s0, $0x0;
	s0 =	rddreg [dreg:$0x1]  }
0x129: {  	s0 =	sadd.s32 @!p0 $0x100000, s0  }
0x12a: {  	[sflag:s0] =	ssyncadd.tile.s32 @!p0 $0x1;
	_ =	shalt  }
.Lfunc_end2:
_tile_overlayer_lowered:
.L_overlay_start_2:
0x12b: {  	(tag) =	ssettag $0x2  }
0x12c: {  	s0 =	rddreg [dreg:$0x0];
	s2 =	stileid.u32  }
0x12d: {  	s1 =	rddreg [dreg:$0x1];
	p0 =	sne.s32 s2, $0x0  }
0x12e: {  	s3 =	rddreg [dreg:$0x2];
	[bflag:$0x3] =	sbarrier.arrive $0xFFFF;
	s2 =	simm.s32 @!p0 $0x1C03  }
0x12f: {  	[timem:s3], [sflag:s2] =	dma.local @!p0 [hbm:s0], s1  }
0x130: {  	s0 =	simm.s32 @!p0 $0x3  }
0x131: {  	_ =	swait.ge @!p0 [sflag:s0], s1  }
0x132: {  	s1 =	ssub.s32 @!p0 $0x0, s1;
	[sflag:s0] =	ssyncset.done @!p0 $0x0  }
0x133: {  	[sflag:s0] =	ssyncadd.s32 @!p0 s1  }
0x134: {  	[bflag:$0x3] =	sbarrier.arrive $0xFFFF  }
0x135: {  	_ =	shalt  }

// kernel: _run.15.cloned.1.call-start
scs
__scs_entry_jumppad:
0x0: {  	(pc) =	sbr.rel $0x88, $3  }
0x1: {  	(tag) =	ssettag $0x0;
	lr =	simm.s32 $0x1  }
0x2: {  	[smem:$0x3F93] =	sst lr;
	_ =	strace $0xD0000000  }
0x3: {  	_ = 	snop  }
0x4: {  	_ = 	snop  }
0x5: {  	_ = 	snop  }
0x6: {  	_ = 	snop  }
0x7: {  	_ = 	snop  }
__scs_overlays_trampoline_lowered:
0x8: {  	[smem:$0x3FA2] =	sst s0  }
0x9: {  	[smem:$0x3FA3] =	sst s1  }
0xa: {  	[smem:$0x3FA4] =	sst s2  }
0xb: {  	[smem:$0x3FA5] =	sst s3  }
0xc: {  	[smem:$0x3FA6] =	sst s4  }
0xd: {  	[smem:$0x3FA7] =	sst s5  }
0xe: {  	[smem:$0x3FA8] =	sst s6  }
0xf: {  	[smem:$0x3FA9] =	sst s7  }
0x10: {  	[smem:$0x3FAA] =	sst s8  }
0x11: {  	[smem:$0x3FAB] =	sst s9;
	s0 =	simm.s32 @!p0 $0x0  }
0x12: {  	s1 =	sld [smem:$0x3F91];
	s0 =	simm.s32 @p0 $0x1  }
0x13: {  	[smem:$0x3FAC] =	sst s0;
	s0 =	simm.s32 @!p1 $0x0  }
0x14: {  	s2 =	sld [smem:$0x3F90];
	s0 =	simm.s32 @p1 $0x1  }
0x15: {  	[smem:$0x3FAD] =	sst s0;
	s0 =	simm.s32 @!p2 $0x0  }
0x16: {  	s3 =	sld [smem:$0x3FDB];
	s0 =	simm.s32 @p2 $0x1  }
0x17: {  	s4 =	simm.s32 $0x1BF5;
	[smem:$0x3FAF] =	sst s0  }
0x18: {  	s0 =	sld [smem:$0x3F92];
	_ =	swait.ge [sflag:s4], $0x0  }
0x19: {  	s7 =	sld [smem:$0x3F93]  }
0x1a: {  	s8 =	sadd.s32 $0xFFFFE003, lr  }
0x1b: {  	s9 =	sadd.s32 $0xFFFFFEF7, lr;
	s5 =	simm.s32 $0xFFFFFFFF;
	p2 =	slt.u32 s8, $0xFFFFF086  }
0x1c: {  	p1 =	slt.u32 s9, $0xF7A;
	s5 =	simm.s32 @!p2 $0x0  }
0x1d: {  	s5 =	simm.s32 @p1 $0x1;
	p0 =	seq.s32 s7, s2  }
0x1e: {  	s7 =	smul.u32 @!p0 $0xF7A, s2;
	p2 =	seq.s32 @!p0 s5, $0x0  }
0x1f: {  	s9 =	smul.u32 $0xF7A, s1;
	s8 =	simm.s32 @!p0 $0x1BF5;
	p2 =	por !p2, p0  }
0x20: {  	[sflag:s8] =	ssyncset.s32 @!p0 $0xFFFFF086;
	s6 =	sadd.s32 @!p0 s3, s7;
	s7 =	simm.s32 @!p0 $0x108  }
0x21: {  	s3 =	sadd.s32 s3, s9;
	s6 =	sadd.s32 @!p0 $0x88, s6;
	s7 =	simm.s32 @p2 $0x1082  }
0x22: {  	[simem:s7], [sflag:s8] =	dma.local @!p0 [hbm:s6], $0xF7A  }
0x23: {  	s9 =	sor.u32 $0xD0000000, s2;
	s6 =	simm.s32 $0x108;
	_ =	swait.ge @!p0 [sflag:s8], $0x0  }
0x24: {  	s3 =	sadd.s32 $0x88, s3;
	s6 =	simm.s32 @!p1 $0x1082;
	[sflag:s4] =	ssyncset.s32 $0xFFFFF086  }
0x25: {  	[simem:s6], [sflag:s4] =	dma.local [hbm:s3], $0xF7A  }
0x26: {  	[smem:$0x3F93] =	sst s1;
	(tag) =	ssettag s2;
	_ =	strace s9  }
0x27: {  	s1 =	sld [smem:$0x3FA3]  }
0x28: {  	s2 =	sld [smem:$0x3FA4]  }
0x29: {  	s4 =	sld [smem:$0x3FA6]  }
0x2a: {  	p0 =	seq.s32 s5, $0x0;
	s5 =	sld [smem:$0x3FA7]  }
0x2b: {  	s6 =	sld [smem:$0x3FA8]  }
0x2c: {  	s7 =	sld [smem:$0x3FA9]  }
0x2d: {  	s3 =	simm.s32 $0x108;
	s8 =	sld [smem:$0x3FAA]  }
0x2e: {  	s3 =	simm.s32 @!p0 $0x1082;
	s9 =	sld [smem:$0x3FAB]  }
0x2f: {  	lr =	sadd.s32 s0, s3;
	s0 =	sld [smem:$0x3FA2]  }
0x30: {  	s3 =	sld [smem:$0x3FA5]  }
0x31: {  	[smem:$0x3FAE] =	sst s10  }
0x32: {  	s10 =	sld [smem:$0x3FAC];
	_ =	sdelay $0x3  }
0x33: {  	p0 =	seq.s32 s10, $0x1;
	s10 =	sld [smem:$0x3FAE];
	_ =	sdelay $0x3  }
0x34: {  	[smem:$0x3FAE] =	sst s10  }
0x35: {  	s10 =	sld [smem:$0x3FAD];
	_ =	sdelay $0x3  }
0x36: {  	p1 =	seq.s32 s10, $0x1;
	s10 =	sld [smem:$0x3FAE];
	_ =	sdelay $0x3  }
0x37: {  	[smem:$0x3FAE] =	sst s10  }
0x38: {  	s10 =	sld [smem:$0x3FAF]  }
0x39: {  	_ = 	snop;
	(pc) =	sbr.ind lr, $3  }
0x3a: {  	_ = 	snop  }
0x3b: {  	_ = 	snop  }
0x3c: {  	p2 =	seq.s32 s10, $0x1;
	s10 =	sld [smem:$0x3FAE]  }
0x3d: {  	_ =	shalt  }
0x3e: {  	_ =	shalt  }
0x3f: {  	_ =	shalt  }
0x40: {  	_ =	shalt  }
0x41: {  	_ =	shalt  }
0x42: {  	_ =	shalt  }
0x43: {  	_ =	shalt  }
0x44: {  	_ =	shalt  }
0x45: {  	_ =	shalt  }
0x46: {  	_ =	shalt  }
0x47: {  	_ =	shalt  }
0x48: {  	_ =	shalt  }
0x49: {  	_ =	shalt  }
0x4a: {  	_ =	shalt  }
0x4b: {  	_ =	shalt  }
0x4c: {  	_ =	shalt  }
0x4d: {  	_ =	shalt  }
0x4e: {  	_ =	shalt  }
0x4f: {  	_ =	shalt  }
0x50: {  	_ =	shalt  }
0x51: {  	_ =	shalt  }
0x52: {  	_ =	shalt  }
0x53: {  	_ =	shalt  }
0x54: {  	_ =	shalt  }
0x55: {  	_ =	shalt  }
0x56: {  	_ =	shalt  }
0x57: {  	_ =	shalt  }
0x58: {  	_ =	shalt  }
0x59: {  	_ =	shalt  }
0x5a: {  	_ =	shalt  }
0x5b: {  	_ =	shalt  }
0x5c: {  	_ =	shalt  }
0x5d: {  	_ =	shalt  }
0x5e: {  	_ =	shalt  }
0x5f: {  	_ =	shalt  }
0x60: {  	_ =	shalt  }
0x61: {  	_ =	shalt  }
0x62: {  	_ =	shalt  }
0x63: {  	_ =	shalt  }
0x64: {  	_ =	shalt  }
0x65: {  	_ =	shalt  }
0x66: {  	_ =	shalt  }
0x67: {  	_ =	shalt  }
0x68: {  	_ =	shalt  }
0x69: {  	_ =	shalt  }
0x6a: {  	_ =	shalt  }
0x6b: {  	_ =	shalt  }
0x6c: {  	_ =	shalt  }
0x6d: {  	_ =	shalt  }
0x6e: {  	_ =	shalt  }
0x6f: {  	_ =	shalt  }
0x70: {  	_ =	shalt  }
0x71: {  	_ =	shalt  }
0x72: {  	_ =	shalt  }
0x73: {  	_ =	shalt  }
0x74: {  	_ =	shalt  }
0x75: {  	_ =	shalt  }
0x76: {  	_ =	shalt  }
0x77: {  	_ =	shalt  }
0x78: {  	_ =	shalt  }
0x79: {  	_ =	shalt  }
0x7a: {  	_ =	shalt  }
0x7b: {  	_ =	shalt  }
0x7c: {  	_ =	shalt  }
0x7d: {  	_ =	shalt  }
0x7e: {  	_ =	shalt  }
0x7f: {  	_ =	shalt  }
0x80: {  	_ =	shalt  }
0x81: {  	_ =	shalt  }
0x82: {  	_ =	shalt  }
0x83: {  	_ =	shalt  }
0x84: {  	_ =	shalt  }
0x85: {  	_ =	shalt  }
0x86: {  	_ =	shalt  }
0x87: {  	_ =	shalt  }
.Lfunc_end0:
.L_simem_size_0:
called_computation.1_lowered:
.L_overlay_start_0:
0x88: {  	s2 =	sld [smem:$0x3FD9]  }
0x89: {  	s3 =	sld [smem:$0x3FFE];
	_ =	sdelay $0x1  }
0x8a: {  	s1 =	srdreg.scid  }
0x8b: {  	s0 =	sand.u32 $0x1, s1  }
0x8c: {  	s16 =	sshll.u32 s0, $0xA;
	s2 =	sadd.s32 s3, s2  }
0x8d: {  	s2 =	sadd.s32 s2, s16  }
0x8e: {  	[smem:$0x3FBA] =	sst s2  }
0x8f: {  	_ = 	snop  }
0x90: {  	(tm) =	ssettm $0x1  }
0x91: {  	s17 =	sld [smem:$0x3FFB];
	_ =	sdelay $0x3  }
0x92: {  	_ =	strace s17  }
0x93: {  	s2 =	sld [smem:$0x3FFC];
	_ =	sdelay $0x3  }
0x94: {  	_ =	strace s2  }
0x95: {  	s2 =	sld [smem:$0x3FFD];
	_ =	sdelay $0x3  }
0x96: {  	_ =	strace s2  }
0x97: {  	_ =	strace $0x8FFFFFFF  }
0x98: {  	s18 =	sld [smem:$0x3FDB];
	_ =	sdelay $0x1  }
0x99: {  	s19 =	simm.s32 $_scs_section_size  }
0x9a: {  	s4 =	simm.s32 $_size__tile_overlayer_lowered;
	s5 =	simm.s32 $_tile_overlayer_lowered  }
0x9b: {  	s22 =	simm.s32 $0x1BFF;
	s21 =	sshll.u32 s5, $0x1;
	s2 =	sadd.s32 s19, s18  }
0x9c: {  	s6 =	simm.s32 $0x0;
	s20 =	sshll.u32 s4, $0x1;
	s4 =	sadd.s32 s21, s2  }
0x9d: {  	[timem:s6], [sflag:s22] =	dma.local [hbm:s4], s20  }
0x9e: {  	_ =	swait.ge [sflag:s22], s20  }
0x9f: {  	s3 =	ssub.s32 $0x0, s20;
	[sflag:s22] =	ssyncset.done $0x0  }
0xa0: {  	[sflag:s22] =	ssyncadd.s32 s3;
	_ =	sdelay $0x1  }
0xa1: {  	s23 =	simm.s32 $0x1B8B  }
0xa2: {  	_ =	swait.ge [sflag:s23], $0x1  }
0xa3: {  	[sflag:s23] =	ssyncset.done $0x0  }
0xa4: {  	s25 =	simm.s32 $0x1B8E;
	s24 =	sld [smem:$0x3FFE];
	[sflag:s23] =	ssyncadd.s32 $0xFFFFFFFF  }
0xa5: {  	s26 =	simm.s32 $execute0_lowered;
	[smem:$0x3FD2] =	sst s25  }
0xa6: {  	s4 =	sshll.u32 s26, $0x1;
	_ =	strace $0x80000049;
	[dreg:$0x1] =	wrdreg $0xFFFFFFFF  }
0xa7: {  	s28 =	simm.s32 $_size_execute0_lowered;
	s2 =	sadd.s32 s2, s4;
	[dreg:$0x0] =	wrdreg $0x0  }
0xa8: {  	s4 =	sshll.u32 s28, $0x1;
	[dreg:$0x2] =	wrdreg s2  }
0xa9: {  	[dreg:$0x3] =	wrdreg s4  }
0xaa: {  	[dreg:$0x4] =	wrdreg $0xC0  }
0xab: {  	_ =	task [dreg:s6], $0x5FFFF  }
0xac: {  	[dreg:$0x1] =	wrdreg $0xFFFFFFFF  }
0xad: {  	[dreg:$0x0] =	wrdreg $0x60  }
0xae: {  	[dreg:$0x2] =	wrdreg s24  }
0xaf: {  	[dreg:$0x3] =	wrdreg $0x40800  }
0xb0: {  	[dreg:$0x4] =	wrdreg $0x9  }
0xb1: {  	_ =	task.clear_ibuf [dreg:s6], $0x5FFFF;
	_ =	strace $0x90000049  }
0xb2: {  	s29 =	simm.s32 $0x9;
	_ =	strace $0x8000004B  }
0xb3: {  	_ =	swait.ge [sflag:s29], $0x1  }
0xb4: {  	[sflag:s29] =	ssyncadd.s32 $0xFFFFFFFF  }
0xb5: {  	_ =	strace $0x9000004B  }
0xb6: {  	_ =	sfence  }
0xb7: {  	s30 =	sld [smem:$0x0];
	_ =	sdelay $0x2  }
0xb8: {  	s31 =	sshll.u32 s1, $0xD;
	s1 =	sshrl.u32 s1, $0x2  }
0xb9: {  	s3 =	sand.u32 $0x4000, s31;
	s1 =	sadd.s32 s1, s30  }
0xba: {  	s0 =	sor.u32 s3, s0;
	s1 =	sshll.u32 s1, $0x11  }
0xbb: {  	s0 =	sor.u32 s1, s0  }
0xbc: {  	s0 =	sadd.s32 $0x8F2B, s0  }
0xbd: {  	[sflag:s0] =	ssyncadd.remote.s32 $0x1  }
0xbe: {  	_ =	sfence.sel $0xFFFF  }
0xbf: {  	[dreg:$0x0] =	wrdreg $0xFFFFFFFF;
	(pc) =	sbr.abs _section_cstart, $3  }
0xc0: {  	[dreg:$0x1] =	wrdreg $0xFFFFFFFF  }
0xc1: {  	_ =	task.clear_ibuf [dreg:s6], $0x2FFFF;
	_ =	strace $0x9FFFFFFF  }
0xc2: {  	(tm) =	ssettm $0x7FFFFFFF  }
0xc3: {  	_ =	shalt  }
tec
execute0_lowered:
.L_overlay_start_1:
0x0: {  	(tag) =	ssettag $0x1  }
0x1: {  	s4 =	rddreg [dreg:$0x0]  }
0x2: {  	s1 =	rddreg [dreg:$0x1]  }
0x3: {  	s0 =	rddreg [dreg:$0x2]  }
0x4: {  	s2 =	simm.s32 $0x0;
	s3 =	srdreg.scid;
	s7 =	stileid.u32  }
0x5: {  	[smem:$0x7FF] =	sst s2;
	s8 =	sand.u32 $0x1, s3;
	s3 =	sadd.s32 $0xD000, s4  }
0x6: {  	s5 =	sshll.u32 s7, $0xC;
	s26 =	sshll.u32 s7, $0x5;
	p0 =	sne.s32 s7, $0x0  }
0x7: {  	_ =	strace $0x8000004A;
	s6 =	smul.u32 $0x28000, s8;
	s9 =	sadd.s32 s5, s4  }
0x8: {  	s10 =	ssub.s32 $0x2, s8;
	s31 =	sshll.u32 s8, $0x4;
	s8 =	sshll.u32 s8, $0xB  }
0x9: {  	s11 =	sadd.s32 s26, s4;
	s29 =	sshrl.u32 s10, $0x1;
	s8 =	sadd.s32 s8, s9  }
0xa: {  	s9 =	sshrl.u32 @!p0 s1, $0x3;
	s28 =	sadd.s32 s6, s4;
	s30 =	ssub.s32 s10, s29  }
0xb: {  	s4 =	sshll.u32 s7, $0x1;
	s10 =	sadd.s32 s31, s11;
	s8 =	sadd.s32 $0x58F000, s8  }
0xc: {  	s5 =	sadd.s32 $0x35000, s28;
	s6 =	smax.u32 s30, $0x1;
	s7 =	sadd.s32 $0x8000, s10  }
.LBB2_1:
0xd: {  	s10 =	simm.s32 @!p0 $0x1C02  }
0xe: {  	[spmem:s9], [sflag:s10] =	dma.local @!p0 [hbm:s3], $0x28000  }
0xf: {  	s10 =	simm.s32 @!p0 $0x2  }
0x10: {  	_ =	swait.ge @!p0 [sflag:s10], $0x28000  }
0x11: {  	s11 =	sadd.s32 $0x0, s4;
	[sflag:s10] =	ssyncset.done @!p0 $0x0  }
0x12: {  	p1 =	sgt.u32 s11, $0x4E1;
	[sflag:s10] =	ssyncadd.s32 @!p0 $0xFFFD8000  }
0x13: {  	s11 =	simm.s32 @!p1 $0x0;
	s12 =	simm.s32 @!p1 $0x80;
	[bflag:$0x0] =	sbarrier.arrive $0xFFFF  }
0x14: {  	[tilespmem:s12], [sflag:$0x1] =	stream.linear.gather @!p1 [hbm4b:s8+s11], $0x4000, $0x38;
	[tilespmem:$0x18080] =	vst v63  }
0x15: {  	s10 =	simm.s32 @!p1 $0x3  }
0x16: {  	[tilespmem:s11], [sflag:$0x3] =	stream.linear.gather @!p1 [hbm4b:s7+s11], $0x80, $0x38;
	[tilespmem:$0x18080] =	vst v63  }
0x17: {  	_ =	swait.ge @!p1 [sflag:s10], $0x80;
	p1 =	por p1, p1  }
0x18: {  	[sflag:s10] =	ssyncset.done @!p1 $0x0  }
0x19: {  	s13 =	simm.s32 @!p1 $0x1;
	[sflag:s10] =	ssyncadd.s32 @!p1 $0xFFFFFF80  }
0x1a: {  	_ =	swait.ge @!p1 [sflag:s13], $0x4000  }
0x1b: {  	[sflag:s13] =	ssyncset.done @!p1 $0x0  }
0x1c: {  	s31 =	sadd.s32 $0x20, s4;
	[sflag:s13] =	ssyncadd.s32 @!p1 $0xFFFFC000;
	s13 =	simm.s32 @!p1 $0x2  }
0x1d: {  	[spmem:s1] =	stream.indirect.scatter.add.f32 @!p1 [tilespmem:s12], [sflag:$0x2], $0x80, s11, s12, $0xb8;
	[tilespmem:$0x18080] =	vst v63  }
0x1e: {  	p2 =	sgt.u32 s31, $0x4E1;
	s10 =	simm.s32 $0x40;
	_ =	swait.ge @!p1 [sflag:s13], $0x4000  }
0x1f: {  	s11 =	sadd.s32 $0x10000, s8;
	s12 =	sadd.s32 $0x200, s7;
	[sflag:s13] =	ssyncset.done @!p1 $0x0  }
.LBB2_2:
0x20: {  	s14 =	simm.s32 @!p2 $0x0;
	s15 =	simm.s32 @!p2 $0x80;
	[sflag:s13] =	ssyncadd.s32 @!p1 $0xFFFFC000  }
0x21: {  	[tilespmem:s15], [sflag:$0x1] =	stream.linear.gather @!p2 [hbm4b:s11+s14], $0x4000, $0x38;
	[tilespmem:$0x18080] =	vst v63  }
0x22: {  	s13 =	simm.s32 @!p2 $0x3;
	s16 =	smov.u32 s10;
	s10 =	sadd.s32 $0x20, s10  }
0x23: {  	[tilespmem:s14], [sflag:$0x3] =	stream.linear.gather @!p2 [hbm4b:s12+s14], $0x80, $0x38;
	[tilespmem:$0x18080] =	vst v63  }
0x24: {  	p1 =	por p2, p2;
	p3 =	sne.s32 s10, $0x500;
	_ =	swait.ge @!p2 [sflag:s13], $0x80  }
0x25: {  	[sflag:s13] =	ssyncset.done @!p1 $0x0  }
0x26: {  	[sflag:s13] =	ssyncadd.s32 @!p1 $0xFFFFFF80;
	s13 =	simm.s32 @!p1 $0x1  }
0x27: {  	_ =	swait.ge @!p1 [sflag:s13], $0x4000  }
.Ltmp0:
0x28: {  	[sflag:s13] =	ssyncset.done @!p1 $0x0;
	(pc) =	sbr.rel @p3 .LBB2_2-.Ltmp0, $4  }
0x29: {  	[sflag:s13] =	ssyncadd.s32 @!p1 $0xFFFFC000;
	s13 =	simm.s32 @!p1 $0x2  }
0x2a: {  	[spmem:s1] =	stream.indirect.scatter.add.f32 @!p1 [tilespmem:s15], [sflag:$0x2], $0x80, s14, s15, $0xb8;
	[tilespmem:$0x18080] =	vst v63  }
0x2b: {  	s11 =	sadd.s32 $0x10000, s11;
	s14 =	sadd.s32 s16, s4;
	_ =	swait.ge @!p1 [sflag:s13], $0x4000  }
0x2c: {  	s12 =	sadd.s32 $0x200, s12;
	p2 =	sgt.u32 s14, $0x4E1;
	[sflag:s13] =	ssyncset.done @!p1 $0x0  }
0x2d: {  	s10 =	simm.s32 @!p2 $0x0;
	s14 =	simm.s32 @!p2 $0x80;
	[sflag:s13] =	ssyncadd.s32 @!p1 $0xFFFFC000  }
0x2e: {  	[tilespmem:s14], [sflag:$0x1] =	stream.linear.gather @!p2 [hbm4b:s11+s10], $0x4000, $0x38;
	[tilespmem:$0x18080] =	vst v63  }
0x2f: {  	s11 =	simm.s32 @!p2 $0x3  }
0x30: {  	[tilespmem:s10], [sflag:$0x3] =	stream.linear.gather @!p2 [hbm4b:s12+s10], $0x80, $0x38;
	[tilespmem:$0x18080] =	vst v63  }
0x31: {  	p1 =	por p2, p2;
	_ =	swait.ge @!p2 [sflag:s11], $0x80  }
0x32: {  	[sflag:s11] =	ssyncset.done @!p1 $0x0  }
0x33: {  	[sflag:s11] =	ssyncadd.s32 @!p1 $0xFFFFFF80;
	s11 =	simm.s32 @!p1 $0x1  }
0x34: {  	_ =	swait.ge @!p1 [sflag:s11], $0x4000  }
0x35: {  	[sflag:s11] =	ssyncset.done @!p1 $0x0  }
0x36: {  	[sflag:s11] =	ssyncadd.s32 @!p1 $0xFFFFC000;
	s11 =	simm.s32 @!p1 $0x2  }
0x37: {  	[spmem:s1] =	stream.indirect.scatter.add.f32 @!p1 [tilespmem:s14], [sflag:$0x2], $0x80, s10, s14, $0xb8;
	[tilespmem:$0x18080] =	vst v63  }
0x38: {  	_ =	swait.ge @!p1 [sflag:s11], $0x4000  }
0x39: {  	[sflag:s11] =	ssyncset.done @!p1 $0x0  }
0x3a: {  	s2 =	sadd.s32 $0x1, s2;
	[sflag:s11] =	ssyncadd.s32 @!p1 $0xFFFFC000  }
0x3b: {  	s10 =	simm.s32 @!p0 $0x1C02;
	p1 =	sne.s32 s2, s6;
	[bflag:$0x0] =	sbarrier.arrive $0xFFFF  }
0x3c: {  	[hbm:s5], [sflag:s10] =	dma.local @!p0 [spmem:s9], $0x28000  }
.Ltmp1:
0x3d: {  	_ = 	snop;
	(pc) =	sbr.rel @p1 .LBB2_1-.Ltmp1, $4  }
0x3e: {  	s10 =	simm.s32 @!p0 $0x2  }
0x3f: {  	_ =	swait.ge @!p0 [sflag:s10], $0x28000  }
0x40: {  	[sflag:s10] =	ssyncset.done @!p0 $0x0  }
0x41: {  	[sflag:s10] =	ssyncadd.s32 @!p0 $0xFFFD8000  }
0x42: {  	_ =	sfence.sel $0x180000  }
0x43: {  	[bflag:$0x0] =	sbarrier.arrive $0xFFFF  }
0x44: {  	_ =	strace $0x9000004A  }
0x45: {  	s0 =	sadd.s32 @!p0 $0x100000, s0;
	[bflag:$0x2] =	sbarrier.arrive $0xFFFF  }
0x46: {  	[sflag:s0] =	ssyncadd.tile.s32 @!p0 $0x1;
	_ =	shalt  }
.Lfunc_end2:
_tile_overlayer_lowered:
.L_overlay_start_2:
0x47: {  	(tag) =	ssettag $0x2  }
0x48: {  	s0 =	rddreg [dreg:$0x0];
	s2 =	stileid.u32  }
0x49: {  	s1 =	rddreg [dreg:$0x1];
	p0 =	sne.s32 s2, $0x0  }
0x4a: {  	s3 =	rddreg [dreg:$0x2];
	[bflag:$0x3] =	sbarrier.arrive $0xFFFF;
	s2 =	simm.s32 @!p0 $0x1C02  }
0x4b: {  	[timem:s3], [sflag:s2] =	dma.local @!p0 [hbm:s0], s1  }
0x4c: {  	s0 =	simm.s32 @!p0 $0x2  }
0x4d: {  	_ =	swait.ge @!p0 [sflag:s0], s1  }
0x4e: {  	s1 =	ssub.s32 @!p0 $0x0, s1;
	[sflag:s0] =	ssyncset.done @!p0 $0x0  }
0x4f: {  	[sflag:s0] =	ssyncadd.s32 @!p0 s1  }
0x50: {  	[bflag:$0x3] =	sbarrier.arrive $0xFFFF  }
0x51: {  	_ =	shalt  }

// kernel: _run.18.cloned.1.call-start
scs
__scs_entry_jumppad:
0x0: {  	(pc) =	sbr.rel $0x88, $3  }
0x1: {  	(tag) =	ssettag $0x0;
	lr =	simm.s32 $0x1  }
0x2: {  	[smem:$0x3F93] =	sst lr;
	_ =	strace $0xD0000000  }
0x3: {  	_ = 	snop  }
0x4: {  	_ = 	snop  }
0x5: {  	_ = 	snop  }
0x6: {  	_ = 	snop  }
0x7: {  	_ = 	snop  }
__scs_overlays_trampoline_lowered:
0x8: {  	[smem:$0x3FA2] =	sst s0  }
0x9: {  	[smem:$0x3FA3] =	sst s1  }
0xa: {  	[smem:$0x3FA4] =	sst s2  }
0xb: {  	[smem:$0x3FA5] =	sst s3  }
0xc: {  	[smem:$0x3FA6] =	sst s4  }
0xd: {  	[smem:$0x3FA7] =	sst s5  }
0xe: {  	[smem:$0x3FA8] =	sst s6  }
0xf: {  	[smem:$0x3FA9] =	sst s7  }
0x10: {  	[smem:$0x3FAA] =	sst s8  }
0x11: {  	[smem:$0x3FAB] =	sst s9;
	s0 =	simm.s32 @!p0 $0x0  }
0x12: {  	s1 =	sld [smem:$0x3F91];
	s0 =	simm.s32 @p0 $0x1  }
0x13: {  	[smem:$0x3FAC] =	sst s0;
	s0 =	simm.s32 @!p1 $0x0  }
0x14: {  	s2 =	sld [smem:$0x3F90];
	s0 =	simm.s32 @p1 $0x1  }
0x15: {  	[smem:$0x3FAD] =	sst s0;
	s0 =	simm.s32 @!p2 $0x0  }
0x16: {  	s3 =	sld [smem:$0x3FDB];
	s0 =	simm.s32 @p2 $0x1  }
0x17: {  	s4 =	simm.s32 $0x1BF5;
	[smem:$0x3FAF] =	sst s0  }
0x18: {  	s0 =	sld [smem:$0x3F92];
	_ =	swait.ge [sflag:s4], $0x0  }
0x19: {  	s7 =	sld [smem:$0x3F93]  }
0x1a: {  	s8 =	sadd.s32 $0xFFFFE003, lr  }
0x1b: {  	s9 =	sadd.s32 $0xFFFFFEF7, lr;
	s5 =	simm.s32 $0xFFFFFFFF;
	p2 =	slt.u32 s8, $0xFFFFF086  }
0x1c: {  	p1 =	slt.u32 s9, $0xF7A;
	s5 =	simm.s32 @!p2 $0x0  }
0x1d: {  	s5 =	simm.s32 @p1 $0x1;
	p0 =	seq.s32 s7, s2  }
0x1e: {  	s7 =	smul.u32 @!p0 $0xF7A, s2;
	p2 =	seq.s32 @!p0 s5, $0x0  }
0x1f: {  	s9 =	smul.u32 $0xF7A, s1;
	s8 =	simm.s32 @!p0 $0x1BF5;
	p2 =	por !p2, p0  }
0x20: {  	[sflag:s8] =	ssyncset.s32 @!p0 $0xFFFFF086;
	s6 =	sadd.s32 @!p0 s3, s7;
	s7 =	simm.s32 @!p0 $0x108  }
0x21: {  	s3 =	sadd.s32 s3, s9;
	s6 =	sadd.s32 @!p0 $0x88, s6;
	s7 =	simm.s32 @p2 $0x1082  }
0x22: {  	[simem:s7], [sflag:s8] =	dma.local @!p0 [hbm:s6], $0xF7A  }
0x23: {  	s9 =	sor.u32 $0xD0000000, s2;
	s6 =	simm.s32 $0x108;
	_ =	swait.ge @!p0 [sflag:s8], $0x0  }
0x24: {  	s3 =	sadd.s32 $0x88, s3;
	s6 =	simm.s32 @!p1 $0x1082;
	[sflag:s4] =	ssyncset.s32 $0xFFFFF086  }
0x25: {  	[simem:s6], [sflag:s4] =	dma.local [hbm:s3], $0xF7A  }
0x26: {  	[smem:$0x3F93] =	sst s1;
	(tag) =	ssettag s2;
	_ =	strace s9  }
0x27: {  	s1 =	sld [smem:$0x3FA3]  }
0x28: {  	s2 =	sld [smem:$0x3FA4]  }
0x29: {  	s4 =	sld [smem:$0x3FA6]  }
0x2a: {  	p0 =	seq.s32 s5, $0x0;
	s5 =	sld [smem:$0x3FA7]  }
0x2b: {  	s6 =	sld [smem:$0x3FA8]  }
0x2c: {  	s7 =	sld [smem:$0x3FA9]  }
0x2d: {  	s3 =	simm.s32 $0x108;
	s8 =	sld [smem:$0x3FAA]  }
0x2e: {  	s3 =	simm.s32 @!p0 $0x1082;
	s9 =	sld [smem:$0x3FAB]  }
0x2f: {  	lr =	sadd.s32 s0, s3;
	s0 =	sld [smem:$0x3FA2]  }
0x30: {  	s3 =	sld [smem:$0x3FA5]  }
0x31: {  	[smem:$0x3FAE] =	sst s10  }
0x32: {  	s10 =	sld [smem:$0x3FAC];
	_ =	sdelay $0x3  }
0x33: {  	p0 =	seq.s32 s10, $0x1;
	s10 =	sld [smem:$0x3FAE];
	_ =	sdelay $0x3  }
0x34: {  	[smem:$0x3FAE] =	sst s10  }
0x35: {  	s10 =	sld [smem:$0x3FAD];
	_ =	sdelay $0x3  }
0x36: {  	p1 =	seq.s32 s10, $0x1;
	s10 =	sld [smem:$0x3FAE];
	_ =	sdelay $0x3  }
0x37: {  	[smem:$0x3FAE] =	sst s10  }
0x38: {  	s10 =	sld [smem:$0x3FAF]  }
0x39: {  	_ = 	snop;
	(pc) =	sbr.ind lr, $3  }
0x3a: {  	_ = 	snop  }
0x3b: {  	_ = 	snop  }
0x3c: {  	p2 =	seq.s32 s10, $0x1;
	s10 =	sld [smem:$0x3FAE]  }
0x3d: {  	_ =	shalt  }
0x3e: {  	_ =	shalt  }
0x3f: {  	_ =	shalt  }
0x40: {  	_ =	shalt  }
0x41: {  	_ =	shalt  }
0x42: {  	_ =	shalt  }
0x43: {  	_ =	shalt  }
0x44: {  	_ =	shalt  }
0x45: {  	_ =	shalt  }
0x46: {  	_ =	shalt  }
0x47: {  	_ =	shalt  }
0x48: {  	_ =	shalt  }
0x49: {  	_ =	shalt  }
0x4a: {  	_ =	shalt  }
0x4b: {  	_ =	shalt  }
0x4c: {  	_ =	shalt  }
0x4d: {  	_ =	shalt  }
0x4e: {  	_ =	shalt  }
0x4f: {  	_ =	shalt  }
0x50: {  	_ =	shalt  }
0x51: {  	_ =	shalt  }
0x52: {  	_ =	shalt  }
0x53: {  	_ =	shalt  }
0x54: {  	_ =	shalt  }
0x55: {  	_ =	shalt  }
0x56: {  	_ =	shalt  }
0x57: {  	_ =	shalt  }
0x58: {  	_ =	shalt  }
0x59: {  	_ =	shalt  }
0x5a: {  	_ =	shalt  }
0x5b: {  	_ =	shalt  }
0x5c: {  	_ =	shalt  }
0x5d: {  	_ =	shalt  }
0x5e: {  	_ =	shalt  }
0x5f: {  	_ =	shalt  }
0x60: {  	_ =	shalt  }
0x61: {  	_ =	shalt  }
0x62: {  	_ =	shalt  }
0x63: {  	_ =	shalt  }
0x64: {  	_ =	shalt  }
0x65: {  	_ =	shalt  }
0x66: {  	_ =	shalt  }
0x67: {  	_ =	shalt  }
0x68: {  	_ =	shalt  }
0x69: {  	_ =	shalt  }
0x6a: {  	_ =	shalt  }
0x6b: {  	_ =	shalt  }
0x6c: {  	_ =	shalt  }
0x6d: {  	_ =	shalt  }
0x6e: {  	_ =	shalt  }
0x6f: {  	_ =	shalt  }
0x70: {  	_ =	shalt  }
0x71: {  	_ =	shalt  }
0x72: {  	_ =	shalt  }
0x73: {  	_ =	shalt  }
0x74: {  	_ =	shalt  }
0x75: {  	_ =	shalt  }
0x76: {  	_ =	shalt  }
0x77: {  	_ =	shalt  }
0x78: {  	_ =	shalt  }
0x79: {  	_ =	shalt  }
0x7a: {  	_ =	shalt  }
0x7b: {  	_ =	shalt  }
0x7c: {  	_ =	shalt  }
0x7d: {  	_ =	shalt  }
0x7e: {  	_ =	shalt  }
0x7f: {  	_ =	shalt  }
0x80: {  	_ =	shalt  }
0x81: {  	_ =	shalt  }
0x82: {  	_ =	shalt  }
0x83: {  	_ =	shalt  }
0x84: {  	_ =	shalt  }
0x85: {  	_ =	shalt  }
0x86: {  	_ =	shalt  }
0x87: {  	_ =	shalt  }
.Lfunc_end0:
.L_simem_size_0:
called_computation.2_lowered:
.L_overlay_start_0:
0x88: {  	s2 =	sld [smem:$0x3FD9]  }
0x89: {  	s3 =	sld [smem:$0x3FFE];
	_ =	sdelay $0x1  }
0x8a: {  	s1 =	srdreg.scid  }
0x8b: {  	s0 =	sand.u32 $0x1, s1  }
0x8c: {  	s16 =	sshll.u32 s0, $0xA;
	s2 =	sadd.s32 s3, s2  }
0x8d: {  	s2 =	sadd.s32 s2, s16  }
0x8e: {  	[smem:$0x3FBA] =	sst s2  }
0x8f: {  	_ = 	snop  }
0x90: {  	(tm) =	ssettm $0x1  }
0x91: {  	s17 =	sld [smem:$0x3FFB];
	_ =	sdelay $0x3  }
0x92: {  	_ =	strace s17  }
0x93: {  	s2 =	sld [smem:$0x3FFC];
	_ =	sdelay $0x3  }
0x94: {  	_ =	strace s2  }
0x95: {  	s2 =	sld [smem:$0x3FFD];
	_ =	sdelay $0x3  }
0x96: {  	_ =	strace s2  }
0x97: {  	_ =	strace $0x8FFFFFFF  }
0x98: {  	s18 =	sld [smem:$0x3FDB];
	_ =	sdelay $0x1  }
0x99: {  	s19 =	simm.s32 $_scs_section_size  }
0x9a: {  	s4 =	simm.s32 $_size__tile_overlayer_lowered;
	s5 =	simm.s32 $_tile_overlayer_lowered  }
0x9b: {  	s22 =	simm.s32 $0x1BFF;
	s21 =	sshll.u32 s5, $0x1;
	s2 =	sadd.s32 s19, s18  }
0x9c: {  	s6 =	simm.s32 $0x0;
	s20 =	sshll.u32 s4, $0x1;
	s4 =	sadd.s32 s21, s2  }
0x9d: {  	[timem:s6], [sflag:s22] =	dma.local [hbm:s4], s20  }
0x9e: {  	_ =	swait.ge [sflag:s22], s20  }
0x9f: {  	s3 =	ssub.s32 $0x0, s20;
	[sflag:s22] =	ssyncset.done $0x0  }
0xa0: {  	[sflag:s22] =	ssyncadd.s32 s3;
	_ =	sdelay $0x1  }
0xa1: {  	s23 =	simm.s32 $0x1B8B  }
0xa2: {  	_ =	swait.ge [sflag:s23], $0x1  }
0xa3: {  	[sflag:s23] =	ssyncset.done $0x0  }
0xa4: {  	s25 =	simm.s32 $0x1B8E;
	s24 =	sld [smem:$0x3FFE];
	[sflag:s23] =	ssyncadd.s32 $0xFFFFFFFF  }
0xa5: {  	s26 =	simm.s32 $execute0_lowered;
	[smem:$0x3FD2] =	sst s25  }
0xa6: {  	s4 =	sshll.u32 s26, $0x1;
	_ =	strace $0x8000004C;
	[dreg:$0x1] =	wrdreg $0xFFFFFFFF  }
0xa7: {  	s28 =	simm.s32 $_size_execute0_lowered;
	s2 =	sadd.s32 s2, s4;
	[dreg:$0x0] =	wrdreg $0x0  }
0xa8: {  	s4 =	sshll.u32 s28, $0x1;
	[dreg:$0x2] =	wrdreg s2  }
0xa9: {  	[dreg:$0x3] =	wrdreg s4  }
0xaa: {  	[dreg:$0x4] =	wrdreg $0xC0  }
0xab: {  	_ =	task [dreg:s6], $0x5FFFF  }
0xac: {  	[dreg:$0x1] =	wrdreg $0xFFFFFFFF  }
0xad: {  	[dreg:$0x0] =	wrdreg $0x60  }
0xae: {  	[dreg:$0x2] =	wrdreg s24  }
0xaf: {  	[dreg:$0x3] =	wrdreg $0x9  }
0xb0: {  	_ =	task.clear_ibuf [dreg:s6], $0x4FFFF;
	_ =	strace $0x9000004C  }
0xb1: {  	s29 =	simm.s32 $0x9;
	_ =	strace $0x8000004E  }
0xb2: {  	_ =	swait.ge [sflag:s29], $0x1  }
0xb3: {  	[sflag:s29] =	ssyncadd.s32 $0xFFFFFFFF  }
0xb4: {  	_ =	strace $0x9000004E  }
0xb5: {  	_ =	sfence  }
0xb6: {  	s30 =	sld [smem:$0x0];
	_ =	sdelay $0x2  }
0xb7: {  	s31 =	sshll.u32 s1, $0xD;
	s1 =	sshrl.u32 s1, $0x2  }
0xb8: {  	s3 =	sand.u32 $0x4000, s31;
	s1 =	sadd.s32 s1, s30  }
0xb9: {  	s0 =	sor.u32 s3, s0;
	s1 =	sshll.u32 s1, $0x11  }
0xba: {  	s0 =	sor.u32 s1, s0  }
0xbb: {  	s0 =	sadd.s32 $0x8F2B, s0  }
0xbc: {  	[sflag:s0] =	ssyncadd.remote.s32 $0x1  }
0xbd: {  	_ =	sfence.sel $0xFFFF  }
0xbe: {  	[dreg:$0x0] =	wrdreg $0xFFFFFFFF;
	(pc) =	sbr.abs _section_cstart, $3  }
0xbf: {  	[dreg:$0x1] =	wrdreg $0xFFFFFFFF  }
0xc0: {  	_ =	task.clear_ibuf [dreg:s6], $0x2FFFF;
	_ =	strace $0x9FFFFFFF  }
0xc1: {  	(tm) =	ssettm $0x7FFFFFFF  }
tec
execute0_lowered:
.L_overlay_start_1:
0x0: {  	(tag) =	ssettag $0x1  }
0x1: {  	s6 =	rddreg [dreg:$0x0];
	s2 =	srdreg.scid  }
0x2: {  	s0 =	rddreg [dreg:$0x1];
	s1 =	simm.s32 $0x0;
	s3 =	stileid.u32  }
0x3: {  	s9 =	simm.s32 $0x3;
	s10 =	simm.s32 $0x80;
	s11 =	simm.s32 $0x1  }
.Ltmp0:
0x4: {  	s12 =	simm.s32 $0x4080;
	s2 =	sand.u32 $0x1, s2;
	(pc) =	sbr.rel .LBB2_1-.Ltmp0, $4  }
0x5: {  	s13 =	simm.s32 $0x2;
	s14 =	simm.s32 $0x0;
	s7 =	ssub.s32 $0x2, s2  }
0x6: {  	[smem:$0x7FF] =	sst s1;
	s4 =	sadd.s32 $0x35000, s6;
	s8 =	sshrl.u32 s7, $0x1  }
0x7: {  	s5 =	sadd.s32 $0x8000, s6;
	s6 =	sadd.s32 $0x5D000, s6;
	s8 =	ssub.s32 s7, s8  }
0x8: {  	_ =	strace $0x8000004D;
	s7 =	sshll.u32 s3, $0x1;
	s8 =	smax.u32 s8, $0x1  }
.LBB2_7:
0x9: {  	s14 =	sadd.s32 $0x1, s14  }
0xa: {  	p0 =	sne.s32 s14, s8  }
.Ltmp1:
0xb: {  	_ = 	snop;
	(pc) =	sbr.rel @!p0 .LBB2_8-.Ltmp1, $1  }
0xc: {  	_ =	sdelay $0x3  }
.LBB2_1:
.Ltmp2:
0xd: {  	(pc) =	sbr.rel .LBB2_2-.Ltmp2, $2  }
0xe: {  	_ =	sdelay $0x2  }
0xf: {  	s15 =	simm.s32 $0x0  }
.LBB2_6:
0x10: {  	s15 =	sadd.s32 $0x1, s15  }
0x11: {  	p0 =	sne.s32 s15, $0x28  }
.Ltmp3:
0x12: {  	_ = 	snop;
	(pc) =	sbr.rel @!p0 .LBB2_7-.Ltmp3, $1  }
0x13: {  	_ =	sdelay $0x3  }
.LBB2_2:
0x14: {  	s16 =	sshll.u32 s15, $0x5  }
0x15: {  	s16 =	sor.u32 s7, s16  }
0x16: {  	p0 =	sgt.u32 s16, $0x4E1  }
.Ltmp4:
0x17: {  	_ = 	snop;
	(pc) =	sbr.rel @p0 .LBB2_6-.Ltmp4, $1  }
0x18: {  	_ =	sdelay $0x3  }
0x19: {  	s16 =	sor.u32 s2, s16  }
0x1a: {  	s17 =	sshll.u32 s16, $0x4  }
0x1b: {  	s18 =	simm.s32 $0x0;
	s17 =	sadd.s32 s5, s17  }
0x1c: {  	[tilespmem:s18], [sflag:$0x3] =	stream.linear.gather [hbm4b:s17+s18], $0x80, $0x38;
	[tilespmem:$0x8080] =	vst v63  }
0x1d: {  	_ =	swait.ge [sflag:s9], $0x80  }
0x1e: {  	[sflag:s9] =	ssyncset.done $0x0  }
0x1f: {  	[sflag:s9] =	ssyncadd.s32 $0xFFFFFF80  }
0x20: {  	[tilespmem:s10], [sflag:$0x1] =	stream.indirect.gather [hbm4b:s4+s10], $0x80, s18, s10, $0xb8;
	[tilespmem:$0x8080] =	vst v63  }
0x21: {  	_ =	swait.ge [sflag:s11], $0x4000  }
0x22: {  	[sflag:s11] =	ssyncset.done $0x0  }
0x23: {  	s17 =	simm.s32 $0x0;
	[sflag:s11] =	ssyncadd.s32 $0xFFFFC000  }
0x24: {  	s18 =	simm.s32 $0x200;
	v0 =	vld [tilespmem:s17+$0x80]  }
.LBB2_4:
0x25: {  	p0 =	sne.s32 s18, $0xFE00  }
.Ltmp5:
0x26: {  	_ = 	snop;
	(pc) =	sbr.rel @p0 .LBB2_4-.Ltmp5, $3  }
0x27: {  	_ =	sdelay $0x1  }
0x28: {  	[tilespmem:s17+$0x4080] =	vst v0;
	s17 =	sshra.s32 s18, $0x2;
	s18 =	sadd.s32 $0x200, s18  }
0x29: {  	v0 =	vld [tilespmem:s17+$0x80]  }
0x2a: {  	_ =	sdelay $0x2  }
0x2b: {  	s16 =	sshll.u32 s16, $0xB  }
.Ltmp6:
0x2c: {  	s16 =	sadd.s32 s6, s16;
	[tilespmem:s17+$0x4080] =	vst v0;
	(pc) =	sbr.rel .LBB2_6-.Ltmp6, $4  }
0x2d: {  	[hbm4b:s16+s1] =	stream.linear.scatter [tilespmem:s12], [sflag:$0x2], $0x4000, $0x38;
	[tilespmem:$0x8080] =	vst v63  }
0x2e: {  	_ =	swait.ge [sflag:s13], $0x4000  }
0x2f: {  	[sflag:s13] =	ssyncset.done $0x0  }
0x30: {  	[sflag:s13] =	ssyncadd.s32 $0xFFFFC000  }
.LBB2_8:
0x31: {  	_ =	sfence.sel $0x180000  }
0x32: {  	[bflag:$0x0] =	sbarrier.arrive $0xFFFF  }
0x33: {  	p0 =	sne.s32 s3, $0x0;
	_ =	strace $0x9000004D  }
0x34: {  	s0 =	sadd.s32 @!p0 $0x100000, s0;
	[bflag:$0x2] =	sbarrier.arrive $0xFFFF  }
0x35: {  	[sflag:s0] =	ssyncadd.tile.s32 @!p0 $0x1;
	_ =	shalt  }
.Lfunc_end2:
_tile_overlayer_lowered:
.L_overlay_start_2:
0x36: {  	(tag) =	ssettag $0x2  }
0x37: {  	s0 =	rddreg [dreg:$0x0];
	s2 =	stileid.u32  }
0x38: {  	s1 =	rddreg [dreg:$0x1];
	p0 =	sne.s32 s2, $0x0  }
0x39: {  	s3 =	rddreg [dreg:$0x2];
	[bflag:$0x3] =	sbarrier.arrive $0xFFFF;
	s2 =	simm.s32 @!p0 $0x1C02  }
0x3a: {  	[timem:s3], [sflag:s2] =	dma.local @!p0 [hbm:s0], s1  }
0x3b: {  	s0 =	simm.s32 @!p0 $0x2  }
0x3c: {  	_ =	swait.ge @!p0 [sflag:s0], s1  }
0x3d: {  	s1 =	ssub.s32 @!p0 $0x0, s1;
	[sflag:s0] =	ssyncset.done @!p0 $0x0  }
0x3e: {  	[sflag:s0] =	ssyncadd.s32 @!p0 s1  }
0x3f: {  	[bflag:$0x3] =	sbarrier.arrive $0xFFFF  }
0x40: {  	_ =	shalt  }

// kernel: _run.21.cloned.1.call-start
scs
__scs_entry_jumppad:
0x0: {  	(pc) =	sbr.rel $0x88, $3  }
0x1: {  	(tag) =	ssettag $0x0;
	lr =	simm.s32 $0x1  }
0x2: {  	[smem:$0x3F93] =	sst lr;
	_ =	strace $0xD0000000  }
0x3: {  	_ = 	snop  }
0x4: {  	_ = 	snop  }
0x5: {  	_ = 	snop  }
0x6: {  	_ = 	snop  }
0x7: {  	_ = 	snop  }
__scs_overlays_trampoline_lowered:
0x8: {  	[smem:$0x3FA2] =	sst s0  }
0x9: {  	[smem:$0x3FA3] =	sst s1  }
0xa: {  	[smem:$0x3FA4] =	sst s2  }
0xb: {  	[smem:$0x3FA5] =	sst s3  }
0xc: {  	[smem:$0x3FA6] =	sst s4  }
0xd: {  	[smem:$0x3FA7] =	sst s5  }
0xe: {  	[smem:$0x3FA8] =	sst s6  }
0xf: {  	[smem:$0x3FA9] =	sst s7  }
0x10: {  	[smem:$0x3FAA] =	sst s8  }
0x11: {  	[smem:$0x3FAB] =	sst s9;
	s0 =	simm.s32 @!p0 $0x0  }
0x12: {  	s1 =	sld [smem:$0x3F91];
	s0 =	simm.s32 @p0 $0x1  }
0x13: {  	[smem:$0x3FAC] =	sst s0;
	s0 =	simm.s32 @!p1 $0x0  }
0x14: {  	s2 =	sld [smem:$0x3F90];
	s0 =	simm.s32 @p1 $0x1  }
0x15: {  	[smem:$0x3FAD] =	sst s0;
	s0 =	simm.s32 @!p2 $0x0  }
0x16: {  	s3 =	sld [smem:$0x3FDB];
	s0 =	simm.s32 @p2 $0x1  }
0x17: {  	s4 =	simm.s32 $0x1BF5;
	[smem:$0x3FAF] =	sst s0  }
0x18: {  	s0 =	sld [smem:$0x3F92];
	_ =	swait.ge [sflag:s4], $0x0  }
0x19: {  	s7 =	sld [smem:$0x3F93]  }
0x1a: {  	s8 =	sadd.s32 $0xFFFFE003, lr  }
0x1b: {  	s9 =	sadd.s32 $0xFFFFFEF7, lr;
	s5 =	simm.s32 $0xFFFFFFFF;
	p2 =	slt.u32 s8, $0xFFFFF086  }
0x1c: {  	p1 =	slt.u32 s9, $0xF7A;
	s5 =	simm.s32 @!p2 $0x0  }
0x1d: {  	s5 =	simm.s32 @p1 $0x1;
	p0 =	seq.s32 s7, s2  }
0x1e: {  	s7 =	smul.u32 @!p0 $0xF7A, s2;
	p2 =	seq.s32 @!p0 s5, $0x0  }
0x1f: {  	s9 =	smul.u32 $0xF7A, s1;
	s8 =	simm.s32 @!p0 $0x1BF5;
	p2 =	por !p2, p0  }
0x20: {  	[sflag:s8] =	ssyncset.s32 @!p0 $0xFFFFF086;
	s6 =	sadd.s32 @!p0 s3, s7;
	s7 =	simm.s32 @!p0 $0x108  }
0x21: {  	s3 =	sadd.s32 s3, s9;
	s6 =	sadd.s32 @!p0 $0x88, s6;
	s7 =	simm.s32 @p2 $0x1082  }
0x22: {  	[simem:s7], [sflag:s8] =	dma.local @!p0 [hbm:s6], $0xF7A  }
0x23: {  	s9 =	sor.u32 $0xD0000000, s2;
	s6 =	simm.s32 $0x108;
	_ =	swait.ge @!p0 [sflag:s8], $0x0  }
0x24: {  	s3 =	sadd.s32 $0x88, s3;
	s6 =	simm.s32 @!p1 $0x1082;
	[sflag:s4] =	ssyncset.s32 $0xFFFFF086  }
0x25: {  	[simem:s6], [sflag:s4] =	dma.local [hbm:s3], $0xF7A  }
0x26: {  	[smem:$0x3F93] =	sst s1;
	(tag) =	ssettag s2;
	_ =	strace s9  }
0x27: {  	s1 =	sld [smem:$0x3FA3]  }
0x28: {  	s2 =	sld [smem:$0x3FA4]  }
0x29: {  	s4 =	sld [smem:$0x3FA6]  }
0x2a: {  	p0 =	seq.s32 s5, $0x0;
	s5 =	sld [smem:$0x3FA7]  }
0x2b: {  	s6 =	sld [smem:$0x3FA8]  }
0x2c: {  	s7 =	sld [smem:$0x3FA9]  }
0x2d: {  	s3 =	simm.s32 $0x108;
	s8 =	sld [smem:$0x3FAA]  }
0x2e: {  	s3 =	simm.s32 @!p0 $0x1082;
	s9 =	sld [smem:$0x3FAB]  }
0x2f: {  	lr =	sadd.s32 s0, s3;
	s0 =	sld [smem:$0x3FA2]  }
0x30: {  	s3 =	sld [smem:$0x3FA5]  }
0x31: {  	[smem:$0x3FAE] =	sst s10  }
0x32: {  	s10 =	sld [smem:$0x3FAC];
	_ =	sdelay $0x3  }
0x33: {  	p0 =	seq.s32 s10, $0x1;
	s10 =	sld [smem:$0x3FAE];
	_ =	sdelay $0x3  }
0x34: {  	[smem:$0x3FAE] =	sst s10  }
0x35: {  	s10 =	sld [smem:$0x3FAD];
	_ =	sdelay $0x3  }
0x36: {  	p1 =	seq.s32 s10, $0x1;
	s10 =	sld [smem:$0x3FAE];
	_ =	sdelay $0x3  }
0x37: {  	[smem:$0x3FAE] =	sst s10  }
0x38: {  	s10 =	sld [smem:$0x3FAF]  }
0x39: {  	_ = 	snop;
	(pc) =	sbr.ind lr, $3  }
0x3a: {  	_ = 	snop  }
0x3b: {  	_ = 	snop  }
0x3c: {  	p2 =	seq.s32 s10, $0x1;
	s10 =	sld [smem:$0x3FAE]  }
0x3d: {  	_ =	shalt  }
0x3e: {  	_ =	shalt  }
0x3f: {  	_ =	shalt  }
0x40: {  	_ =	shalt  }
0x41: {  	_ =	shalt  }
0x42: {  	_ =	shalt  }
0x43: {  	_ =	shalt  }
0x44: {  	_ =	shalt  }
0x45: {  	_ =	shalt  }
0x46: {  	_ =	shalt  }
0x47: {  	_ =	shalt  }
0x48: {  	_ =	shalt  }
0x49: {  	_ =	shalt  }
0x4a: {  	_ =	shalt  }
0x4b: {  	_ =	shalt  }
0x4c: {  	_ =	shalt  }
0x4d: {  	_ =	shalt  }
0x4e: {  	_ =	shalt  }
0x4f: {  	_ =	shalt  }
0x50: {  	_ =	shalt  }
0x51: {  	_ =	shalt  }
0x52: {  	_ =	shalt  }
0x53: {  	_ =	shalt  }
0x54: {  	_ =	shalt  }
0x55: {  	_ =	shalt  }
0x56: {  	_ =	shalt  }
0x57: {  	_ =	shalt  }
0x58: {  	_ =	shalt  }
0x59: {  	_ =	shalt  }
0x5a: {  	_ =	shalt  }
0x5b: {  	_ =	shalt  }
0x5c: {  	_ =	shalt  }
0x5d: {  	_ =	shalt  }
0x5e: {  	_ =	shalt  }
0x5f: {  	_ =	shalt  }
0x60: {  	_ =	shalt  }
0x61: {  	_ =	shalt  }
0x62: {  	_ =	shalt  }
0x63: {  	_ =	shalt  }
0x64: {  	_ =	shalt  }
0x65: {  	_ =	shalt  }
0x66: {  	_ =	shalt  }
0x67: {  	_ =	shalt  }
0x68: {  	_ =	shalt  }
0x69: {  	_ =	shalt  }
0x6a: {  	_ =	shalt  }
0x6b: {  	_ =	shalt  }
0x6c: {  	_ =	shalt  }
0x6d: {  	_ =	shalt  }
0x6e: {  	_ =	shalt  }
0x6f: {  	_ =	shalt  }
0x70: {  	_ =	shalt  }
0x71: {  	_ =	shalt  }
0x72: {  	_ =	shalt  }
0x73: {  	_ =	shalt  }
0x74: {  	_ =	shalt  }
0x75: {  	_ =	shalt  }
0x76: {  	_ =	shalt  }
0x77: {  	_ =	shalt  }
0x78: {  	_ =	shalt  }
0x79: {  	_ =	shalt  }
0x7a: {  	_ =	shalt  }
0x7b: {  	_ =	shalt  }
0x7c: {  	_ =	shalt  }
0x7d: {  	_ =	shalt  }
0x7e: {  	_ =	shalt  }
0x7f: {  	_ =	shalt  }
0x80: {  	_ =	shalt  }
0x81: {  	_ =	shalt  }
0x82: {  	_ =	shalt  }
0x83: {  	_ =	shalt  }
0x84: {  	_ =	shalt  }
0x85: {  	_ =	shalt  }
0x86: {  	_ =	shalt  }
0x87: {  	_ =	shalt  }
.Lfunc_end0:
.L_simem_size_0:
called_computation.3_lowered:
.L_overlay_start_0:
0x88: {  	s2 =	sld [smem:$0x3FD9]  }
0x89: {  	s3 =	sld [smem:$0x3FFE];
	_ =	sdelay $0x1  }
0x8a: {  	s1 =	srdreg.scid  }
0x8b: {  	s0 =	sand.u32 $0x1, s1  }
0x8c: {  	s16 =	sshll.u32 s0, $0xA;
	s2 =	sadd.s32 s3, s2  }
0x8d: {  	s2 =	sadd.s32 s2, s16  }
0x8e: {  	[smem:$0x3FBA] =	sst s2  }
0x8f: {  	_ = 	snop  }
0x90: {  	(tm) =	ssettm $0x1  }
0x91: {  	s17 =	sld [smem:$0x3FFB];
	_ =	sdelay $0x3  }
0x92: {  	_ =	strace s17  }
0x93: {  	s2 =	sld [smem:$0x3FFC];
	_ =	sdelay $0x3  }
0x94: {  	_ =	strace s2  }
0x95: {  	s2 =	sld [smem:$0x3FFD];
	_ =	sdelay $0x3  }
0x96: {  	_ =	strace s2  }
0x97: {  	_ =	strace $0x8FFFFFFF  }
0x98: {  	s18 =	sld [smem:$0x3FDB];
	_ =	sdelay $0x1  }
0x99: {  	s19 =	simm.s32 $_scs_section_size  }
0x9a: {  	s4 =	simm.s32 $_size__tile_overlayer_lowered;
	s5 =	simm.s32 $_tile_overlayer_lowered  }
0x9b: {  	s22 =	simm.s32 $0x1BFF;
	s21 =	sshll.u32 s5, $0x1;
	s2 =	sadd.s32 s19, s18  }
0x9c: {  	s6 =	simm.s32 $0x0;
	s20 =	sshll.u32 s4, $0x1;
	s4 =	sadd.s32 s21, s2  }
0x9d: {  	[timem:s6], [sflag:s22] =	dma.local [hbm:s4], s20  }
0x9e: {  	_ =	swait.ge [sflag:s22], s20  }
0x9f: {  	s3 =	ssub.s32 $0x0, s20;
	[sflag:s22] =	ssyncset.done $0x0  }
0xa0: {  	[sflag:s22] =	ssyncadd.s32 s3;
	_ =	sdelay $0x1  }
0xa1: {  	s23 =	simm.s32 $0x1B8B  }
0xa2: {  	_ =	swait.ge [sflag:s23], $0x1  }
0xa3: {  	[sflag:s23] =	ssyncset.done $0x0  }
0xa4: {  	s25 =	simm.s32 $0x1B8E;
	s24 =	sld [smem:$0x3FFE];
	[sflag:s23] =	ssyncadd.s32 $0xFFFFFFFF  }
0xa5: {  	s26 =	simm.s32 $execute0_lowered;
	[smem:$0x3FD2] =	sst s25  }
0xa6: {  	s4 =	sshll.u32 s26, $0x1;
	_ =	strace $0x8000004F;
	[dreg:$0x1] =	wrdreg $0xFFFFFFFF  }
0xa7: {  	s28 =	simm.s32 $_size_execute0_lowered;
	s2 =	sadd.s32 s2, s4;
	[dreg:$0x0] =	wrdreg $0x0  }
0xa8: {  	s4 =	sshll.u32 s28, $0x1;
	[dreg:$0x2] =	wrdreg s2  }
0xa9: {  	[dreg:$0x3] =	wrdreg s4  }
0xaa: {  	[dreg:$0x4] =	wrdreg $0xC0  }
0xab: {  	_ =	task [dreg:s6], $0x5FFFF  }
0xac: {  	[dreg:$0x1] =	wrdreg $0xFFFFFFFF  }
0xad: {  	[dreg:$0x0] =	wrdreg $0x60  }
0xae: {  	[dreg:$0x2] =	wrdreg s24  }
0xaf: {  	[dreg:$0x3] =	wrdreg $0xA1000  }
0xb0: {  	[dreg:$0x4] =	wrdreg $0x9  }
0xb1: {  	_ =	task.clear_ibuf [dreg:s6], $0x5FFFF;
	_ =	strace $0x9000004F  }
0xb2: {  	s29 =	simm.s32 $0x9;
	_ =	strace $0x80000051  }
0xb3: {  	_ =	swait.ge [sflag:s29], $0x1  }
0xb4: {  	[sflag:s29] =	ssyncadd.s32 $0xFFFFFFFF  }
0xb5: {  	_ =	strace $0x90000051  }
0xb6: {  	_ =	sfence  }
0xb7: {  	s30 =	sld [smem:$0x0];
	_ =	sdelay $0x2  }
0xb8: {  	s31 =	sshll.u32 s1, $0xD;
	s1 =	sshrl.u32 s1, $0x2  }
0xb9: {  	s3 =	sand.u32 $0x4000, s31;
	s1 =	sadd.s32 s1, s30  }
0xba: {  	s0 =	sor.u32 s3, s0;
	s1 =	sshll.u32 s1, $0x11  }
0xbb: {  	s0 =	sor.u32 s1, s0  }
0xbc: {  	s0 =	sadd.s32 $0x8F2B, s0  }
0xbd: {  	[sflag:s0] =	ssyncadd.remote.s32 $0x1  }
0xbe: {  	_ =	sfence.sel $0xFFFF  }
0xbf: {  	[dreg:$0x0] =	wrdreg $0xFFFFFFFF;
	(pc) =	sbr.abs _section_cstart, $3  }
0xc0: {  	[dreg:$0x1] =	wrdreg $0xFFFFFFFF  }
0xc1: {  	_ =	task.clear_ibuf [dreg:s6], $0x2FFFF;
	_ =	strace $0x9FFFFFFF  }
0xc2: {  	(tm) =	ssettm $0x7FFFFFFF  }
0xc3: {  	_ =	shalt  }
tec
execute0_lowered:
.L_overlay_start_1:
0x0: {  	(tag) =	ssettag $0x1  }
0x1: {  	s0 =	rddreg [dreg:$0x0]  }
0x2: {  	s11 =	rddreg [dreg:$0x1]  }
0x3: {  	s16 =	simm.s32 $0x0;
	s1 =	srdreg.scid;
	s3 =	stileid.u32  }
0x4: {  	s14 =	simm.s32 $0x3;
	s15 =	simm.s32 $0x80;
	s28 =	simm.s32 $0x4500  }
0x5: {  	s29 =	simm.s32 $0x4900;
	s30 =	simm.s32 $0x5100;
	s31 =	simm.s32 $0x5500  }
0x6: {  	s12 =	simm.s32 $0x40;
	s13 =	simm.s32 $0x8100;
	[smem:$0x7FF] =	sst s16  }
0x7: {  	s2 =	sadd.s32 $0xD000, s0;
	s4 =	sand.u32 $0x1, s1;
	s5 =	sadd.s32 $0x2CE000, s0  }
0x8: {  	s6 =	sadd.s32 $0xA71000, s0;
	s7 =	sadd.s32 $0x3000, s0;
	s8 =	sadd.s32 $0x8000, s0  }
0x9: {  	s10 =	sadd.s32 $0x2CE100, s0;
	p0 =	sne.s32 s3, $0x0;
	s1 =	smul.u32 $0x28000, s4  }
0xa: {  	_ =	strace $0x80000050;
	[dreg:$0x4] =	wrdreg s2;
	s24 =	ssub.s32 $0x2, s4  }
.Ltmp0:
0xb: {  	s9 =	sshrl.u32 s24, $0x1;
	s1 =	sadd.s32 s1, s0;
	(pc) =	sbr.rel .LBB2_1-.Ltmp0, $4  }
0xc: {  	s2 =	ssub.s32 s24, s9;
	s9 =	sshll.u32 s3, $0x1;
	s25 =	sadd.s32 $0x35000, s1  }
0xd: {  	v3 =	vlaneseq.u32;
	v0 =	vimm.f32 $0.0e+00;
	s0 =	simm.s32 $0x5D00;
	s26 =	smax.u32 s2, $0x1;
	[dreg:$0x5] =	wrdreg s25  }
0xe: {  	vm0 =	vmmov $0xffff;
	vm1 =	vmmov $0xff;
	v2 =	vshrl.u32 v3, $0x3;
	s3 =	simm.s32 $0x6100;
	s2 =	simm.s32 $0x2;
	[dreg:$0x6] =	wrdreg s26  }
0xf: {  	v1 =	vand.u32 $0x7, v3;
	v3 =	vor.u32 $0x8, v3;
	v2 =	vmul.u32 $0x8, v2;
	s25 =	sshrl.u32 @!p0 s11, $0x3;
	s26 =	simm.s32 $0x3D00;
	s11 =	simm.s32 $0x1  }
.LBB2_9:
0x10: {  	[bflag:$0x0] =	sbarrier.arrive $0xFFFF  }
0x11: {  	s1 =	simm.s32 @!p0 $0x1C02;
	s16 =	rddreg [dreg:$0x5]  }
0x12: {  	[hbm:s16], [sflag:s1] =	dma.local @!p0 [spmem:s25], $0x28000  }
0x13: {  	s1 =	simm.s32 @!p0 $0x2  }
0x14: {  	_ =	swait.ge @!p0 [sflag:s1], $0x28000  }
0x15: {  	s24 =	rddreg [dreg:$0x3]  }
0x16: {  	s17 =	rddreg [dreg:$0x6];
	s16 =	sadd.s32 $0x1, s24  }
0x17: {  	p1 =	sne.s32 s16, s17  }
.Ltmp1:
0x18: {  	_ = 	snop;
	(pc) =	sbr.rel @!p1 .LBB2_10-.Ltmp1, $3  }
0x19: {  	_ =	sdelay $0x1  }
0x1a: {  	[sflag:s1] =	ssyncset.done @!p0 $0x0  }
0x1b: {  	[sflag:s1] =	ssyncadd.s32 @!p0 $0xFFFD8000  }
.LBB2_1:
0x1c: {  	[dreg:$0x3] =	wrdreg s16  }
0x1d: {  	s1 =	simm.s32 @!p0 $0x1C02;
	s16 =	rddreg [dreg:$0x4]  }
0x1e: {  	[spmem:s25], [sflag:s1] =	dma.local @!p0 [hbm:s16], $0x28000  }
0x1f: {  	s1 =	simm.s32 @!p0 $0x2  }
0x20: {  	_ =	swait.ge @!p0 [sflag:s1], $0x28000  }
0x21: {  	[sflag:s1] =	ssyncset.done @!p0 $0x0  }
0x22: {  	s16 =	simm.s32 $0x200;
	[sflag:s1] =	ssyncadd.s32 @!p0 $0xFFFD8000;
	s1 =	simm.s32 $0x0  }
.LBB2_2:
0x23: {  	p1 =	sne.s32 s16, $0x7E00;
	[tilespmem:s1+$0x8170] =	vst v0  }
0x24: {  	[tilespmem:s1+$0x8100] =	vst v0  }
0x25: {  	[tilespmem:s1+$0x8110] =	vst v0  }
.Ltmp2:
0x26: {  	[tilespmem:s1+$0x8120] =	vst v0;
	(pc) =	sbr.rel @p1 .LBB2_2-.Ltmp2, $4  }
0x27: {  	[tilespmem:s1+$0x8130] =	vst v0  }
0x28: {  	[tilespmem:s1+$0x8140] =	vst v0  }
0x29: {  	[tilespmem:s1+$0x8150] =	vst v0  }
0x2a: {  	[tilespmem:s1+$0x8160] =	vst v0;
	s1 =	sshra.s32 s16, $0x2;
	s16 =	sadd.s32 $0x200, s16  }
0x2b: {  	[tilespmem:s1+$0x8170] =	vst v0  }
0x2c: {  	[tilespmem:s1+$0x8100] =	vst v0  }
0x2d: {  	[tilespmem:s1+$0x8110] =	vst v0  }
0x2e: {  	[tilespmem:s1+$0x8120] =	vst v0  }
0x2f: {  	[tilespmem:s1+$0x8130] =	vst v0  }
.Ltmp3:
0x30: {  	[tilespmem:s1+$0x8140] =	vst v0;
	(pc) =	sbr.rel .LBB2_4-.Ltmp3, $4  }
0x31: {  	[tilespmem:s1+$0x8150] =	vst v0  }
0x32: {  	[tilespmem:s1+$0x8160] =	vst v0  }
0x33: {  	[bflag:$0x0] =	sbarrier.arrive $0xFFFF  }
0x34: {  	s1 =	simm.s32 $0x0  }
.LBB2_8:
0x35: {  	s1 =	sadd.s32 $0x1, s1  }
0x36: {  	p1 =	sne.s32 s1, $0x4F  }
.Ltmp4:
0x37: {  	_ = 	snop;
	(pc) =	sbr.rel @!p1 .LBB2_9-.Ltmp4, $1  }
0x38: {  	_ =	sdelay $0x3  }
.LBB2_4:
0x39: {  	s16 =	sshll.u32 s1, $0x5  }
0x3a: {  	s16 =	sor.u32 s9, s16  }
0x3b: {  	p1 =	sgt.u32 s16, $0x9C3  }
.Ltmp5:
0x3c: {  	_ = 	snop;
	(pc) =	sbr.rel @p1 .LBB2_8-.Ltmp5, $1  }
0x3d: {  	_ =	sdelay $0x3  }
0x3e: {  	s17 =	sor.u32 s4, s16  }
0x3f: {  	s18 =	sshll.u32 s17, $0x3  }
0x40: {  	s16 =	simm.s32 $0x0;
	s19 =	sadd.s32 s7, s18  }
0x41: {  	[tilespmem:s16], [sflag:$0x3] =	stream.linear.gather [hbm4b:s19+s16], $0x40, $0x38;
	[tilespmem:$0x1E100] =	vst v63  }
0x42: {  	_ =	swait.ge [sflag:s14], $0x40  }
0x43: {  	[sflag:s14] =	ssyncset.done $0x0  }
0x44: {  	s18 =	sadd.s32 s8, s18;
	[sflag:s14] =	ssyncadd.s32 $0xFFFFFFC0  }
0x45: {  	[tilespmem:s15], [sflag:$0x3] =	stream.linear.gather [hbm4b:s18+s16], $0x40, $0x38;
	[tilespmem:$0x1E100] =	vst v63  }
0x46: {  	_ =	swait.ge [sflag:s14], $0x40  }
0x47: {  	[sflag:s14] =	ssyncset.done $0x0  }
0x48: {  	[sflag:s14] =	ssyncadd.s32 $0xFFFFFFC0  }
0x49: {  	v4 =	vld [tilespmem:$0x0];
	_ =	sdelay $0x4  }
0x4a: {  	v5 =	vshrl.u32 v4, $0x3  }
0x4b: {  	v5 =	vmul.u32 $0x18, v5  }
0x4c: {  	v4 =	vand.u32 $0x7, v4  }
0x4d: {  	v4 =	vor.u32 v4, v5  }
0x4e: {  	v5 =	vperm.xlane v4, v1;
	_ =	sdelay $0x1  }
0x4f: {  	v5 =	vadd.s32 v2, v5;
	_ =	sdelay $0x1  }
0x50: {  	v4 =	vperm.xlane v4, v3;
	_ =	sdelay $0x1  }
0x51: {  	s19 =	simm.s32 $0x100;
	v4 =	vadd.s32 v2, v4  }
0x52: {  	[tilespmem:s19], [sflag:$0x1] =	stream.indirect_vreg.gather [hbm4b:s5+s16], $0x80, v5, vm0, $0xb8;
	[tilespmem:$0x1E100] =	vst v63  }
0x53: {  	s20 =	simm.s32 $0x900  }
0x54: {  	[tilespmem:s20], [sflag:$0x1] =	stream.indirect_vreg.gather [hbm4b:s10+s16], $0x80, v5, vm1, $0xb8;
	[tilespmem:$0x1E100] =	vst v63  }
0x55: {  	s21 =	simm.s32 $0xD00  }
0x56: {  	[tilespmem:s21], [sflag:$0x1] =	stream.indirect_vreg.gather [hbm4b:s5+s16], $0x80, v4, vm0, $0xb8;
	[tilespmem:$0x1E100] =	vst v63  }
0x57: {  	s22 =	simm.s32 $0x1500  }
0x58: {  	[tilespmem:s22], [sflag:$0x1] =	stream.indirect_vreg.gather [hbm4b:s10+s16], $0x80, v4, vm1, $0xb8;
	[tilespmem:$0x1E100] =	vst v63  }
0x59: {  	v4 =	vld [tilespmem:$0x10];
	_ =	sdelay $0x4  }
0x5a: {  	v5 =	vshrl.u32 v4, $0x3  }
0x5b: {  	v5 =	vmul.u32 $0x18, v5  }
0x5c: {  	v4 =	vand.u32 $0x7, v4  }
0x5d: {  	v4 =	vor.u32 v4, v5  }
0x5e: {  	v5 =	vperm.xlane v4, v1;
	_ =	sdelay $0x1  }
0x5f: {  	v5 =	vadd.s32 v2, v5;
	_ =	sdelay $0x1  }
0x60: {  	v4 =	vperm.xlane v4, v3;
	_ =	sdelay $0x1  }
0x61: {  	s23 =	simm.s32 $0x1900;
	v4 =	vadd.s32 v2, v4  }
0x62: {  	[tilespmem:s23], [sflag:$0x1] =	stream.indirect_vreg.gather [hbm4b:s5+s16], $0x80, v5, vm0, $0xb8;
	[tilespmem:$0x1E100] =	vst v63  }
0x63: {  	s24 =	simm.s32 $0x2100  }
0x64: {  	[tilespmem:s24], [sflag:$0x1] =	stream.indirect_vreg.gather [hbm4b:s10+s16], $0x80, v5, vm1, $0xb8;
	[tilespmem:$0x1E100] =	vst v63  }
0x65: {  	s19 =	simm.s32 $0x2500  }
0x66: {  	[tilespmem:s19], [sflag:$0x1] =	stream.indirect_vreg.gather [hbm4b:s5+s16], $0x80, v4, vm0, $0xb8;
	[tilespmem:$0x1E100] =	vst v63  }
0x67: {  	s20 =	simm.s32 $0x2D00  }
0x68: {  	[tilespmem:s20], [sflag:$0x1] =	stream.indirect_vreg.gather [hbm4b:s10+s16], $0x80, v4, vm1, $0xb8;
	[tilespmem:$0x1E100] =	vst v63  }
0x69: {  	v4 =	vld [tilespmem:$0x20];
	_ =	sdelay $0x4  }
0x6a: {  	v5 =	vshrl.u32 v4, $0x3  }
0x6b: {  	v5 =	vmul.u32 $0x18, v5  }
0x6c: {  	v4 =	vand.u32 $0x7, v4  }
0x6d: {  	v4 =	vor.u32 v4, v5  }
0x6e: {  	v5 =	vperm.xlane v4, v1;
	_ =	sdelay $0x1  }
0x6f: {  	v5 =	vadd.s32 v2, v5;
	_ =	sdelay $0x1  }
0x70: {  	v4 =	vperm.xlane v4, v3;
	_ =	sdelay $0x1  }
0x71: {  	s21 =	simm.s32 $0x3100;
	v4 =	vadd.s32 v2, v4  }
0x72: {  	[tilespmem:s21], [sflag:$0x1] =	stream.indirect_vreg.gather [hbm4b:s5+s16], $0x80, v5, vm0, $0xb8;
	[tilespmem:$0x1E100] =	vst v63  }
0x73: {  	s22 =	simm.s32 $0x3900  }
0x74: {  	[tilespmem:s22], [sflag:$0x1] =	stream.indirect_vreg.gather [hbm4b:s10+s16], $0x80, v5, vm1, $0xb8;
	[tilespmem:$0x1E100] =	vst v63  }
0x75: {  	_ = 	snop  }
0x76: {  	[tilespmem:s26], [sflag:$0x1] =	stream.indirect_vreg.gather [hbm4b:s5+s16], $0x80, v4, vm0, $0xb8;
	[tilespmem:$0x1E100] =	vst v63  }
0x77: {  	_ = 	snop  }
0x78: {  	[tilespmem:s28], [sflag:$0x1] =	stream.indirect_vreg.gather [hbm4b:s10+s16], $0x80, v4, vm1, $0xb8;
	[tilespmem:$0x1E100] =	vst v63  }
0x79: {  	v4 =	vld [tilespmem:$0x30];
	_ =	sdelay $0x4  }
0x7a: {  	v5 =	vshrl.u32 v4, $0x3  }
0x7b: {  	v5 =	vmul.u32 $0x18, v5  }
0x7c: {  	v4 =	vand.u32 $0x7, v4  }
0x7d: {  	v4 =	vor.u32 v4, v5  }
0x7e: {  	v5 =	vperm.xlane v4, v1;
	_ =	sdelay $0x1  }
0x7f: {  	v5 =	vadd.s32 v2, v5;
	_ =	sdelay $0x1  }
0x80: {  	v4 =	vperm.xlane v4, v3;
	_ =	sdelay $0x1  }
0x81: {  	v4 =	vadd.s32 v2, v4  }
0x82: {  	[tilespmem:s29], [sflag:$0x1] =	stream.indirect_vreg.gather [hbm4b:s5+s16], $0x80, v5, vm0, $0xb8;
	[tilespmem:$0x1E100] =	vst v63  }
0x83: {  	_ = 	snop  }
0x84: {  	[tilespmem:s30], [sflag:$0x1] =	stream.indirect_vreg.gather [hbm4b:s10+s16], $0x80, v5, vm1, $0xb8;
	[tilespmem:$0x1E100] =	vst v63  }
0x85: {  	_ = 	snop  }
0x86: {  	[tilespmem:s31], [sflag:$0x1] =	stream.indirect_vreg.gather [hbm4b:s5+s16], $0x80, v4, vm0, $0xb8;
	[tilespmem:$0x1E100] =	vst v63  }
0x87: {  	s17 =	sshll.u32 s17, $0xA  }
0x88: {  	[tilespmem:s0], [sflag:$0x1] =	stream.indirect_vreg.gather [hbm4b:s10+s16], $0x80, v4, vm1, $0xb8;
	[tilespmem:$0x1E100] =	vst v63  }
0x89: {  	s17 =	sadd.s32 s6, s17  }
0x8a: {  	[tilespmem:s3], [sflag:$0x3] =	stream.linear.gather [hbm4b:s17+s16], $0x2000, $0x38;
	[tilespmem:$0x1E100] =	vst v63  }
0x8b: {  	_ =	swait.ge [sflag:s14], $0x2000  }
0x8c: {  	s23 =	simm.s32 $0x0;
	[sflag:s14] =	ssyncset.done $0x0  }
0x8d: {  	s17 =	smul.u32 $0x3000, s23;
	[sflag:s14] =	ssyncadd.s32 $0xFFFFE000  }
0x8e: {  	_ =	swait.ge [sflag:s11], $0x6000  }
0x8f: {  	s24 =	sand.u32 $0x380, s16;
	s17 =	sshra.s32 s17, $0x2;
	[sflag:s11] =	ssyncset.done $0x0  }
0x90: {  	s18 =	sor.u32 s24, s17;
	[sflag:s11] =	ssyncadd.s32 $0xFFFFA000  }
0x91: {  	s20 =	simm.s32 $0x6140;
	v6 =	vld [tilespmem:s18+$0x540]  }
0x92: {  	v7 =	vld [tilespmem:s20+$0xFFFFFFE0]  }
0x93: {  	v8 =	vld [tilespmem:s18+$0x120]  }
0x94: {  	v10 =	vld [tilespmem:s18+$0x930]  }
0x95: {  	v9 =	vld [tilespmem:s18+$0x130]  }
0x96: {  	s19 =	simm.s32 $0x6140;
	v5 =	vld [tilespmem:s20+$0x0]  }
0x97: {  	s21 =	simm.s32 $0x8110;
	s22 =	simm.s32 $0x1;
	s17 =	simm.s32 $0x8110;
	v4 =	vld [tilespmem:s20+$0x30]  }
.LBB2_6:
0x98: {  	v11 =	vld [tilespmem:s18+$0x530];
	s16 =	sadd.s32 $0x80, s16;
	s20 =	sadd.s32 $0x80, s20;
	s21 =	sadd.s32 $0x80, s21  }
0x99: {  	p1 =	sne.s32 s22, $0x3F;
	s23 =	smov.u32 s22;
	s22 =	sadd.s32 $0x1, s22;
	v12 =	vld [tilespmem:s19+$0xFFFFFFF0]  }
0x9a: {  	v13 =	vld [tilespmem:s19+$0xFFFFFFC0]  }
0x9b: {  	v14 =	vld [tilespmem:s19+$0xFFFFFFD0]  }
0x9c: {  	v15 =	vld [tilespmem:s18+$0x510]  }
0x9d: {  	v16 =	vld [tilespmem:s18+$0x110]  }
0x9e: {  	v17 =	vld [tilespmem:s18+$0x910];
	v10 =	vmul.f32 v10, v12  }
0x9f: {  	v11 =	vmul.f32 v11, v12;
	v18 =	vld [tilespmem:s18+$0x100]  }
0xa0: {  	v19 =	vld [tilespmem:s18+$0x900]  }
0xa1: {  	v9 =	vmul.f32 v9, v12;
	v20 =	vld [tilespmem:s18+$0x500]  }
0xa2: {  	v12 =	vmul.f32 v15, v14;
	v15 =	vld [tilespmem:s18+$0x140]  }
0xa3: {  	v16 =	vmul.f32 v16, v14;
	v21 =	vld [tilespmem:s18+$0x920]  }
0xa4: {  	v14 =	vmul.f32 v17, v14;
	v18 =	vmul.f32 v18, v13;
	v17 =	vld [tilespmem:s18+$0x520]  }
0xa5: {  	s23 =	sshrl.u32 s23, $0x3;
	v19 =	vmul.f32 v19, v13;
	v22 =	vld [tilespmem:s18+$0x170]  }
0xa6: {  	v8 =	vmul.f32 v8, v7;
	s23 =	smul.u32 $0x3000, s23;
	v6 =	vmul.f32 v6, v5;
	v23 =	vld [tilespmem:s18+$0x160]  }
0xa7: {  	v18 =	vadd.f32 $0.0e+00, v18;
	v13 =	vmul.f32 v20, v13;
	v15 =	vmul.f32 v15, v5;
	v20 =	vld [tilespmem:s19+$0x20]  }
0xa8: {  	s24 =	sand.u32 $0x380, s16;
	s23 =	sshra.s32 s23, $0x2;
	v19 =	vadd.f32 $0.0e+00, v19;
	v21 =	vmul.f32 v21, v7;
	v24 =	vld [tilespmem:s18+$0x150]  }
0xa9: {  	s23 =	sor.u32 s24, s23;
	v13 =	vadd.f32 $0.0e+00, v13;
	v16 =	vadd.f32 v16, v18;
	v7 =	vmul.f32 v17, v7;
	v17 =	vld [tilespmem:s18+$0x940]  }
0xaa: {  	v14 =	vadd.f32 v14, v19;
	v18 =	vld [tilespmem:s19+$0x10];
	s19 =	smov.u32 s20  }
0xab: {  	v12 =	vadd.f32 v12, v13;
	v8 =	vadd.f32 v8, v16;
	v13 =	vld [tilespmem:s18+$0x950]  }
0xac: {  	v14 =	vadd.f32 v21, v14;
	v16 =	vld [tilespmem:s18+$0x550];
	v19 =	vmul.f32 v23, v20  }
0xad: {  	v7 =	vadd.f32 v7, v12;
	v8 =	vadd.f32 v9, v8;
	v9 =	vld [tilespmem:s18+$0x960]  }
0xae: {  	v10 =	vadd.f32 v10, v14;
	v5 =	vmul.f32 v17, v5;
	v12 =	vld [tilespmem:s18+$0x560]  }
0xaf: {  	v7 =	vadd.f32 v11, v7;
	v8 =	vadd.f32 v15, v8;
	v11 =	vmul.f32 v24, v18;
	v14 =	vld [tilespmem:s18+$0x970]  }
0xb0: {  	v5 =	vadd.f32 v5, v10;
	v10 =	vmul.f32 v13, v18;
	v13 =	vld [tilespmem:s18+$0x570];
	s18 =	smov.u32 s23  }
0xb1: {  	v6 =	vadd.f32 v6, v7;
	v7 =	vadd.f32 v11, v8;
	v8 =	vmul.f32 v16, v18  }
0xb2: {  	v5 =	vadd.f32 v10, v5;
	v9 =	vmul.f32 v9, v20;
	v10 =	vmul.f32 v22, v4  }
0xb3: {  	v6 =	vadd.f32 v8, v6;
	v7 =	vadd.f32 v19, v7;
	v8 =	vmul.f32 v12, v20  }
0xb4: {  	v5 =	vadd.f32 v9, v5;
	v9 =	vmul.f32 v14, v4  }
0xb5: {  	v6 =	vadd.f32 v8, v6;
	v7 =	vadd.f32 v10, v7;
	v4 =	vmul.f32 v13, v4  }
0xb6: {  	v5 =	vadd.f32 v9, v5  }
0xb7: {  	v4 =	vadd.f32 v4, v6;
	[tilespmem:s17+$0xFFFFFFF0] =	vst v7  }
0xb8: {  	[tilespmem:s17+$0x10] =	vst v5  }
0xb9: {  	[tilespmem:s17+$0x0] =	vst v4;
	s17 =	smov.u32 s21  }
0xba: {  	v6 =	vld [tilespmem:s18+$0x540]  }
0xbb: {  	v7 =	vld [tilespmem:s20+$0xFFFFFFE0]  }
.Ltmp6:
0xbc: {  	v8 =	vld [tilespmem:s18+$0x120];
	(pc) =	sbr.rel @p1 .LBB2_6-.Ltmp6, $4  }
0xbd: {  	v10 =	vld [tilespmem:s18+$0x930]  }
0xbe: {  	v9 =	vld [tilespmem:s18+$0x130]  }
0xbf: {  	v5 =	vld [tilespmem:s20+$0x0]  }
0xc0: {  	v4 =	vld [tilespmem:s20+$0x30]  }
0xc1: {  	v11 =	vld [tilespmem:s18+$0x530]  }
0xc2: {  	v12 =	vld [tilespmem:s19+$0xFFFFFFF0]  }
0xc3: {  	v13 =	vld [tilespmem:s19+$0xFFFFFFC0]  }
0xc4: {  	v14 =	vld [tilespmem:s19+$0xFFFFFFD0]  }
0xc5: {  	v15 =	vld [tilespmem:s18+$0x510]  }
0xc6: {  	v16 =	vld [tilespmem:s18+$0x110]  }
0xc7: {  	v17 =	vld [tilespmem:s18+$0x910]  }
0xc8: {  	v18 =	vld [tilespmem:s18+$0x100]  }
0xc9: {  	v19 =	vld [tilespmem:s18+$0x900]  }
0xca: {  	v20 =	vld [tilespmem:s18+$0x500]  }
0xcb: {  	v21 =	vld [tilespmem:s18+$0x140]  }
0xcc: {  	v22 =	vld [tilespmem:s18+$0x920]  }
0xcd: {  	v23 =	vld [tilespmem:s18+$0x520]  }
0xce: {  	v24 =	vld [tilespmem:s18+$0x170];
	v18 =	vmul.f32 v18, v13  }
0xcf: {  	v25 =	vld [tilespmem:s18+$0x160];
	v19 =	vmul.f32 v19, v13  }
0xd0: {  	v42 =	vld [tilespmem:s19+$0x20];
	v16 =	vmul.f32 v16, v14;
	v13 =	vmul.f32 v20, v13;
	v18 =	vadd.f32 $0.0e+00, v18  }
0xd1: {  	v44 =	vld [tilespmem:s18+$0x150];
	v15 =	vmul.f32 v15, v14;
	v14 =	vmul.f32 v17, v14;
	v43 =	vadd.f32 $0.0e+00, v19  }
0xd2: {  	v8 =	vmul.f32 v8, v7;
	v45 =	vld [tilespmem:s18+$0x940];
	v13 =	vadd.f32 $0.0e+00, v13;
	v16 =	vadd.f32 v16, v18  }
0xd3: {  	v47 =	vld [tilespmem:s19+$0x10];
	v22 =	vmul.f32 v22, v7;
	v46 =	vmul.f32 v23, v7;
	v14 =	vadd.f32 v14, v43  }
0xd4: {  	v48 =	vld [tilespmem:s18+$0x950];
	v9 =	vmul.f32 v9, v12;
	v13 =	vadd.f32 v15, v13;
	v8 =	vadd.f32 v8, v16  }
0xd5: {  	v50 =	vld [tilespmem:s18+$0x550];
	v10 =	vmul.f32 v10, v12;
	v11 =	vmul.f32 v11, v12;
	v49 =	vadd.f32 v22, v14  }
0xd6: {  	v52 =	vld [tilespmem:s18+$0x960];
	v51 =	vmul.f32 v21, v5;
	v7 =	vadd.f32 v46, v13;
	v8 =	vadd.f32 v9, v8  }
0xd7: {  	v53 =	vld [tilespmem:s18+$0x560];
	v6 =	vmul.f32 v6, v5;
	v5 =	vmul.f32 v45, v5;
	v10 =	vadd.f32 v10, v49  }
0xd8: {  	v55 =	vld [tilespmem:s18+$0x970];
	v54 =	vmul.f32 v44, v47;
	v7 =	vadd.f32 v11, v7;
	v8 =	vadd.f32 v51, v8  }
0xd9: {  	v58 =	vld [tilespmem:s18+$0x570];
	v56 =	vmul.f32 v25, v42;
	v57 =	vmul.f32 v48, v47;
	v5 =	vadd.f32 v5, v10  }
0xda: {  	v60 =	vmul.f32 v50, v47;
	v6 =	vadd.f32 v6, v7;
	v59 =	vadd.f32 v54, v8  }
0xdb: {  	v61 =	vmul.f32 v24, v4;
	v9 =	vmul.f32 v52, v42;
	v5 =	vadd.f32 v57, v5  }
0xdc: {  	v62 =	vmul.f32 v53, v42;
	v6 =	vadd.f32 v60, v6;
	v7 =	vadd.f32 v56, v59  }
0xdd: {  	v63 =	vmul.f32 v55, v4;
	v5 =	vadd.f32 v9, v5  }
0xde: {  	v4 =	vmul.f32 v58, v4;
	v6 =	vadd.f32 v62, v6;
	v7 =	vadd.f32 v61, v7  }
0xdf: {  	v5 =	vadd.f32 v63, v5  }
0xe0: {  	v4 =	vadd.f32 v4, v6;
	[tilespmem:s17+$0xFFFFFFF0] =	vst v7  }
0xe1: {  	[tilespmem:s17+$0x10] =	vst v5  }
.Ltmp7:
0xe2: {  	s16 =	rddreg [dreg:$0x1];
	[tilespmem:s17+$0x0] =	vst v4;
	(pc) =	sbr.rel .LBB2_8-.Ltmp7, $4  }
0xe3: {  	[spmem:s16] =	stream.indirect.scatter.add.f32 [tilespmem:s13], [sflag:$0x2], $0x80, s15, s12, $0xb8;
	[tilespmem:$0x1E100] =	vst v63  }
0xe4: {  	_ =	swait.ge [sflag:s2], $0x2000  }
0xe5: {  	[sflag:s2] =	ssyncset.done $0x0  }
0xe6: {  	[sflag:s2] =	ssyncadd.s32 $0xFFFFE000  }
.LBB2_10:
0xe7: {  	_ =	sfence.sel $0x180000  }
0xe8: {  	[bflag:$0x0] =	sbarrier.arrive $0xFFFF  }
0xe9: {  	_ =	strace $0x90000050  }
0xea: {  	[bflag:$0x2] =	sbarrier.arrive $0xFFFF  }
0xeb: {  	s0 =	rddreg [dreg:$0x2]  }
0xec: {  	s0 =	sadd.s32 @!p0 $0x100000, s0  }
0xed: {  	[sflag:s0] =	ssyncadd.tile.s32 @!p0 $0x1;
	_ =	shalt  }
.Lfunc_end2:
_tile_overlayer_lowered:
.L_overlay_start_2:
0xee: {  	(tag) =	ssettag $0x2  }
0xef: {  	s0 =	rddreg [dreg:$0x0];
	s2 =	stileid.u32  }
0xf0: {  	s1 =	rddreg [dreg:$0x1];
	p0 =	sne.s32 s2, $0x0  }
0xf1: {  	s3 =	rddreg [dreg:$0x2];
	[bflag:$0x3] =	sbarrier.arrive $0xFFFF;
	s2 =	simm.s32 @!p0 $0x1C02  }
0xf2: {  	[timem:s3], [sflag:s2] =	dma.local @!p0 [hbm:s0], s1  }
0xf3: {  	s0 =	simm.s32 @!p0 $0x2  }
0xf4: {  	_ =	swait.ge @!p0 [sflag:s0], s1  }
0xf5: {  	s1 =	ssub.s32 @!p0 $0x0, s1;
	[sflag:s0] =	ssyncset.done @!p0 $0x0  }
0xf6: {  	[sflag:s0] =	ssyncadd.s32 @!p0 s1  }
0xf7: {  	[bflag:$0x3] =	sbarrier.arrive $0xFFFF  }
0xf8: {  	_ =	shalt  }

// kernel: _run.24.cloned.1.call-start
scs
__scs_entry_jumppad:
0x0: {  	(pc) =	sbr.rel $0x88, $3  }
0x1: {  	(tag) =	ssettag $0x0;
	lr =	simm.s32 $0x1  }
0x2: {  	[smem:$0x3F93] =	sst lr;
	_ =	strace $0xD0000000  }
0x3: {  	_ = 	snop  }
0x4: {  	_ = 	snop  }
0x5: {  	_ = 	snop  }
0x6: {  	_ = 	snop  }
0x7: {  	_ = 	snop  }
__scs_overlays_trampoline_lowered:
0x8: {  	[smem:$0x3FA2] =	sst s0  }
0x9: {  	[smem:$0x3FA3] =	sst s1  }
0xa: {  	[smem:$0x3FA4] =	sst s2  }
0xb: {  	[smem:$0x3FA5] =	sst s3  }
0xc: {  	[smem:$0x3FA6] =	sst s4  }
0xd: {  	[smem:$0x3FA7] =	sst s5  }
0xe: {  	[smem:$0x3FA8] =	sst s6  }
0xf: {  	[smem:$0x3FA9] =	sst s7  }
0x10: {  	[smem:$0x3FAA] =	sst s8  }
0x11: {  	[smem:$0x3FAB] =	sst s9;
	s0 =	simm.s32 @!p0 $0x0  }
0x12: {  	s1 =	sld [smem:$0x3F91];
	s0 =	simm.s32 @p0 $0x1  }
0x13: {  	[smem:$0x3FAC] =	sst s0;
	s0 =	simm.s32 @!p1 $0x0  }
0x14: {  	s2 =	sld [smem:$0x3F90];
	s0 =	simm.s32 @p1 $0x1  }
0x15: {  	[smem:$0x3FAD] =	sst s0;
	s0 =	simm.s32 @!p2 $0x0  }
0x16: {  	s3 =	sld [smem:$0x3FDB];
	s0 =	simm.s32 @p2 $0x1  }
0x17: {  	s4 =	simm.s32 $0x1BF5;
	[smem:$0x3FAF] =	sst s0  }
0x18: {  	s0 =	sld [smem:$0x3F92];
	_ =	swait.ge [sflag:s4], $0x0  }
0x19: {  	s7 =	sld [smem:$0x3F93]  }
0x1a: {  	s8 =	sadd.s32 $0xFFFFE003, lr  }
0x1b: {  	s9 =	sadd.s32 $0xFFFFFEF7, lr;
	s5 =	simm.s32 $0xFFFFFFFF;
	p2 =	slt.u32 s8, $0xFFFFF086  }
0x1c: {  	p1 =	slt.u32 s9, $0xF7A;
	s5 =	simm.s32 @!p2 $0x0  }
0x1d: {  	s5 =	simm.s32 @p1 $0x1;
	p0 =	seq.s32 s7, s2  }
0x1e: {  	s7 =	smul.u32 @!p0 $0xF7A, s2;
	p2 =	seq.s32 @!p0 s5, $0x0  }
0x1f: {  	s9 =	smul.u32 $0xF7A, s1;
	s8 =	simm.s32 @!p0 $0x1BF5;
	p2 =	por !p2, p0  }
0x20: {  	[sflag:s8] =	ssyncset.s32 @!p0 $0xFFFFF086;
	s6 =	sadd.s32 @!p0 s3, s7;
	s7 =	simm.s32 @!p0 $0x108  }
0x21: {  	s3 =	sadd.s32 s3, s9;
	s6 =	sadd.s32 @!p0 $0x88, s6;
	s7 =	simm.s32 @p2 $0x1082  }
0x22: {  	[simem:s7], [sflag:s8] =	dma.local @!p0 [hbm:s6], $0xF7A  }
0x23: {  	s9 =	sor.u32 $0xD0000000, s2;
	s6 =	simm.s32 $0x108;
	_ =	swait.ge @!p0 [sflag:s8], $0x0  }
0x24: {  	s3 =	sadd.s32 $0x88, s3;
	s6 =	simm.s32 @!p1 $0x1082;
	[sflag:s4] =	ssyncset.s32 $0xFFFFF086  }
0x25: {  	[simem:s6], [sflag:s4] =	dma.local [hbm:s3], $0xF7A  }
0x26: {  	[smem:$0x3F93] =	sst s1;
	(tag) =	ssettag s2;
	_ =	strace s9  }
0x27: {  	s1 =	sld [smem:$0x3FA3]  }
0x28: {  	s2 =	sld [smem:$0x3FA4]  }
0x29: {  	s4 =	sld [smem:$0x3FA6]  }
0x2a: {  	p0 =	seq.s32 s5, $0x0;
	s5 =	sld [smem:$0x3FA7]  }
0x2b: {  	s6 =	sld [smem:$0x3FA8]  }
0x2c: {  	s7 =	sld [smem:$0x3FA9]  }
0x2d: {  	s3 =	simm.s32 $0x108;
	s8 =	sld [smem:$0x3FAA]  }
0x2e: {  	s3 =	simm.s32 @!p0 $0x1082;
	s9 =	sld [smem:$0x3FAB]  }
0x2f: {  	lr =	sadd.s32 s0, s3;
	s0 =	sld [smem:$0x3FA2]  }
0x30: {  	s3 =	sld [smem:$0x3FA5]  }
0x31: {  	[smem:$0x3FAE] =	sst s10  }
0x32: {  	s10 =	sld [smem:$0x3FAC];
	_ =	sdelay $0x3  }
0x33: {  	p0 =	seq.s32 s10, $0x1;
	s10 =	sld [smem:$0x3FAE];
	_ =	sdelay $0x3  }
0x34: {  	[smem:$0x3FAE] =	sst s10  }
0x35: {  	s10 =	sld [smem:$0x3FAD];
	_ =	sdelay $0x3  }
0x36: {  	p1 =	seq.s32 s10, $0x1;
	s10 =	sld [smem:$0x3FAE];
	_ =	sdelay $0x3  }
0x37: {  	[smem:$0x3FAE] =	sst s10  }
0x38: {  	s10 =	sld [smem:$0x3FAF]  }
0x39: {  	_ = 	snop;
	(pc) =	sbr.ind lr, $3  }
0x3a: {  	_ = 	snop  }
0x3b: {  	_ = 	snop  }
0x3c: {  	p2 =	seq.s32 s10, $0x1;
	s10 =	sld [smem:$0x3FAE]  }
0x3d: {  	_ =	shalt  }
0x3e: {  	_ =	shalt  }
0x3f: {  	_ =	shalt  }
0x40: {  	_ =	shalt  }
0x41: {  	_ =	shalt  }
0x42: {  	_ =	shalt  }
0x43: {  	_ =	shalt  }
0x44: {  	_ =	shalt  }
0x45: {  	_ =	shalt  }
0x46: {  	_ =	shalt  }
0x47: {  	_ =	shalt  }
0x48: {  	_ =	shalt  }
0x49: {  	_ =	shalt  }
0x4a: {  	_ =	shalt  }
0x4b: {  	_ =	shalt  }
0x4c: {  	_ =	shalt  }
0x4d: {  	_ =	shalt  }
0x4e: {  	_ =	shalt  }
0x4f: {  	_ =	shalt  }
0x50: {  	_ =	shalt  }
0x51: {  	_ =	shalt  }
0x52: {  	_ =	shalt  }
0x53: {  	_ =	shalt  }
0x54: {  	_ =	shalt  }
0x55: {  	_ =	shalt  }
0x56: {  	_ =	shalt  }
0x57: {  	_ =	shalt  }
0x58: {  	_ =	shalt  }
0x59: {  	_ =	shalt  }
0x5a: {  	_ =	shalt  }
0x5b: {  	_ =	shalt  }
0x5c: {  	_ =	shalt  }
0x5d: {  	_ =	shalt  }
0x5e: {  	_ =	shalt  }
0x5f: {  	_ =	shalt  }
0x60: {  	_ =	shalt  }
0x61: {  	_ =	shalt  }
0x62: {  	_ =	shalt  }
0x63: {  	_ =	shalt  }
0x64: {  	_ =	shalt  }
0x65: {  	_ =	shalt  }
0x66: {  	_ =	shalt  }
0x67: {  	_ =	shalt  }
0x68: {  	_ =	shalt  }
0x69: {  	_ =	shalt  }
0x6a: {  	_ =	shalt  }
0x6b: {  	_ =	shalt  }
0x6c: {  	_ =	shalt  }
0x6d: {  	_ =	shalt  }
0x6e: {  	_ =	shalt  }
0x6f: {  	_ =	shalt  }
0x70: {  	_ =	shalt  }
0x71: {  	_ =	shalt  }
0x72: {  	_ =	shalt  }
0x73: {  	_ =	shalt  }
0x74: {  	_ =	shalt  }
0x75: {  	_ =	shalt  }
0x76: {  	_ =	shalt  }
0x77: {  	_ =	shalt  }
0x78: {  	_ =	shalt  }
0x79: {  	_ =	shalt  }
0x7a: {  	_ =	shalt  }
0x7b: {  	_ =	shalt  }
0x7c: {  	_ =	shalt  }
0x7d: {  	_ =	shalt  }
0x7e: {  	_ =	shalt  }
0x7f: {  	_ =	shalt  }
0x80: {  	_ =	shalt  }
0x81: {  	_ =	shalt  }
0x82: {  	_ =	shalt  }
0x83: {  	_ =	shalt  }
0x84: {  	_ =	shalt  }
0x85: {  	_ =	shalt  }
0x86: {  	_ =	shalt  }
0x87: {  	_ =	shalt  }
.Lfunc_end0:
.L_simem_size_0:
called_computation.4_lowered:
.L_overlay_start_0:
0x88: {  	s2 =	sld [smem:$0x3FD9]  }
0x89: {  	s3 =	sld [smem:$0x3FFE];
	_ =	sdelay $0x1  }
0x8a: {  	s1 =	srdreg.scid  }
0x8b: {  	s0 =	sand.u32 $0x1, s1  }
0x8c: {  	s17 =	sshll.u32 s0, $0xA;
	s2 =	sadd.s32 s3, s2  }
0x8d: {  	s2 =	sadd.s32 s2, s17  }
0x8e: {  	[smem:$0x3FBA] =	sst s2  }
0x8f: {  	_ = 	snop  }
0x90: {  	(tm) =	ssettm $0x1  }
0x91: {  	s18 =	sld [smem:$0x3FFB];
	_ =	sdelay $0x3  }
0x92: {  	_ =	strace s18  }
0x93: {  	s2 =	sld [smem:$0x3FFC];
	_ =	sdelay $0x3  }
0x94: {  	_ =	strace s2  }
0x95: {  	s2 =	sld [smem:$0x3FFD];
	_ =	sdelay $0x3  }
0x96: {  	_ =	strace s2  }
0x97: {  	_ =	strace $0x8FFFFFFF  }
0x98: {  	s19 =	sld [smem:$0x3FDB];
	_ =	sdelay $0x1  }
0x99: {  	s20 =	simm.s32 $_scs_section_size  }
0x9a: {  	s4 =	simm.s32 $_size__tile_overlayer_lowered;
	s5 =	simm.s32 $_tile_overlayer_lowered  }
0x9b: {  	s6 =	simm.s32 $0x1BFF;
	s21 =	sshll.u32 s5, $0x1;
	s3 =	sadd.s32 s20, s19  }
0x9c: {  	s22 =	simm.s32 $0x0;
	s4 =	sshll.u32 s4, $0x1;
	s5 =	sadd.s32 s21, s3  }
0x9d: {  	[timem:s22], [sflag:s6] =	dma.local [hbm:s5], s4  }
0x9e: {  	_ =	swait.ge [sflag:s6], s4  }
0x9f: {  	s4 =	ssub.s32 $0x0, s4;
	[sflag:s6] =	ssyncset.done $0x0  }
0xa0: {  	[sflag:s6] =	ssyncadd.s32 s4;
	_ =	sdelay $0x1  }
0xa1: {  	s23 =	simm.s32 $0x1B8B  }
0xa2: {  	_ =	swait.ge [sflag:s23], $0x1  }
0xa3: {  	[sflag:s23] =	ssyncset.done $0x0  }
0xa4: {  	[sflag:s23] =	ssyncadd.s32 $0xFFFFFFFF  }
0xa5: {  	s4 =	sld [smem:$0x0]  }
0xa6: {  	s5 =	sand.u32 $0xFFFFFFFE, s1  }
0xa7: {  	p0 =	sne.s32 s1, s5  }
0xa8: {  	s5 =	sshll.u32 @p0 s5, $0xE  }
0xa9: {  	s5 =	sadd.s32 @p0 $0x11B8D, s5;
	s6 =	sshll.u32 @p0 s4, $0x11  }
0xaa: {  	s5 =	sor.u32 @p0 s6, s5  }
0xab: {  	[sflag:s5] =	ssyncadd.remote.s32 @p0 $0x1;
	_ =	sdelay $0x1  }
0xac: {  	s5 =	simm.s32 @p0 $0x1B8D  }
0xad: {  	_ =	swait.eq @p0 [sflag:s5], $0x1  }
0xae: {  	[sflag:s5] =	ssyncadd.s32 @p0 $0xFFFFFFFF  }
0xaf: {  	s6 =	sshll.u32 @!p0 s1, $0xE  }
0xb0: {  	s6 =	sor.u32 @!p0 $0x4000, s6;
	s5 =	simm.s32 @!p0 $0x1B8D  }
0xb1: {  	s4 =	sshll.u32 @!p0 s4, $0x11;
	s6 =	sadd.s32 @!p0 $0x11B8D, s6;
	_ =	swait.eq @!p0 [sflag:s5], $0x1  }
0xb2: {  	s4 =	sor.u32 @!p0 s4, s6;
	[sflag:s5] =	ssyncadd.s32 @!p0 $0xFFFFFFFF  }
0xb3: {  	s25 =	simm.s32 $0x1B8E;
	s24 =	sld [smem:$0x3FFE];
	[sflag:s4] =	ssyncadd.remote.s32 @!p0 $0x1  }
0xb4: {  	s26 =	simm.s32 $execute0_lowered;
	[smem:$0x3FD2] =	sst s25  }
0xb5: {  	s5 =	sshll.u32 s26, $0x1;
	_ =	strace $0x80000052;
	[dreg:$0x1] =	wrdreg $0xFFFFFFFF  }
0xb6: {  	s28 =	simm.s32 $_size_execute0_lowered;
	s3 =	sadd.s32 s3, s5;
	[dreg:$0x0] =	wrdreg $0x0  }
0xb7: {  	s5 =	sshll.u32 s28, $0x1;
	[dreg:$0x2] =	wrdreg s3  }
0xb8: {  	[dreg:$0x3] =	wrdreg s5  }
0xb9: {  	[dreg:$0x4] =	wrdreg $0xC0  }
0xba: {  	_ =	task [dreg:s22], $0x5FFFF  }
0xbb: {  	[dreg:$0x1] =	wrdreg $0xFFFFFFFF  }
0xbc: {  	[dreg:$0x0] =	wrdreg $0x60  }
0xbd: {  	[dreg:$0x2] =	wrdreg s24  }
0xbe: {  	[dreg:$0x3] =	wrdreg $0x40800  }
0xbf: {  	[dreg:$0x4] =	wrdreg $0xA  }
0xc0: {  	_ =	task.clear_ibuf [dreg:s22], $0x5FFFF;
	_ =	strace $0x90000052  }
0xc1: {  	s29 =	simm.s32 $0xA;
	_ =	strace $0x80000054  }
0xc2: {  	_ =	swait.ge [sflag:s29], $0x1  }
0xc3: {  	[sflag:s29] =	ssyncadd.s32 $0xFFFFFFFF  }
0xc4: {  	_ =	strace $0x90000054  }
0xc5: {  	_ =	sfence  }
0xc6: {  	s30 =	sld [smem:$0x0];
	_ =	sdelay $0x2  }
0xc7: {  	s31 =	sshll.u32 s1, $0xD;
	s1 =	sshrl.u32 s1, $0x2  }
0xc8: {  	s4 =	sand.u32 $0x4000, s31;
	s1 =	sadd.s32 s1, s30  }
0xc9: {  	s0 =	sor.u32 s4, s0;
	s1 =	sshll.u32 s1, $0x11  }
0xca: {  	s0 =	sor.u32 s1, s0  }
0xcb: {  	s0 =	sadd.s32 $0x8F2B, s0  }
0xcc: {  	[sflag:s0] =	ssyncadd.remote.s32 $0x1  }
0xcd: {  	_ =	sfence.sel $0xFFFF  }
0xce: {  	[dreg:$0x0] =	wrdreg $0xFFFFFFFF;
	(pc) =	sbr.abs _section_cstart, $3  }
0xcf: {  	[dreg:$0x1] =	wrdreg $0xFFFFFFFF  }
0xd0: {  	_ =	task.clear_ibuf [dreg:s22], $0x2FFFF;
	_ =	strace $0x9FFFFFFF  }
0xd1: {  	(tm) =	ssettm $0x7FFFFFFF  }
tec
execute0_lowered:
.L_overlay_start_1:
0x0: {  	(tag) =	ssettag $0x1  }
0x1: {  	s4 =	rddreg [dreg:$0x0]  }
0x2: {  	s1 =	rddreg [dreg:$0x1]  }
0x3: {  	s0 =	rddreg [dreg:$0x2]  }
0x4: {  	s2 =	simm.s32 $0x0;
	s3 =	srdreg.scid;
	s7 =	stileid.u32  }
0x5: {  	[smem:$0x7FF] =	sst s2;
	s8 =	sand.u32 $0x1, s3;
	s3 =	sadd.s32 $0xD000, s4  }
0x6: {  	s5 =	sshll.u32 s7, $0xC;
	s26 =	sshll.u32 s7, $0x5;
	p0 =	sne.s32 s7, $0x0  }
0x7: {  	_ =	strace $0x80000053;
	s6 =	smul.u32 $0x28000, s8;
	s9 =	sadd.s32 s5, s4  }
0x8: {  	s10 =	ssub.s32 $0x2, s8;
	s31 =	sshll.u32 s8, $0x4;
	s8 =	sshll.u32 s8, $0xB  }
0x9: {  	s11 =	sadd.s32 s26, s4;
	s29 =	sshrl.u32 s10, $0x1;
	s8 =	sadd.s32 s8, s9  }
0xa: {  	s9 =	sshrl.u32 @!p0 s1, $0x3;
	s28 =	sadd.s32 s6, s4;
	s30 =	ssub.s32 s10, s29  }
0xb: {  	s4 =	sshll.u32 s7, $0x1;
	s10 =	sadd.s32 s31, s11;
	s8 =	sadd.s32 $0xA71000, s8  }
0xc: {  	s5 =	sadd.s32 $0x85000, s28;
	s6 =	smax.u32 s30, $0x1;
	s7 =	sadd.s32 $0x8000, s10  }
.LBB2_1:
0xd: {  	s10 =	simm.s32 @!p0 $0x1C02  }
0xe: {  	[spmem:s9], [sflag:s10] =	dma.local @!p0 [hbm:s3], $0x28000  }
0xf: {  	s10 =	simm.s32 @!p0 $0x2  }
0x10: {  	_ =	swait.ge @!p0 [sflag:s10], $0x28000  }
0x11: {  	s11 =	sadd.s32 $0x0, s4;
	[sflag:s10] =	ssyncset.done @!p0 $0x0  }
0x12: {  	p1 =	sgt.u32 s11, $0x4E1;
	[sflag:s10] =	ssyncadd.s32 @!p0 $0xFFFD8000  }
0x13: {  	s11 =	simm.s32 @!p1 $0x0;
	s12 =	simm.s32 @!p1 $0x80;
	[bflag:$0x0] =	sbarrier.arrive $0xFFFF  }
0x14: {  	[tilespmem:s12], [sflag:$0x1] =	stream.linear.gather @!p1 [hbm4b:s8+s11], $0x4000, $0x38;
	[tilespmem:$0x18080] =	vst v63  }
0x15: {  	s10 =	simm.s32 @!p1 $0x3  }
0x16: {  	[tilespmem:s11], [sflag:$0x3] =	stream.linear.gather @!p1 [hbm4b:s7+s11], $0x80, $0x38;
	[tilespmem:$0x18080] =	vst v63  }
0x17: {  	_ =	swait.ge @!p1 [sflag:s10], $0x80;
	p1 =	por p1, p1  }
0x18: {  	[sflag:s10] =	ssyncset.done @!p1 $0x0  }
0x19: {  	s13 =	simm.s32 @!p1 $0x1;
	[sflag:s10] =	ssyncadd.s32 @!p1 $0xFFFFFF80  }
0x1a: {  	_ =	swait.ge @!p1 [sflag:s13], $0x4000  }
0x1b: {  	[sflag:s13] =	ssyncset.done @!p1 $0x0  }
0x1c: {  	s31 =	sadd.s32 $0x20, s4;
	[sflag:s13] =	ssyncadd.s32 @!p1 $0xFFFFC000;
	s13 =	simm.s32 @!p1 $0x2  }
0x1d: {  	[spmem:s1] =	stream.indirect.scatter.add.f32 @!p1 [tilespmem:s12], [sflag:$0x2], $0x80, s11, s12, $0xb8;
	[tilespmem:$0x18080] =	vst v63  }
0x1e: {  	p2 =	sgt.u32 s31, $0x4E1;
	s10 =	simm.s32 $0x40;
	_ =	swait.ge @!p1 [sflag:s13], $0x4000  }
0x1f: {  	s11 =	sadd.s32 $0x10000, s8;
	s12 =	sadd.s32 $0x200, s7;
	[sflag:s13] =	ssyncset.done @!p1 $0x0  }
.LBB2_2:
0x20: {  	s14 =	simm.s32 @!p2 $0x0;
	s15 =	simm.s32 @!p2 $0x80;
	[sflag:s13] =	ssyncadd.s32 @!p1 $0xFFFFC000  }
0x21: {  	[tilespmem:s15], [sflag:$0x1] =	stream.linear.gather @!p2 [hbm4b:s11+s14], $0x4000, $0x38;
	[tilespmem:$0x18080] =	vst v63  }
0x22: {  	s13 =	simm.s32 @!p2 $0x3;
	s16 =	smov.u32 s10;
	s10 =	sadd.s32 $0x20, s10  }
0x23: {  	[tilespmem:s14], [sflag:$0x3] =	stream.linear.gather @!p2 [hbm4b:s12+s14], $0x80, $0x38;
	[tilespmem:$0x18080] =	vst v63  }
0x24: {  	p1 =	por p2, p2;
	p3 =	sne.s32 s10, $0x500;
	_ =	swait.ge @!p2 [sflag:s13], $0x80  }
0x25: {  	[sflag:s13] =	ssyncset.done @!p1 $0x0  }
0x26: {  	[sflag:s13] =	ssyncadd.s32 @!p1 $0xFFFFFF80;
	s13 =	simm.s32 @!p1 $0x1  }
0x27: {  	_ =	swait.ge @!p1 [sflag:s13], $0x4000  }
.Ltmp0:
0x28: {  	[sflag:s13] =	ssyncset.done @!p1 $0x0;
	(pc) =	sbr.rel @p3 .LBB2_2-.Ltmp0, $4  }
0x29: {  	[sflag:s13] =	ssyncadd.s32 @!p1 $0xFFFFC000;
	s13 =	simm.s32 @!p1 $0x2  }
0x2a: {  	[spmem:s1] =	stream.indirect.scatter.add.f32 @!p1 [tilespmem:s15], [sflag:$0x2], $0x80, s14, s15, $0xb8;
	[tilespmem:$0x18080] =	vst v63  }
0x2b: {  	s11 =	sadd.s32 $0x10000, s11;
	s14 =	sadd.s32 s16, s4;
	_ =	swait.ge @!p1 [sflag:s13], $0x4000  }
0x2c: {  	s12 =	sadd.s32 $0x200, s12;
	p2 =	sgt.u32 s14, $0x4E1;
	[sflag:s13] =	ssyncset.done @!p1 $0x0  }
0x2d: {  	s10 =	simm.s32 @!p2 $0x0;
	s14 =	simm.s32 @!p2 $0x80;
	[sflag:s13] =	ssyncadd.s32 @!p1 $0xFFFFC000  }
0x2e: {  	[tilespmem:s14], [sflag:$0x1] =	stream.linear.gather @!p2 [hbm4b:s11+s10], $0x4000, $0x38;
	[tilespmem:$0x18080] =	vst v63  }
0x2f: {  	s11 =	simm.s32 @!p2 $0x3  }
0x30: {  	[tilespmem:s10], [sflag:$0x3] =	stream.linear.gather @!p2 [hbm4b:s12+s10], $0x80, $0x38;
	[tilespmem:$0x18080] =	vst v63  }
0x31: {  	p1 =	por p2, p2;
	_ =	swait.ge @!p2 [sflag:s11], $0x80  }
0x32: {  	[sflag:s11] =	ssyncset.done @!p1 $0x0  }
0x33: {  	[sflag:s11] =	ssyncadd.s32 @!p1 $0xFFFFFF80;
	s11 =	simm.s32 @!p1 $0x1  }
0x34: {  	_ =	swait.ge @!p1 [sflag:s11], $0x4000  }
0x35: {  	[sflag:s11] =	ssyncset.done @!p1 $0x0  }
0x36: {  	[sflag:s11] =	ssyncadd.s32 @!p1 $0xFFFFC000;
	s11 =	simm.s32 @!p1 $0x2  }
0x37: {  	[spmem:s1] =	stream.indirect.scatter.add.f32 @!p1 [tilespmem:s14], [sflag:$0x2], $0x80, s10, s14, $0xb8;
	[tilespmem:$0x18080] =	vst v63  }
0x38: {  	_ =	swait.ge @!p1 [sflag:s11], $0x4000  }
0x39: {  	[sflag:s11] =	ssyncset.done @!p1 $0x0  }
0x3a: {  	s2 =	sadd.s32 $0x1, s2;
	[sflag:s11] =	ssyncadd.s32 @!p1 $0xFFFFC000  }
0x3b: {  	s10 =	simm.s32 @!p0 $0x1C02;
	p1 =	sne.s32 s2, s6;
	[bflag:$0x0] =	sbarrier.arrive $0xFFFF  }
0x3c: {  	[hbm:s5], [sflag:s10] =	dma.local @!p0 [spmem:s9], $0x28000  }
.Ltmp1:
0x3d: {  	_ = 	snop;
	(pc) =	sbr.rel @p1 .LBB2_1-.Ltmp1, $4  }
0x3e: {  	s10 =	simm.s32 @!p0 $0x2  }
0x3f: {  	_ =	swait.ge @!p0 [sflag:s10], $0x28000  }
0x40: {  	[sflag:s10] =	ssyncset.done @!p0 $0x0  }
0x41: {  	[sflag:s10] =	ssyncadd.s32 @!p0 $0xFFFD8000  }
0x42: {  	_ =	sfence.sel $0x180000  }
0x43: {  	[bflag:$0x0] =	sbarrier.arrive $0xFFFF  }
0x44: {  	_ =	strace $0x90000053  }
0x45: {  	s0 =	sadd.s32 @!p0 $0x100000, s0;
	[bflag:$0x2] =	sbarrier.arrive $0xFFFF  }
0x46: {  	[sflag:s0] =	ssyncadd.tile.s32 @!p0 $0x1;
	_ =	shalt  }
.Lfunc_end2:
_tile_overlayer_lowered:
.L_overlay_start_2:
0x47: {  	(tag) =	ssettag $0x2  }
0x48: {  	s0 =	rddreg [dreg:$0x0];
	s2 =	stileid.u32  }
0x49: {  	s1 =	rddreg [dreg:$0x1];
	p0 =	sne.s32 s2, $0x0  }
0x4a: {  	s3 =	rddreg [dreg:$0x2];
	[bflag:$0x3] =	sbarrier.arrive $0xFFFF;
	s2 =	simm.s32 @!p0 $0x1C02  }
0x4b: {  	[timem:s3], [sflag:s2] =	dma.local @!p0 [hbm:s0], s1  }
0x4c: {  	s0 =	simm.s32 @!p0 $0x2  }
0x4d: {  	_ =	swait.ge @!p0 [sflag:s0], s1  }
0x4e: {  	s1 =	ssub.s32 @!p0 $0x0, s1;
	[sflag:s0] =	ssyncset.done @!p0 $0x0  }
0x4f: {  	[sflag:s0] =	ssyncadd.s32 @!p0 s1  }
0x50: {  	[bflag:$0x3] =	sbarrier.arrive $0xFFFF  }
0x51: {  	_ =	shalt  }

</sc_bundles>
